<compile_context>
chip_gen: v7x
topology: tpu7x:2x2x1
jax: 0.10.2.dev20260603
libtpu: 0.0.44.dev20260713+nightly
codegen_flags: <defaults>
</compile_context>

<pallas_src>
import functools

import jax
import jax.numpy as jnp
from jax import lax
from jax.experimental import pallas as pl
from jax.experimental.pallas import tpu as pltpu
from jax.experimental.pallas import tpu_sc as plsc

L = 16
NW = 32
NCH = 4


def _sc_partials(C, HW, K, table, indf, maskf, tgtt):
    P = (indf.shape[0]) // NW
    G = P // L
    NIDX = P * C
    RPG = (L * C) // 128
    BPW = P // K
    KB = K.bit_length() - 1
    GPC = G // NCH

    mesh = plsc.VectorSubcoreMesh(core_axis_name="c", subcore_axis_name="s")

    @functools.partial(
        pl.kernel,
        compiler_params=pltpu.CompilerParams(needs_layout_passes=False),
        out_type=jax.ShapeDtypeStruct((NW, 2 * L), jnp.float32),
        mesh=mesh,
        scratch_types=[
            pltpu.VMEM((P,), jnp.int32),
            pltpu.VMEM((P,), jnp.float32),
            pltpu.VMEM((P * C,), jnp.float32),
            pltpu.VMEM((G * RPG, 128), jnp.int32),
            pltpu.VMEM((NIDX,), jnp.float32),
            pltpu.VMEM((2 * L,), jnp.float32),
            pltpu.SemaphoreType.DMA,
            pltpu.SemaphoreType.DMA,
            pltpu.SemaphoreType.DMA,
            [pltpu.SemaphoreType.DMA] * NCH,
        ],
    )
    def k(table_h, ind_h, mask_h, tgt_h, out_h,
          ind_v, mask_v, tgt_v, idx_v, pbuf, acc_v, sem_in, sem_h, sem_t,
          gsems):
        nc = 2
        wid = lax.axis_index("s") * nc + lax.axis_index("c")
        base = wid * P
        HG = GPC
        cp_h = pltpu.async_copy(
            ind_h.at[pl.ds(base, HG * L)], ind_v.at[pl.ds(0, HG * L)], sem_h)
        cp_r = pltpu.async_copy(
            ind_h.at[pl.ds(base + HG * L, P - HG * L)],
            ind_v.at[pl.ds(HG * L, P - HG * L)], sem_t)
        cp_t = pltpu.async_copy(
            tgt_h.at[pl.ds(base * C, P * C)], tgt_v, sem_in)
        cp_m = pltpu.async_copy(mask_h.at[pl.ds(base, P)], mask_v, sem_in)
        cp_h.wait()

        iota = lax.iota(jnp.int32, L)

        for ch in range(NCH):
            if ch == 1:
                cp_r.wait()

            def bbody(g, _, _sem=gsems[ch]):
                ind_vec = ind_v[pl.ds(g * L, L)]
                pair_vec = base + g * L + iota
                rowb = (pair_vec >> KB) * (C * HW) + ind_vec
                for c in range(C):
                    row = g * RPG + (c * L) // 128
                    idx_v[row, pl.ds((c * L) % 128, L)] = rowb + c * HW
                for r in range(RPG):
                    row = g * RPG + r
                    pltpu.async_copy(
                        table_h.at[idx_v.at[row]],
                        pbuf.at[pl.ds(row * 128, 128)], _sem)
                return 0

            lax.fori_loop(ch * GPC, (ch + 1) * GPC, bbody, 0)

        cp_t.wait()
        cp_m.wait()

        acc = jnp.zeros((L,), jnp.float32)
        macc = jnp.zeros((L,), jnp.float32)
        for ch in range(NCH):
            for g in range(ch * GPC, (ch + 1) * GPC):
                for r in range(RPG):
                    row = g * RPG + r
                    pltpu.make_async_copy(
                        table_h.at[idx_v.at[row]],
                        pbuf.at[pl.ds(row * 128, 128)], gsems[ch]).wait()

            def cbody(g, carry):
                acc0, macc0 = carry
                mask_vec = mask_v[pl.ds(g * L, L)]
                gpb = g // (G // BPW)
                gk = g % (G // BPW)
                pb = g * (L * C)
                tb = gpb * (C * K) + gk * L

                def ccbody(c, a):
                    pred = pbuf[pl.ds(pb + c * L, L)]
                    tgt = tgt_v[pl.ds(tb + c * K, L)]
                    d = jnp.abs(pred - tgt)
                    elem = jnp.where(d < 1.0, 0.5 * d * d, d - 0.5)
                    return a + elem * mask_vec

                acc0 = lax.fori_loop(0, C, ccbody, acc0)
                return acc0, macc0 + mask_vec

            acc, macc = lax.fori_loop(
                ch * GPC, (ch + 1) * GPC, cbody, (acc, macc))

        acc_v[pl.ds(0, L)] = acc
        acc_v[pl.ds(L, L)] = macc
        pltpu.sync_copy(acc_v, out_h.at[wid])

    return k(table, indf, maskf, tgtt)


def _combine(C, part_ref, o_ref):
    s = jnp.sum(part_ref[:, :16])
    m = jnp.sum(part_ref[:, 16:]) * C
    o_ref[...] = jnp.broadcast_to(s / m, (1, 1))


def kernel(output, mask, ind, target):
    B, C, H, W = output.shape
    K = ind.shape[1]
    table = output.reshape(-1)
    indf = ind.reshape(-1)
    maskf = mask.reshape(-1)
    tgtt = jnp.transpose(target, (0, 2, 1)).reshape(-1)
    parts = _sc_partials(C, H * W, K, table, indf, maskf, tgtt)
    out = pl.pallas_call(
        functools.partial(_combine, float(C)),
        out_shape=jax.ShapeDtypeStruct((1, 1), jnp.float32),
    )(parts)
    return out[0, 0]

# --- scband reference (transcript-rebuilt; emitter-appended) ---
"""Pipeline reference for scband-off-smooth-l1-loss-8323646620567 (READ-ONLY COPY).

The authoritative reference and input builder live on the scoring server;
editing this copy changes nothing except your own understanding.
"""

import jax, jax.numpy as jnp
import numpy as np


def setup_inputs(seed: int = 0) -> dict:
    key = jax.random.key(seed)
    k1, k2, k3 = jax.random.split(key, 3)
    B, C, H, W, K = 64, 16, 128, 128, 128
    output = jax.random.normal(k1, (B, C, H, W), dtype=jnp.float32)
    mask = jnp.ones((B, K), dtype=jnp.float32)
    ind = jax.random.randint(k2, (B, K), 0, H * W, dtype=jnp.int32)
    target = jax.random.normal(k3, (B, K, C), dtype=jnp.float32) * 0.1
    return {"output": output, "mask": mask, "ind": ind, "target": target}


def reference(output, mask, ind, target):
    # _tranpose_and_gather_feat: permute(0,2,3,1) -> view(B, H*W, C) -> gather along dim 1
    B, C, H, W = output.shape
    K = ind.shape[1]
    feat = jnp.transpose(output, (0, 2, 3, 1)).reshape(B, H * W, C)
    idx = jnp.broadcast_to(ind[:, :, None], (B, K, C))
    pred = jnp.take_along_axis(feat, idx, axis=1)  # [B, K, C]
    # mask.unsqueeze(2).expand_as(pred); masked smooth_l1 with mean reduction.
    # Since mask is 0/1, mean over masked_select == weighted mean.
    m = jnp.broadcast_to(mask[:, :, None], pred.shape)
    d = jnp.abs(pred - target)
    elem = jnp.where(d < 1.0, 0.5 * d * d, d - 0.5)  # smooth_l1 with beta=1
    loss = jnp.sum(elem * m) / jnp.sum(m)
    return loss

if __name__ == "__main__":
    import jax
    _d = setup_inputs()
    print(jax.jit(kernel)(*tuple(_d.values())))

</pallas_src>

<mosaic_0001>
#map = affine_map<(d0, d1) -> (0)>
#map1 = affine_map<(d0, d1) -> (0, 0)>
module attributes {stable_mosaic.version = 14 : i64} {
  func.func @k(%arg0: i32, %arg1: i32, %arg2: memref<16777216xf32, #tpu.memory_space<hbm>>, %arg3: memref<8192xi32, #tpu.memory_space<hbm>>, %arg4: memref<8192xf32, #tpu.memory_space<hbm>>, %arg5: memref<131072xf32, #tpu.memory_space<hbm>>, %arg6: memref<32x32xf32, #tpu.memory_space<hbm>>, %arg7: memref<256xi32, #tpu.memory_space<vmem>>, %arg8: memref<256xf32, #tpu.memory_space<vmem>>, %arg9: memref<4096xf32, #tpu.memory_space<vmem>>, %arg10: memref<32x128xi32, #tpu.memory_space<vmem>>, %arg11: memref<4096xf32, #tpu.memory_space<vmem>>, %arg12: memref<32xf32, #tpu.memory_space<vmem>>, %arg13: memref<!tpu.dma_semaphore, #tpu.memory_space<semaphore_mem>>, %arg14: memref<!tpu.dma_semaphore, #tpu.memory_space<semaphore_mem>>, %arg15: memref<!tpu.dma_semaphore, #tpu.memory_space<semaphore_mem>>, %arg16: memref<!tpu.dma_semaphore, #tpu.memory_space<semaphore_mem>>, %arg17: memref<!tpu.dma_semaphore, #tpu.memory_space<semaphore_mem>>, %arg18: memref<!tpu.dma_semaphore, #tpu.memory_space<semaphore_mem>>, %arg19: memref<!tpu.dma_semaphore, #tpu.memory_space<semaphore_mem>>) attributes {dimension_semantics = [#tpu.dimension_semantics<core_parallel>, #tpu.dimension_semantics<subcore_parallel>], iteration_bounds = array<i64: 2, 16>, scalar_prefetch = 0 : i64, scratch_operands = 13 : i64, tpu.core_type = #tpu.core_type<sc_vector_subcore>, window_params = [{transform_indices = #map}, {transform_indices = #map}, {transform_indices = #map}, {transform_indices = #map}, {transform_indices = #map1}]} {
    %mul3A = arith.constant 2 : i32
    %mul3A_0 = arith.muli %arg1, %mul3A : i32
    %add3A = arith.addi %mul3A_0, %arg0 : i32
    %mul3A_1 = arith.constant 256 : i32
    %mul3A_2 = arith.muli %add3A, %mul3A_1 : i32
    %dma_start3A = arith.constant 0 : i32
    %dma_start3A_3 = tpu.memref_slice %arg7[%dma_start3A] : memref<256xi32, #tpu.memory_space<vmem>> -> memref<64xi32, #tpu.memory_space<vmem>>
    %dma_start3A_4 = tpu.memref_slice %arg3[%mul3A_2] : memref<8192xi32, #tpu.memory_space<hbm>> -> memref<64xi32, #tpu.memory_space<hbm>>
    %dma_start3A_5 = arith.constant 0 : i32
    %dma_start3A_6 = tpu.memref_slice %arg7[%dma_start3A_5] : memref<256xi32, #tpu.memory_space<vmem>> -> memref<64xi32, #tpu.memory_space<vmem>>
    %dma_start3A_7 = tpu.memref_slice %arg3[%mul3A_2] : memref<8192xi32, #tpu.memory_space<hbm>> -> memref<64xi32, #tpu.memory_space<hbm>>
    tpu.enqueue_dma source(%dma_start3A_7 : memref<64xi32, #tpu.memory_space<hbm>>) target(%dma_start3A_6 : memref<64xi32, #tpu.memory_space<vmem>>) target_semaphore(%arg14 : memref<!tpu.dma_semaphore, #tpu.memory_space<semaphore_mem>>)
    %add3A_8 = arith.constant 64 : i32
    %add3A_9 = arith.addi %mul3A_2, %add3A_8 : i32
    %dma_start3A_10 = arith.constant 64 : i32
    %dma_start3A_11 = tpu.memref_slice %arg7[%dma_start3A_10] : memref<256xi32, #tpu.memory_space<vmem>> -> memref<192xi32, #tpu.memory_space<vmem>>
    %dma_start3A_12 = tpu.memref_slice %arg3[%add3A_9] : memref<8192xi32, #tpu.memory_space<hbm>> -> memref<192xi32, #tpu.memory_space<hbm>>
    %dma_start3A_13 = arith.constant 64 : i32
    %dma_start3A_14 = tpu.memref_slice %arg7[%dma_start3A_13] : memref<256xi32, #tpu.memory_space<vmem>> -> memref<192xi32, #tpu.memory_space<vmem>>
    %dma_start3A_15 = tpu.memref_slice %arg3[%add3A_9] : memref<8192xi32, #tpu.memory_space<hbm>> -> memref<192xi32, #tpu.memory_space<hbm>>
    tpu.enqueue_dma source(%dma_start3A_15 : memref<192xi32, #tpu.memory_space<hbm>>) target(%dma_start3A_14 : memref<192xi32, #tpu.memory_space<vmem>>) target_semaphore(%arg15 : memref<!tpu.dma_semaphore, #tpu.memory_space<semaphore_mem>>)
    %mul3A_16 = arith.constant 16 : i32
    %mul3A_17 = arith.muli %mul3A_2, %mul3A_16 : i32
    %dma_start3A_18 = tpu.memref_slice %arg5[%mul3A_17] : memref<131072xf32, #tpu.memory_space<hbm>> -> memref<4096xf32, #tpu.memory_space<hbm>>
    %dma_start3A_19 = tpu.memref_slice %arg5[%mul3A_17] : memref<131072xf32, #tpu.memory_space<hbm>> -> memref<4096xf32, #tpu.memory_space<hbm>>
    tpu.enqueue_dma source(%dma_start3A_19 : memref<4096xf32, #tpu.memory_space<hbm>>) target(%arg9 : memref<4096xf32, #tpu.memory_space<vmem>>) target_semaphore(%arg13 : memref<!tpu.dma_semaphore, #tpu.memory_space<semaphore_mem>>)
    %dma_start3A_20 = tpu.memref_slice %arg4[%mul3A_2] : memref<8192xf32, #tpu.memory_space<hbm>> -> memref<256xf32, #tpu.memory_space<hbm>>
    %dma_start3A_21 = tpu.memref_slice %arg4[%mul3A_2] : memref<8192xf32, #tpu.memory_space<hbm>> -> memref<256xf32, #tpu.memory_space<hbm>>
    tpu.enqueue_dma source(%dma_start3A_21 : memref<256xf32, #tpu.memory_space<hbm>>) target(%arg8 : memref<256xf32, #tpu.memory_space<vmem>>) target_semaphore(%arg13 : memref<!tpu.dma_semaphore, #tpu.memory_space<semaphore_mem>>)
    %dma_wait3A = arith.constant 0 : i32
    %dma_wait3A_22 = tpu.memref_slice %arg7[%dma_wait3A] : memref<256xi32, #tpu.memory_space<vmem>> -> memref<64xi32, #tpu.memory_space<vmem>>
    %dma_wait3A_23 = tpu.memref_slice %arg3[%mul3A_2] : memref<8192xi32, #tpu.memory_space<hbm>> -> memref<64xi32, #tpu.memory_space<hbm>>
    %dma_wait3A_24 = arith.constant 0 : i32
    %dma_wait3A_25 = tpu.memref_slice %arg7[%dma_wait3A_24] : memref<256xi32, #tpu.memory_space<vmem>> -> memref<64xi32, #tpu.memory_space<vmem>>
    %dma_wait3A_26 = tpu.memref_slice %arg3[%mul3A_2] : memref<8192xi32, #tpu.memory_space<hbm>> -> memref<64xi32, #tpu.memory_space<hbm>>
    tpu.wait_dma2 semaphore(%arg14 : memref<!tpu.dma_semaphore, #tpu.memory_space<semaphore_mem>>) src(%dma_wait3A_26 : memref<64xi32, #tpu.memory_space<hbm>>) dst(%dma_wait3A_25 : memref<64xi32, #tpu.memory_space<vmem>>)
    %iota3A = tpu.iota {dimensions = array<i32: 0>} : vector<16xi32>
    %scan3A = arith.constant 0 : i32
    %scan3A_27 = arith.constant 0 : i32
    %scan3A_28 = arith.constant 4 : i32
    %scan3A_29 = arith.addi %scan3A_27, %scan3A_28 : i32
    %scan3A_30 = arith.constant 1 : i32
    %scan3A_31 = scf.for %scan3A_350 = %scan3A_27 to %scan3A_29 step %scan3A_30 iter_args(%scan3A_351 = %scan3A) -> (i32)  : i32 {
      %mul3A_352 = arith.constant 16 : i32
      %mul3A_353 = arith.muli %scan3A_350, %mul3A_352 : i32
      %get3A = arith.index_cast %mul3A_353 : i32 to index
      %get3A_354 = tpu.vector_load %arg7[%get3A] {strides = array<i32>} : memref<256xi32, #tpu.memory_space<vmem>>, vector<16xi32>,
      %mul3A_355 = arith.constant 16 : i32
      %mul3A_356 = arith.muli %scan3A_350, %mul3A_355 : i32
      %add3A_357 = arith.addi %mul3A_2, %mul3A_356 : i32
      %add3A_358 = vector.broadcast %add3A_357 : i32 to vector<16xi32>
      %add3A_359 = arith.addi %add3A_358, %iota3A : vector<16xi32>
      %shift_right_arithmetic3A = arith.constant 7 : i32
      %shift_right_arithmetic3A_360 = vector.broadcast %shift_right_arithmetic3A : i32 to vector<16xi32>
      %shift_right_arithmetic3A_361 = arith.shrsi %add3A_359, %shift_right_arithmetic3A_360 : vector<16xi32>
      %mul3A_362 = arith.constant 262144 : i32
      %mul3A_363 = vector.broadcast %mul3A_362 : i32 to vector<16xi32>
      %mul3A_364 = arith.muli %shift_right_arithmetic3A_361, %mul3A_363 : vector<16xi32>
      %add3A_365 = arith.addi %mul3A_364, %get3A_354 : vector<16xi32>
      %mul3A_366 = arith.constant 2 : i32
      %mul3A_367 = arith.muli %scan3A_350, %mul3A_366 : i32
      %add3A_368 = arith.constant 0 : i32
      %add3A_369 = arith.addi %mul3A_367, %add3A_368 : i32
      %add3A_370 = arith.constant 0 : i32
      %add3A_371 = vector.broadcast %add3A_370 : i32 to vector<16xi32>
      %add3A_372 = arith.addi %add3A_365, %add3A_371 : vector<16xi32>
      %swap3A_373 = arith.index_cast %add3A_369 : i32 to index
      %swap3A_374 = arith.constant 0 : index
      %swap3A_375 = tpu.vector_load %arg10[%swap3A_373, %swap3A_374] {strides = array<i32>} : memref<32x128xi32, #tpu.memory_space<vmem>>, vector<16xi32>,
      tpu.vector_store %arg10[%swap3A_373, %swap3A_374], %add3A_372 {strides = array<i32>} : memref<32x128xi32, #tpu.memory_space<vmem>>, vector<16xi32>,
      %mul3A_376 = arith.constant 2 : i32
      %mul3A_377 = arith.muli %scan3A_350, %mul3A_376 : i32
      %add3A_378 = arith.constant 0 : i32
      %add3A_379 = arith.addi %mul3A_377, %add3A_378 : i32
      %add3A_380 = arith.constant 16384 : i32
      %add3A_381 = vector.broadcast %add3A_380 : i32 to vector<16xi32>
      %add3A_382 = arith.addi %add3A_365, %add3A_381 : vector<16xi32>
      %swap3A_383 = arith.index_cast %add3A_379 : i32 to index
      %swap3A_384 = arith.constant 16 : index
      %swap3A_385 = tpu.vector_load %arg10[%swap3A_383, %swap3A_384] {strides = array<i32>} : memref<32x128xi32, #tpu.memory_space<vmem>>, vector<16xi32>,
      tpu.vector_store %arg10[%swap3A_383, %swap3A_384], %add3A_382 {strides = array<i32>} : memref<32x128xi32, #tpu.memory_space<vmem>>, vector<16xi32>,
      %mul3A_386 = arith.constant 2 : i32
      %mul3A_387 = arith.muli %scan3A_350, %mul3A_386 : i32
      %add3A_388 = arith.constant 0 : i32
      %add3A_389 = arith.addi %mul3A_387, %add3A_388 : i32
      %add3A_390 = arith.constant 32768 : i32
      %add3A_391 = vector.broadcast %add3A_390 : i32 to vector<16xi32>
      %add3A_392 = arith.addi %add3A_365, %add3A_391 : vector<16xi32>
      %swap3A_393 = arith.index_cast %add3A_389 : i32 to index
      %swap3A_394 = arith.constant 32 : index
      %swap3A_395 = tpu.vector_load %arg10[%swap3A_393, %swap3A_394] {strides = array<i32>} : memref<32x128xi32, #tpu.memory_space<vmem>>, vector<16xi32>,
      tpu.vector_store %arg10[%swap3A_393, %swap3A_394], %add3A_392 {strides = array<i32>} : memref<32x128xi32, #tpu.memory_space<vmem>>, vector<16xi32>,
      %mul3A_396 = arith.constant 2 : i32
      %mul3A_397 = arith.muli %scan3A_350, %mul3A_396 : i32
      %add3A_398 = arith.constant 0 : i32
      %add3A_399 = arith.addi %mul3A_397, %add3A_398 : i32
      %add3A_400 = arith.constant 49152 : i32
      %add3A_401 = vector.broadcast %add3A_400 : i32 to vector<16xi32>
      %add3A_402 = arith.addi %add3A_365, %add3A_401 : vector<16xi32>
      %swap3A_403 = arith.index_cast %add3A_399 : i32 to index
      %swap3A_404 = arith.constant 48 : index
      %swap3A_405 = tpu.vector_load %arg10[%swap3A_403, %swap3A_404] {strides = array<i32>} : memref<32x128xi32, #tpu.memory_space<vmem>>, vector<16xi32>,
      tpu.vector_store %arg10[%swap3A_403, %swap3A_404], %add3A_402 {strides = array<i32>} : memref<32x128xi32, #tpu.memory_space<vmem>>, vector<16xi32>,
      %mul3A_406 = arith.constant 2 : i32
      %mul3A_407 = arith.muli %scan3A_350, %mul3A_406 : i32
      %add3A_408 = arith.constant 0 : i32
      %add3A_409 = arith.addi %mul3A_407, %add3A_408 : i32
      %add3A_410 = arith.constant 65536 : i32
      %add3A_411 = vector.broadcast %add3A_410 : i32 to vector<16xi32>
      %add3A_412 = arith.addi %add3A_365, %add3A_411 : vector<16xi32>
      %swap3A_413 = arith.index_cast %add3A_409 : i32 to index
      %swap3A_414 = arith.constant 64 : index
      %swap3A_415 = tpu.vector_load %arg10[%swap3A_413, %swap3A_414] {strides = array<i32>} : memref<32x128xi32, #tpu.memory_space<vmem>>, vector<16xi32>,
      tpu.vector_store %arg10[%swap3A_413, %swap3A_414], %add3A_412 {strides = array<i32>} : memref<32x128xi32, #tpu.memory_space<vmem>>, vector<16xi32>,
      %mul3A_416 = arith.constant 2 : i32
      %mul3A_417 = arith.muli %scan3A_350, %mul3A_416 : i32
      %add3A_418 = arith.constant 0 : i32
      %add3A_419 = arith.addi %mul3A_417, %add3A_418 : i32
      %add3A_420 = arith.constant 81920 : i32
      %add3A_421 = vector.broadcast %add3A_420 : i32 to vector<16xi32>
      %add3A_422 = arith.addi %add3A_365, %add3A_421 : vector<16xi32>
      %swap3A_423 = arith.index_cast %add3A_419 : i32 to index
      %swap3A_424 = arith.constant 80 : index
      %swap3A_425 = tpu.vector_load %arg10[%swap3A_423, %swap3A_424] {strides = array<i32>} : memref<32x128xi32, #tpu.memory_space<vmem>>, vector<16xi32>,
      tpu.vector_store %arg10[%swap3A_423, %swap3A_424], %add3A_422 {strides = array<i32>} : memref<32x128xi32, #tpu.memory_space<vmem>>, vector<16xi32>,
      %mul3A_426 = arith.constant 2 : i32
      %mul3A_427 = arith.muli %scan3A_350, %mul3A_426 : i32
      %add3A_428 = arith.constant 0 : i32
      %add3A_429 = arith.addi %mul3A_427, %add3A_428 : i32
      %add3A_430 = arith.constant 98304 : i32
      %add3A_431 = vector.broadcast %add3A_430 : i32 to vector<16xi32>
      %add3A_432 = arith.addi %add3A_365, %add3A_431 : vector<16xi32>
      %swap3A_433 = arith.index_cast %add3A_429 : i32 to index
      %swap3A_434 = arith.constant 96 : index
      %swap3A_435 = tpu.vector_load %arg10[%swap3A_433, %swap3A_434] {strides = array<i32>} : memref<32x128xi32, #tpu.memory_space<vmem>>, vector<16xi32>,
      tpu.vector_store %arg10[%swap3A_433, %swap3A_434], %add3A_432 {strides = array<i32>} : memref<32x128xi32, #tpu.memory_space<vmem>>, vector<16xi32>,
      %mul3A_436 = arith.constant 2 : i32
      %mul3A_437 = arith.muli %scan3A_350, %mul3A_436 : i32
      %add3A_438 = arith.constant 0 : i32
      %add3A_439 = arith.addi %mul3A_437, %add3A_438 : i32
      %add3A_440 = arith.constant 114688 : i32
      %add3A_441 = vector.broadcast %add3A_440 : i32 to vector<16xi32>
      %add3A_442 = arith.addi %add3A_365, %add3A_441 : vector<16xi32>
      %swap3A_443 = arith.index_cast %add3A_439 : i32 to index
      %swap3A_444 = arith.constant 112 : index
      %swap3A_445 = tpu.vector_load %arg10[%swap3A_443, %swap3A_444] {strides = array<i32>} : memref<32x128xi32, #tpu.memory_space<vmem>>, vector<16xi32>,
      tpu.vector_store %arg10[%swap3A_443, %swap3A_444], %add3A_442 {strides = array<i32>} : memref<32x128xi32, #tpu.memory_space<vmem>>, vector<16xi32>,
      %mul3A_446 = arith.constant 2 : i32
      %mul3A_447 = arith.muli %scan3A_350, %mul3A_446 : i32
      %add3A_448 = arith.constant 1 : i32
      %add3A_449 = arith.addi %mul3A_447, %add3A_448 : i32
      %add3A_450 = arith.constant 131072 : i32
      %add3A_451 = vector.broadcast %add3A_450 : i32 to vector<16xi32>
      %add3A_452 = arith.addi %add3A_365, %add3A_451 : vector<16xi32>
      %swap3A_453 = arith.index_cast %add3A_449 : i32 to index
      %swap3A_454 = arith.constant 0 : index
      %swap3A_455 = tpu.vector_load %arg10[%swap3A_453, %swap3A_454] {strides = array<i32>} : memref<32x128xi32, #tpu.memory_space<vmem>>, vector<16xi32>,
      tpu.vector_store %arg10[%swap3A_453, %swap3A_454], %add3A_452 {strides = array<i32>} : memref<32x128xi32, #tpu.memory_space<vmem>>, vector<16xi32>,
      %mul3A_456 = arith.constant 2 : i32
      %mul3A_457 = arith.muli %scan3A_350, %mul3A_456 : i32
      %add3A_458 = arith.constant 1 : i32
      %add3A_459 = arith.addi %mul3A_457, %add3A_458 : i32
      %add3A_460 = arith.constant 147456 : i32
      %add3A_461 = vector.broadcast %add3A_460 : i32 to vector<16xi32>
      %add3A_462 = arith.addi %add3A_365, %add3A_461 : vector<16xi32>
      %swap3A_463 = arith.index_cast %add3A_459 : i32 to index
      %swap3A_464 = arith.constant 16 : index
      %swap3A_465 = tpu.vector_load %arg10[%swap3A_463, %swap3A_464] {strides = array<i32>} : memref<32x128xi32, #tpu.memory_space<vmem>>, vector<16xi32>,
      tpu.vector_store %arg10[%swap3A_463, %swap3A_464], %add3A_462 {strides = array<i32>} : memref<32x128xi32, #tpu.memory_space<vmem>>, vector<16xi32>,
      %mul3A_466 = arith.constant 2 : i32
      %mul3A_467 = arith.muli %scan3A_350, %mul3A_466 : i32
      %add3A_468 = arith.constant 1 : i32
      %add3A_469 = arith.addi %mul3A_467, %add3A_468 : i32
      %add3A_470 = arith.constant 163840 : i32
      %add3A_471 = vector.broadcast %add3A_470 : i32 to vector<16xi32>
      %add3A_472 = arith.addi %add3A_365, %add3A_471 : vector<16xi32>
      %swap3A_473 = arith.index_cast %add3A_469 : i32 to index
      %swap3A_474 = arith.constant 32 : index
      %swap3A_475 = tpu.vector_load %arg10[%swap3A_473, %swap3A_474] {strides = array<i32>} : memref<32x128xi32, #tpu.memory_space<vmem>>, vector<16xi32>,
      tpu.vector_store %arg10[%swap3A_473, %swap3A_474], %add3A_472 {strides = array<i32>} : memref<32x128xi32, #tpu.memory_space<vmem>>, vector<16xi32>,
      %mul3A_476 = arith.constant 2 : i32
      %mul3A_477 = arith.muli %scan3A_350, %mul3A_476 : i32
      %add3A_478 = arith.constant 1 : i32
      %add3A_479 = arith.addi %mul3A_477, %add3A_478 : i32
      %add3A_480 = arith.constant 180224 : i32
      %add3A_481 = vector.broadcast %add3A_480 : i32 to vector<16xi32>
      %add3A_482 = arith.addi %add3A_365, %add3A_481 : vector<16xi32>
      %swap3A_483 = arith.index_cast %add3A_479 : i32 to index
      %swap3A_484 = arith.constant 48 : index
      %swap3A_485 = tpu.vector_load %arg10[%swap3A_483, %swap3A_484] {strides = array<i32>} : memref<32x128xi32, #tpu.memory_space<vmem>>, vector<16xi32>,
      tpu.vector_store %arg10[%swap3A_483, %swap3A_484], %add3A_482 {strides = array<i32>} : memref<32x128xi32, #tpu.memory_space<vmem>>, vector<16xi32>,
      %mul3A_486 = arith.constant 2 : i32
      %mul3A_487 = arith.muli %scan3A_350, %mul3A_486 : i32
      %add3A_488 = arith.constant 1 : i32
      %add3A_489 = arith.addi %mul3A_487, %add3A_488 : i32
      %add3A_490 = arith.constant 196608 : i32
      %add3A_491 = vector.broadcast %add3A_490 : i32 to vector<16xi32>
      %add3A_492 = arith.addi %add3A_365, %add3A_491 : vector<16xi32>
      %swap3A_493 = arith.index_cast %add3A_489 : i32 to index
      %swap3A_494 = arith.constant 64 : index
      %swap3A_495 = tpu.vector_load %arg10[%swap3A_493, %swap3A_494] {strides = array<i32>} : memref<32x128xi32, #tpu.memory_space<vmem>>, vector<16xi32>,
      tpu.vector_store %arg10[%swap3A_493, %swap3A_494], %add3A_492 {strides = array<i32>} : memref<32x128xi32, #tpu.memory_space<vmem>>, vector<16xi32>,
      %mul3A_496 = arith.constant 2 : i32
      %mul3A_497 = arith.muli %scan3A_350, %mul3A_496 : i32
      %add3A_498 = arith.constant 1 : i32
      %add3A_499 = arith.addi %mul3A_497, %add3A_498 : i32
      %add3A_500 = arith.constant 212992 : i32
      %add3A_501 = vector.broadcast %add3A_500 : i32 to vector<16xi32>
      %add3A_502 = arith.addi %add3A_365, %add3A_501 : vector<16xi32>
      %swap3A_503 = arith.index_cast %add3A_499 : i32 to index
      %swap3A_504 = arith.constant 80 : index
      %swap3A_505 = tpu.vector_load %arg10[%swap3A_503, %swap3A_504] {strides = array<i32>} : memref<32x128xi32, #tpu.memory_space<vmem>>, vector<16xi32>,
      tpu.vector_store %arg10[%swap3A_503, %swap3A_504], %add3A_502 {strides = array<i32>} : memref<32x128xi32, #tpu.memory_space<vmem>>, vector<16xi32>,
      %mul3A_506 = arith.constant 2 : i32
      %mul3A_507 = arith.muli %scan3A_350, %mul3A_506 : i32
      %add3A_508 = arith.constant 1 : i32
      %add3A_509 = arith.addi %mul3A_507, %add3A_508 : i32
      %add3A_510 = arith.constant 229376 : i32
      %add3A_511 = vector.broadcast %add3A_510 : i32 to vector<16xi32>
      %add3A_512 = arith.addi %add3A_365, %add3A_511 : vector<16xi32>
      %swap3A_513 = arith.index_cast %add3A_509 : i32 to index
      %swap3A_514 = arith.constant 96 : index
      %swap3A_515 = tpu.vector_load %arg10[%swap3A_513, %swap3A_514] {strides = array<i32>} : memref<32x128xi32, #tpu.memory_space<vmem>>, vector<16xi32>,
      tpu.vector_store %arg10[%swap3A_513, %swap3A_514], %add3A_512 {strides = array<i32>} : memref<32x128xi32, #tpu.memory_space<vmem>>, vector<16xi32>,
      %mul3A_516 = arith.constant 2 : i32
      %mul3A_517 = arith.muli %scan3A_350, %mul3A_516 : i32
      %add3A_518 = arith.constant 1 : i32
      %add3A_519 = arith.addi %mul3A_517, %add3A_518 : i32
      %add3A_520 = arith.constant 245760 : i32
      %add3A_521 = vector.broadcast %add3A_520 : i32 to vector<16xi32>
      %add3A_522 = arith.addi %add3A_365, %add3A_521 : vector<16xi32>
      %swap3A_523 = arith.index_cast %add3A_519 : i32 to index
      %swap3A_524 = arith.constant 112 : index
      %swap3A_525 = tpu.vector_load %arg10[%swap3A_523, %swap3A_524] {strides = array<i32>} : memref<32x128xi32, #tpu.memory_space<vmem>>, vector<16xi32>,
      tpu.vector_store %arg10[%swap3A_523, %swap3A_524], %add3A_522 {strides = array<i32>} : memref<32x128xi32, #tpu.memory_space<vmem>>, vector<16xi32>,
      %mul3A_526 = arith.constant 2 : i32
      %mul3A_527 = arith.muli %scan3A_350, %mul3A_526 : i32
      %add3A_528 = arith.constant 0 : i32
      %add3A_529 = arith.addi %mul3A_527, %add3A_528 : i32
      %mul3A_530 = arith.constant 128 : i32
      %mul3A_531 = arith.muli %add3A_529, %mul3A_530 : i32
      %dma_start3A_532 = tpu.memref_slice %arg11[%mul3A_531] : memref<4096xf32, #tpu.memory_space<vmem>> -> memref<128xf32, #tpu.memory_space<vmem>>
      %dma_start3A_533 = arith.constant 0 : i32
      %dma_start3A_534 = tpu.memref_slice %arg10[%add3A_529, %dma_start3A_533] : memref<32x128xi32, #tpu.memory_space<vmem>> -> memref<1x128xi32, #tpu.memory_space<vmem>>
      %dma_start3A_535 = tpu.memref_squeeze %dma_start3A_534 : memref<1x128xi32, #tpu.memory_space<vmem>> -> memref<128xi32, #tpu.memory_space<vmem>>
      %dma_start3A_536 = arith.constant 0 : i32
      %dma_start3A_537 = tpu.memref_slice %arg2[%dma_start3A_536] : memref<16777216xf32, #tpu.memory_space<hbm>> -> memref<16777216xf32, #tpu.memory_space<hbm>>
      tpu.enqueue_indirect_dma source(%dma_start3A_537 : memref<16777216xf32, #tpu.memory_space<hbm>>) target(%dma_start3A_532 : memref<128xf32, #tpu.memory_space<vmem>>) offsets(%dma_start3A_535 : memref<128xi32, #tpu.memory_space<vmem>>) semaphore(%arg16 : memref<!tpu.dma_semaphore, #tpu.memory_space<semaphore_mem>>)
      %mul3A_538 = arith.constant 2 : i32
      %mul3A_539 = arith.muli %scan3A_350, %mul3A_538 : i32
      %add3A_540 = arith.constant 1 : i32
      %add3A_541 = arith.addi %mul3A_539, %add3A_540 : i32
      %mul3A_542 = arith.constant 128 : i32
      %mul3A_543 = arith.muli %add3A_541, %mul3A_542 : i32
      %dma_start3A_544 = tpu.memref_slice %arg11[%mul3A_543] : memref<4096xf32, #tpu.memory_space<vmem>> -> memref<128xf32, #tpu.memory_space<vmem>>
      %dma_start3A_545 = arith.constant 0 : i32
      %dma_start3A_546 = tpu.memref_slice %arg10[%add3A_541, %dma_start3A_545] : memref<32x128xi32, #tpu.memory_space<vmem>> -> memref<1x128xi32, #tpu.memory_space<vmem>>
      %dma_start3A_547 = tpu.memref_squeeze %dma_start3A_546 : memref<1x128xi32, #tpu.memory_space<vmem>> -> memref<128xi32, #tpu.memory_space<vmem>>
      %dma_start3A_548 = arith.constant 0 : i32
      %dma_start3A_549 = tpu.memref_slice %arg2[%dma_start3A_548] : memref<16777216xf32, #tpu.memory_space<hbm>> -> memref<16777216xf32, #tpu.memory_space<hbm>>
      tpu.enqueue_indirect_dma source(%dma_start3A_549 : memref<16777216xf32, #tpu.memory_space<hbm>>) target(%dma_start3A_544 : memref<128xf32, #tpu.memory_space<vmem>>) offsets(%dma_start3A_547 : memref<128xi32, #tpu.memory_space<vmem>>) semaphore(%arg16 : memref<!tpu.dma_semaphore, #tpu.memory_space<semaphore_mem>>)
      %scan3A_550 = arith.constant 0 : i32
      scf.yield %scan3A_550 : i32
    }
    %scan3A_32 = arith.constant 4 : i32
    %dma_wait3A_33 = arith.constant 64 : i32
    %dma_wait3A_34 = tpu.memref_slice %arg7[%dma_wait3A_33] : memref<256xi32, #tpu.memory_space<vmem>> -> memref<192xi32, #tpu.memory_space<vmem>>
    %dma_wait3A_35 = tpu.memref_slice %arg3[%add3A_9] : memref<8192xi32, #tpu.memory_space<hbm>> -> memref<192xi32, #tpu.memory_space<hbm>>
    %dma_wait3A_36 = arith.constant 64 : i32
    %dma_wait3A_37 = tpu.memref_slice %arg7[%dma_wait3A_36] : memref<256xi32, #tpu.memory_space<vmem>> -> memref<192xi32, #tpu.memory_space<vmem>>
    %dma_wait3A_38 = tpu.memref_slice %arg3[%add3A_9] : memref<8192xi32, #tpu.memory_space<hbm>> -> memref<192xi32, #tpu.memory_space<hbm>>
    tpu.wait_dma2 semaphore(%arg15 : memref<!tpu.dma_semaphore, #tpu.memory_space<semaphore_mem>>) src(%dma_wait3A_38 : memref<192xi32, #tpu.memory_space<hbm>>) dst(%dma_wait3A_37 : memref<192xi32, #tpu.memory_space<vmem>>)
    %scan3A_39 = arith.constant 0 : i32
    %scan3A_40 = arith.constant 4 : i32
    %scan3A_41 = arith.constant 4 : i32
    %scan3A_42 = arith.addi %scan3A_40, %scan3A_41 : i32
    %scan3A_43 = arith.constant 1 : i32
    %scan3A_44 = scf.for %scan3A_350 = %scan3A_40 to %scan3A_42 step %scan3A_43 iter_args(%scan3A_351 = %scan3A_39) -> (i32)  : i32 {
      %mul3A_352 = arith.constant 16 : i32
      %mul3A_353 = arith.muli %scan3A_350, %mul3A_352 : i32
      %get3A = arith.index_cast %mul3A_353 : i32 to index
      %get3A_354 = tpu.vector_load %arg7[%get3A] {strides = array<i32>} : memref<256xi32, #tpu.memory_space<vmem>>, vector<16xi32>,
      %mul3A_355 = arith.constant 16 : i32
      %mul3A_356 = arith.muli %scan3A_350, %mul3A_355 : i32
      %add3A_357 = arith.addi %mul3A_2, %mul3A_356 : i32
      %add3A_358 = vector.broadcast %add3A_357 : i32 to vector<16xi32>
      %add3A_359 = arith.addi %add3A_358, %iota3A : vector<16xi32>
      %shift_right_arithmetic3A = arith.constant 7 : i32
      %shift_right_arithmetic3A_360 = vector.broadcast %shift_right_arithmetic3A : i32 to vector<16xi32>
      %shift_right_arithmetic3A_361 = arith.shrsi %add3A_359, %shift_right_arithmetic3A_360 : vector<16xi32>
      %mul3A_362 = arith.constant 262144 : i32
      %mul3A_363 = vector.broadcast %mul3A_362 : i32 to vector<16xi32>
      %mul3A_364 = arith.muli %shift_right_arithmetic3A_361, %mul3A_363 : vector<16xi32>
      %add3A_365 = arith.addi %mul3A_364, %get3A_354 : vector<16xi32>
      %mul3A_366 = arith.constant 2 : i32
      %mul3A_367 = arith.muli %scan3A_350, %mul3A_366 : i32
      %add3A_368 = arith.constant 0 : i32
      %add3A_369 = arith.addi %mul3A_367, %add3A_368 : i32
      %add3A_370 = arith.constant 0 : i32
      %add3A_371 = vector.broadcast %add3A_370 : i32 to vector<16xi32>
      %add3A_372 = arith.addi %add3A_365, %add3A_371 : vector<16xi32>
      %swap3A_373 = arith.index_cast %add3A_369 : i32 to index
      %swap3A_374 = arith.constant 0 : index
      %swap3A_375 = tpu.vector_load %arg10[%swap3A_373, %swap3A_374] {strides = array<i32>} : memref<32x128xi32, #tpu.memory_space<vmem>>, vector<16xi32>,
      tpu.vector_store %arg10[%swap3A_373, %swap3A_374], %add3A_372 {strides = array<i32>} : memref<32x128xi32, #tpu.memory_space<vmem>>, vector<16xi32>,
      %mul3A_376 = arith.constant 2 : i32
      %mul3A_377 = arith.muli %scan3A_350, %mul3A_376 : i32
      %add3A_378 = arith.constant 0 : i32
      %add3A_379 = arith.addi %mul3A_377, %add3A_378 : i32
      %add3A_380 = arith.constant 16384 : i32
      %add3A_381 = vector.broadcast %add3A_380 : i32 to vector<16xi32>
      %add3A_382 = arith.addi %add3A_365, %add3A_381 : vector<16xi32>
      %swap3A_383 = arith.index_cast %add3A_379 : i32 to index
      %swap3A_384 = arith.constant 16 : index
      %swap3A_385 = tpu.vector_load %arg10[%swap3A_383, %swap3A_384] {strides = array<i32>} : memref<32x128xi32, #tpu.memory_space<vmem>>, vector<16xi32>,
      tpu.vector_store %arg10[%swap3A_383, %swap3A_384], %add3A_382 {strides = array<i32>} : memref<32x128xi32, #tpu.memory_space<vmem>>, vector<16xi32>,
      %mul3A_386 = arith.constant 2 : i32
      %mul3A_387 = arith.muli %scan3A_350, %mul3A_386 : i32
      %add3A_388 = arith.constant 0 : i32
      %add3A_389 = arith.addi %mul3A_387, %add3A_388 : i32
      %add3A_390 = arith.constant 32768 : i32
      %add3A_391 = vector.broadcast %add3A_390 : i32 to vector<16xi32>
      %add3A_392 = arith.addi %add3A_365, %add3A_391 : vector<16xi32>
      %swap3A_393 = arith.index_cast %add3A_389 : i32 to index
      %swap3A_394 = arith.constant 32 : index
      %swap3A_395 = tpu.vector_load %arg10[%swap3A_393, %swap3A_394] {strides = array<i32>} : memref<32x128xi32, #tpu.memory_space<vmem>>, vector<16xi32>,
      tpu.vector_store %arg10[%swap3A_393, %swap3A_394], %add3A_392 {strides = array<i32>} : memref<32x128xi32, #tpu.memory_space<vmem>>, vector<16xi32>,
      %mul3A_396 = arith.constant 2 : i32
      %mul3A_397 = arith.muli %scan3A_350, %mul3A_396 : i32
      %add3A_398 = arith.constant 0 : i32
      %add3A_399 = arith.addi %mul3A_397, %add3A_398 : i32
      %add3A_400 = arith.constant 49152 : i32
      %add3A_401 = vector.broadcast %add3A_400 : i32 to vector<16xi32>
      %add3A_402 = arith.addi %add3A_365, %add3A_401 : vector<16xi32>
      %swap3A_403 = arith.index_cast %add3A_399 : i32 to index
      %swap3A_404 = arith.constant 48 : index
      %swap3A_405 = tpu.vector_load %arg10[%swap3A_403, %swap3A_404] {strides = array<i32>} : memref<32x128xi32, #tpu.memory_space<vmem>>, vector<16xi32>,
      tpu.vector_store %arg10[%swap3A_403, %swap3A_404], %add3A_402 {strides = array<i32>} : memref<32x128xi32, #tpu.memory_space<vmem>>, vector<16xi32>,
      %mul3A_406 = arith.constant 2 : i32
      %mul3A_407 = arith.muli %scan3A_350, %mul3A_406 : i32
      %add3A_408 = arith.constant 0 : i32
      %add3A_409 = arith.addi %mul3A_407, %add3A_408 : i32
      %add3A_410 = arith.constant 65536 : i32
      %add3A_411 = vector.broadcast %add3A_410 : i32 to vector<16xi32>
      %add3A_412 = arith.addi %add3A_365, %add3A_411 : vector<16xi32>
      %swap3A_413 = arith.index_cast %add3A_409 : i32 to index
      %swap3A_414 = arith.constant 64 : index
      %swap3A_415 = tpu.vector_load %arg10[%swap3A_413, %swap3A_414] {strides = array<i32>} : memref<32x128xi32, #tpu.memory_space<vmem>>, vector<16xi32>,
      tpu.vector_store %arg10[%swap3A_413, %swap3A_414], %add3A_412 {strides = array<i32>} : memref<32x128xi32, #tpu.memory_space<vmem>>, vector<16xi32>,
      %mul3A_416 = arith.constant 2 : i32
      %mul3A_417 = arith.muli %scan3A_350, %mul3A_416 : i32
      %add3A_418 = arith.constant 0 : i32
      %add3A_419 = arith.addi %mul3A_417, %add3A_418 : i32
      %add3A_420 = arith.constant 81920 : i32
      %add3A_421 = vector.broadcast %add3A_420 : i32 to vector<16xi32>
      %add3A_422 = arith.addi %add3A_365, %add3A_421 : vector<16xi32>
      %swap3A_423 = arith.index_cast %add3A_419 : i32 to index
      %swap3A_424 = arith.constant 80 : index
      %swap3A_425 = tpu.vector_load %arg10[%swap3A_423, %swap3A_424] {strides = array<i32>} : memref<32x128xi32, #tpu.memory_space<vmem>>, vector<16xi32>,
      tpu.vector_store %arg10[%swap3A_423, %swap3A_424], %add3A_422 {strides = array<i32>} : memref<32x128xi32, #tpu.memory_space<vmem>>, vector<16xi32>,
      %mul3A_426 = arith.constant 2 : i32
      %mul3A_427 = arith.muli %scan3A_350, %mul3A_426 : i32
      %add3A_428 = arith.constant 0 : i32
      %add3A_429 = arith.addi %mul3A_427, %add3A_428 : i32
      %add3A_430 = arith.constant 98304 : i32
      %add3A_431 = vector.broadcast %add3A_430 : i32 to vector<16xi32>
      %add3A_432 = arith.addi %add3A_365, %add3A_431 : vector<16xi32>
      %swap3A_433 = arith.index_cast %add3A_429 : i32 to index
      %swap3A_434 = arith.constant 96 : index
      %swap3A_435 = tpu.vector_load %arg10[%swap3A_433, %swap3A_434] {strides = array<i32>} : memref<32x128xi32, #tpu.memory_space<vmem>>, vector<16xi32>,
      tpu.vector_store %arg10[%swap3A_433, %swap3A_434], %add3A_432 {strides = array<i32>} : memref<32x128xi32, #tpu.memory_space<vmem>>, vector<16xi32>,
      %mul3A_436 = arith.constant 2 : i32
      %mul3A_437 = arith.muli %scan3A_350, %mul3A_436 : i32
      %add3A_438 = arith.constant 0 : i32
      %add3A_439 = arith.addi %mul3A_437, %add3A_438 : i32
      %add3A_440 = arith.constant 114688 : i32
      %add3A_441 = vector.broadcast %add3A_440 : i32 to vector<16xi32>
      %add3A_442 = arith.addi %add3A_365, %add3A_441 : vector<16xi32>
      %swap3A_443 = arith.index_cast %add3A_439 : i32 to index
      %swap3A_444 = arith.constant 112 : index
      %swap3A_445 = tpu.vector_load %arg10[%swap3A_443, %swap3A_444] {strides = array<i32>} : memref<32x128xi32, #tpu.memory_space<vmem>>, vector<16xi32>,
      tpu.vector_store %arg10[%swap3A_443, %swap3A_444], %add3A_442 {strides = array<i32>} : memref<32x128xi32, #tpu.memory_space<vmem>>, vector<16xi32>,
      %mul3A_446 = arith.constant 2 : i32
      %mul3A_447 = arith.muli %scan3A_350, %mul3A_446 : i32
      %add3A_448 = arith.constant 1 : i32
      %add3A_449 = arith.addi %mul3A_447, %add3A_448 : i32
      %add3A_450 = arith.constant 131072 : i32
      %add3A_451 = vector.broadcast %add3A_450 : i32 to vector<16xi32>
      %add3A_452 = arith.addi %add3A_365, %add3A_451 : vector<16xi32>
      %swap3A_453 = arith.index_cast %add3A_449 : i32 to index
      %swap3A_454 = arith.constant 0 : index
      %swap3A_455 = tpu.vector_load %arg10[%swap3A_453, %swap3A_454] {strides = array<i32>} : memref<32x128xi32, #tpu.memory_space<vmem>>, vector<16xi32>,
      tpu.vector_store %arg10[%swap3A_453, %swap3A_454], %add3A_452 {strides = array<i32>} : memref<32x128xi32, #tpu.memory_space<vmem>>, vector<16xi32>,
      %mul3A_456 = arith.constant 2 : i32
      %mul3A_457 = arith.muli %scan3A_350, %mul3A_456 : i32
      %add3A_458 = arith.constant 1 : i32
      %add3A_459 = arith.addi %mul3A_457, %add3A_458 : i32
      %add3A_460 = arith.constant 147456 : i32
      %add3A_461 = vector.broadcast %add3A_460 : i32 to vector<16xi32>
      %add3A_462 = arith.addi %add3A_365, %add3A_461 : vector<16xi32>
      %swap3A_463 = arith.index_cast %add3A_459 : i32 to index
      %swap3A_464 = arith.constant 16 : index
      %swap3A_465 = tpu.vector_load %arg10[%swap3A_463, %swap3A_464] {strides = array<i32>} : memref<32x128xi32, #tpu.memory_space<vmem>>, vector<16xi32>,
      tpu.vector_store %arg10[%swap3A_463, %swap3A_464], %add3A_462 {strides = array<i32>} : memref<32x128xi32, #tpu.memory_space<vmem>>, vector<16xi32>,
      %mul3A_466 = arith.constant 2 : i32
      %mul3A_467 = arith.muli %scan3A_350, %mul3A_466 : i32
      %add3A_468 = arith.constant 1 : i32
      %add3A_469 = arith.addi %mul3A_467, %add3A_468 : i32
      %add3A_470 = arith.constant 163840 : i32
      %add3A_471 = vector.broadcast %add3A_470 : i32 to vector<16xi32>
      %add3A_472 = arith.addi %add3A_365, %add3A_471 : vector<16xi32>
      %swap3A_473 = arith.index_cast %add3A_469 : i32 to index
      %swap3A_474 = arith.constant 32 : index
      %swap3A_475 = tpu.vector_load %arg10[%swap3A_473, %swap3A_474] {strides = array<i32>} : memref<32x128xi32, #tpu.memory_space<vmem>>, vector<16xi32>,
      tpu.vector_store %arg10[%swap3A_473, %swap3A_474], %add3A_472 {strides = array<i32>} : memref<32x128xi32, #tpu.memory_space<vmem>>, vector<16xi32>,
      %mul3A_476 = arith.constant 2 : i32
      %mul3A_477 = arith.muli %scan3A_350, %mul3A_476 : i32
      %add3A_478 = arith.constant 1 : i32
      %add3A_479 = arith.addi %mul3A_477, %add3A_478 : i32
      %add3A_480 = arith.constant 180224 : i32
      %add3A_481 = vector.broadcast %add3A_480 : i32 to vector<16xi32>
      %add3A_482 = arith.addi %add3A_365, %add3A_481 : vector<16xi32>
      %swap3A_483 = arith.index_cast %add3A_479 : i32 to index
      %swap3A_484 = arith.constant 48 : index
      %swap3A_485 = tpu.vector_load %arg10[%swap3A_483, %swap3A_484] {strides = array<i32>} : memref<32x128xi32, #tpu.memory_space<vmem>>, vector<16xi32>,
      tpu.vector_store %arg10[%swap3A_483, %swap3A_484], %add3A_482 {strides = array<i32>} : memref<32x128xi32, #tpu.memory_space<vmem>>, vector<16xi32>,
      %mul3A_486 = arith.constant 2 : i32
      %mul3A_487 = arith.muli %scan3A_350, %mul3A_486 : i32
      %add3A_488 = arith.constant 1 : i32
      %add3A_489 = arith.addi %mul3A_487, %add3A_488 : i32
      %add3A_490 = arith.constant 196608 : i32
      %add3A_491 = vector.broadcast %add3A_490 : i32 to vector<16xi32>
      %add3A_492 = arith.addi %add3A_365, %add3A_491 : vector<16xi32>
      %swap3A_493 = arith.index_cast %add3A_489 : i32 to index
      %swap3A_494 = arith.constant 64 : index
      %swap3A_495 = tpu.vector_load %arg10[%swap3A_493, %swap3A_494] {strides = array<i32>} : memref<32x128xi32, #tpu.memory_space<vmem>>, vector<16xi32>,
      tpu.vector_store %arg10[%swap3A_493, %swap3A_494], %add3A_492 {strides = array<i32>} : memref<32x128xi32, #tpu.memory_space<vmem>>, vector<16xi32>,
      %mul3A_496 = arith.constant 2 : i32
      %mul3A_497 = arith.muli %scan3A_350, %mul3A_496 : i32
      %add3A_498 = arith.constant 1 : i32
      %add3A_499 = arith.addi %mul3A_497, %add3A_498 : i32
      %add3A_500 = arith.constant 212992 : i32
      %add3A_501 = vector.broadcast %add3A_500 : i32 to vector<16xi32>
      %add3A_502 = arith.addi %add3A_365, %add3A_501 : vector<16xi32>
      %swap3A_503 = arith.index_cast %add3A_499 : i32 to index
      %swap3A_504 = arith.constant 80 : index
      %swap3A_505 = tpu.vector_load %arg10[%swap3A_503, %swap3A_504] {strides = array<i32>} : memref<32x128xi32, #tpu.memory_space<vmem>>, vector<16xi32>,
      tpu.vector_store %arg10[%swap3A_503, %swap3A_504], %add3A_502 {strides = array<i32>} : memref<32x128xi32, #tpu.memory_space<vmem>>, vector<16xi32>,
      %mul3A_506 = arith.constant 2 : i32
      %mul3A_507 = arith.muli %scan3A_350, %mul3A_506 : i32
      %add3A_508 = arith.constant 1 : i32
      %add3A_509 = arith.addi %mul3A_507, %add3A_508 : i32
      %add3A_510 = arith.constant 229376 : i32
      %add3A_511 = vector.broadcast %add3A_510 : i32 to vector<16xi32>
      %add3A_512 = arith.addi %add3A_365, %add3A_511 : vector<16xi32>
      %swap3A_513 = arith.index_cast %add3A_509 : i32 to index
      %swap3A_514 = arith.constant 96 : index
      %swap3A_515 = tpu.vector_load %arg10[%swap3A_513, %swap3A_514] {strides = array<i32>} : memref<32x128xi32, #tpu.memory_space<vmem>>, vector<16xi32>,
      tpu.vector_store %arg10[%swap3A_513, %swap3A_514], %add3A_512 {strides = array<i32>} : memref<32x128xi32, #tpu.memory_space<vmem>>, vector<16xi32>,
      %mul3A_516 = arith.constant 2 : i32
      %mul3A_517 = arith.muli %scan3A_350, %mul3A_516 : i32
      %add3A_518 = arith.constant 1 : i32
      %add3A_519 = arith.addi %mul3A_517, %add3A_518 : i32
      %add3A_520 = arith.constant 245760 : i32
      %add3A_521 = vector.broadcast %add3A_520 : i32 to vector<16xi32>
      %add3A_522 = arith.addi %add3A_365, %add3A_521 : vector<16xi32>
      %swap3A_523 = arith.index_cast %add3A_519 : i32 to index
      %swap3A_524 = arith.constant 112 : index
      %swap3A_525 = tpu.vector_load %arg10[%swap3A_523, %swap3A_524] {strides = array<i32>} : memref<32x128xi32, #tpu.memory_space<vmem>>, vector<16xi32>,
      tpu.vector_store %arg10[%swap3A_523, %swap3A_524], %add3A_522 {strides = array<i32>} : memref<32x128xi32, #tpu.memory_space<vmem>>, vector<16xi32>,
      %mul3A_526 = arith.constant 2 : i32
      %mul3A_527 = arith.muli %scan3A_350, %mul3A_526 : i32
      %add3A_528 = arith.constant 0 : i32
      %add3A_529 = arith.addi %mul3A_527, %add3A_528 : i32
      %mul3A_530 = arith.constant 128 : i32
      %mul3A_531 = arith.muli %add3A_529, %mul3A_530 : i32
      %dma_start3A_532 = tpu.memref_slice %arg11[%mul3A_531] : memref<4096xf32, #tpu.memory_space<vmem>> -> memref<128xf32, #tpu.memory_space<vmem>>
      %dma_start3A_533 = arith.constant 0 : i32
      %dma_start3A_534 = tpu.memref_slice %arg10[%add3A_529, %dma_start3A_533] : memref<32x128xi32, #tpu.memory_space<vmem>> -> memref<1x128xi32, #tpu.memory_space<vmem>>
      %dma_start3A_535 = tpu.memref_squeeze %dma_start3A_534 : memref<1x128xi32, #tpu.memory_space<vmem>> -> memref<128xi32, #tpu.memory_space<vmem>>
      %dma_start3A_536 = arith.constant 0 : i32
      %dma_start3A_537 = tpu.memref_slice %arg2[%dma_start3A_536] : memref<16777216xf32, #tpu.memory_space<hbm>> -> memref<16777216xf32, #tpu.memory_space<hbm>>
      tpu.enqueue_indirect_dma source(%dma_start3A_537 : memref<16777216xf32, #tpu.memory_space<hbm>>) target(%dma_start3A_532 : memref<128xf32, #tpu.memory_space<vmem>>) offsets(%dma_start3A_535 : memref<128xi32, #tpu.memory_space<vmem>>) semaphore(%arg17 : memref<!tpu.dma_semaphore, #tpu.memory_space<semaphore_mem>>)
      %mul3A_538 = arith.constant 2 : i32
      %mul3A_539 = arith.muli %scan3A_350, %mul3A_538 : i32
      %add3A_540 = arith.constant 1 : i32
      %add3A_541 = arith.addi %mul3A_539, %add3A_540 : i32
      %mul3A_542 = arith.constant 128 : i32
      %mul3A_543 = arith.muli %add3A_541, %mul3A_542 : i32
      %dma_start3A_544 = tpu.memref_slice %arg11[%mul3A_543] : memref<4096xf32, #tpu.memory_space<vmem>> -> memref<128xf32, #tpu.memory_space<vmem>>
      %dma_start3A_545 = arith.constant 0 : i32
      %dma_start3A_546 = tpu.memref_slice %arg10[%add3A_541, %dma_start3A_545] : memref<32x128xi32, #tpu.memory_space<vmem>> -> memref<1x128xi32, #tpu.memory_space<vmem>>
      %dma_start3A_547 = tpu.memref_squeeze %dma_start3A_546 : memref<1x128xi32, #tpu.memory_space<vmem>> -> memref<128xi32, #tpu.memory_space<vmem>>
      %dma_start3A_548 = arith.constant 0 : i32
      %dma_start3A_549 = tpu.memref_slice %arg2[%dma_start3A_548] : memref<16777216xf32, #tpu.memory_space<hbm>> -> memref<16777216xf32, #tpu.memory_space<hbm>>
      tpu.enqueue_indirect_dma source(%dma_start3A_549 : memref<16777216xf32, #tpu.memory_space<hbm>>) target(%dma_start3A_544 : memref<128xf32, #tpu.memory_space<vmem>>) offsets(%dma_start3A_547 : memref<128xi32, #tpu.memory_space<vmem>>) semaphore(%arg17 : memref<!tpu.dma_semaphore, #tpu.memory_space<semaphore_mem>>)
      %scan3A_550 = arith.constant 0 : i32
      scf.yield %scan3A_550 : i32
    }
    %scan3A_45 = arith.constant 4 : i32
    %scan3A_46 = arith.constant 0 : i32
    %scan3A_47 = arith.constant 8 : i32
    %scan3A_48 = arith.constant 4 : i32
    %scan3A_49 = arith.addi %scan3A_47, %scan3A_48 : i32
    %scan3A_50 = arith.constant 1 : i32
    %scan3A_51 = scf.for %scan3A_350 = %scan3A_47 to %scan3A_49 step %scan3A_50 iter_args(%scan3A_351 = %scan3A_46) -> (i32)  : i32 {
      %mul3A_352 = arith.constant 16 : i32
      %mul3A_353 = arith.muli %scan3A_350, %mul3A_352 : i32
      %get3A = arith.index_cast %mul3A_353 : i32 to index
      %get3A_354 = tpu.vector_load %arg7[%get3A] {strides = array<i32>} : memref<256xi32, #tpu.memory_space<vmem>>, vector<16xi32>,
      %mul3A_355 = arith.constant 16 : i32
      %mul3A_356 = arith.muli %scan3A_350, %mul3A_355 : i32
      %add3A_357 = arith.addi %mul3A_2, %mul3A_356 : i32
      %add3A_358 = vector.broadcast %add3A_357 : i32 to vector<16xi32>
      %add3A_359 = arith.addi %add3A_358, %iota3A : vector<16xi32>
      %shift_right_arithmetic3A = arith.constant 7 : i32
      %shift_right_arithmetic3A_360 = vector.broadcast %shift_right_arithmetic3A : i32 to vector<16xi32>
      %shift_right_arithmetic3A_361 = arith.shrsi %add3A_359, %shift_right_arithmetic3A_360 : vector<16xi32>
      %mul3A_362 = arith.constant 262144 : i32
      %mul3A_363 = vector.broadcast %mul3A_362 : i32 to vector<16xi32>
      %mul3A_364 = arith.muli %shift_right_arithmetic3A_361, %mul3A_363 : vector<16xi32>
      %add3A_365 = arith.addi %mul3A_364, %get3A_354 : vector<16xi32>
      %mul3A_366 = arith.constant 2 : i32
      %mul3A_367 = arith.muli %scan3A_350, %mul3A_366 : i32
      %add3A_368 = arith.constant 0 : i32
      %add3A_369 = arith.addi %mul3A_367, %add3A_368 : i32
      %add3A_370 = arith.constant 0 : i32
      %add3A_371 = vector.broadcast %add3A_370 : i32 to vector<16xi32>
      %add3A_372 = arith.addi %add3A_365, %add3A_371 : vector<16xi32>
      %swap3A_373 = arith.index_cast %add3A_369 : i32 to index
      %swap3A_374 = arith.constant 0 : index
      %swap3A_375 = tpu.vector_load %arg10[%swap3A_373, %swap3A_374] {strides = array<i32>} : memref<32x128xi32, #tpu.memory_space<vmem>>, vector<16xi32>,
      tpu.vector_store %arg10[%swap3A_373, %swap3A_374], %add3A_372 {strides = array<i32>} : memref<32x128xi32, #tpu.memory_space<vmem>>, vector<16xi32>,
      %mul3A_376 = arith.constant 2 : i32
      %mul3A_377 = arith.muli %scan3A_350, %mul3A_376 : i32
      %add3A_378 = arith.constant 0 : i32
      %add3A_379 = arith.addi %mul3A_377, %add3A_378 : i32
      %add3A_380 = arith.constant 16384 : i32
      %add3A_381 = vector.broadcast %add3A_380 : i32 to vector<16xi32>
      %add3A_382 = arith.addi %add3A_365, %add3A_381 : vector<16xi32>
      %swap3A_383 = arith.index_cast %add3A_379 : i32 to index
      %swap3A_384 = arith.constant 16 : index
      %swap3A_385 = tpu.vector_load %arg10[%swap3A_383, %swap3A_384] {strides = array<i32>} : memref<32x128xi32, #tpu.memory_space<vmem>>, vector<16xi32>,
      tpu.vector_store %arg10[%swap3A_383, %swap3A_384], %add3A_382 {strides = array<i32>} : memref<32x128xi32, #tpu.memory_space<vmem>>, vector<16xi32>,
      %mul3A_386 = arith.constant 2 : i32
      %mul3A_387 = arith.muli %scan3A_350, %mul3A_386 : i32
      %add3A_388 = arith.constant 0 : i32
      %add3A_389 = arith.addi %mul3A_387, %add3A_388 : i32
      %add3A_390 = arith.constant 32768 : i32
      %add3A_391 = vector.broadcast %add3A_390 : i32 to vector<16xi32>
      %add3A_392 = arith.addi %add3A_365, %add3A_391 : vector<16xi32>
      %swap3A_393 = arith.index_cast %add3A_389 : i32 to index
      %swap3A_394 = arith.constant 32 : index
      %swap3A_395 = tpu.vector_load %arg10[%swap3A_393, %swap3A_394] {strides = array<i32>} : memref<32x128xi32, #tpu.memory_space<vmem>>, vector<16xi32>,
      tpu.vector_store %arg10[%swap3A_393, %swap3A_394], %add3A_392 {strides = array<i32>} : memref<32x128xi32, #tpu.memory_space<vmem>>, vector<16xi32>,
      %mul3A_396 = arith.constant 2 : i32
      %mul3A_397 = arith.muli %scan3A_350, %mul3A_396 : i32
      %add3A_398 = arith.constant 0 : i32
      %add3A_399 = arith.addi %mul3A_397, %add3A_398 : i32
      %add3A_400 = arith.constant 49152 : i32
      %add3A_401 = vector.broadcast %add3A_400 : i32 to vector<16xi32>
      %add3A_402 = arith.addi %add3A_365, %add3A_401 : vector<16xi32>
      %swap3A_403 = arith.index_cast %add3A_399 : i32 to index
      %swap3A_404 = arith.constant 48 : index
      %swap3A_405 = tpu.vector_load %arg10[%swap3A_403, %swap3A_404] {strides = array<i32>} : memref<32x128xi32, #tpu.memory_space<vmem>>, vector<16xi32>,
      tpu.vector_store %arg10[%swap3A_403, %swap3A_404], %add3A_402 {strides = array<i32>} : memref<32x128xi32, #tpu.memory_space<vmem>>, vector<16xi32>,
      %mul3A_406 = arith.constant 2 : i32
      %mul3A_407 = arith.muli %scan3A_350, %mul3A_406 : i32
      %add3A_408 = arith.constant 0 : i32
      %add3A_409 = arith.addi %mul3A_407, %add3A_408 : i32
      %add3A_410 = arith.constant 65536 : i32
      %add3A_411 = vector.broadcast %add3A_410 : i32 to vector<16xi32>
      %add3A_412 = arith.addi %add3A_365, %add3A_411 : vector<16xi32>
      %swap3A_413 = arith.index_cast %add3A_409 : i32 to index
      %swap3A_414 = arith.constant 64 : index
      %swap3A_415 = tpu.vector_load %arg10[%swap3A_413, %swap3A_414] {strides = array<i32>} : memref<32x128xi32, #tpu.memory_space<vmem>>, vector<16xi32>,
      tpu.vector_store %arg10[%swap3A_413, %swap3A_414], %add3A_412 {strides = array<i32>} : memref<32x128xi32, #tpu.memory_space<vmem>>, vector<16xi32>,
      %mul3A_416 = arith.constant 2 : i32
      %mul3A_417 = arith.muli %scan3A_350, %mul3A_416 : i32
      %add3A_418 = arith.constant 0 : i32
      %add3A_419 = arith.addi %mul3A_417, %add3A_418 : i32
      %add3A_420 = arith.constant 81920 : i32
      %add3A_421 = vector.broadcast %add3A_420 : i32 to vector<16xi32>
      %add3A_422 = arith.addi %add3A_365, %add3A_421 : vector<16xi32>
      %swap3A_423 = arith.index_cast %add3A_419 : i32 to index
      %swap3A_424 = arith.constant 80 : index
      %swap3A_425 = tpu.vector_load %arg10[%swap3A_423, %swap3A_424] {strides = array<i32>} : memref<32x128xi32, #tpu.memory_space<vmem>>, vector<16xi32>,
      tpu.vector_store %arg10[%swap3A_423, %swap3A_424], %add3A_422 {strides = array<i32>} : memref<32x128xi32, #tpu.memory_space<vmem>>, vector<16xi32>,
      %mul3A_426 = arith.constant 2 : i32
      %mul3A_427 = arith.muli %scan3A_350, %mul3A_426 : i32
      %add3A_428 = arith.constant 0 : i32
      %add3A_429 = arith.addi %mul3A_427, %add3A_428 : i32
      %add3A_430 = arith.constant 98304 : i32
      %add3A_431 = vector.broadcast %add3A_430 : i32 to vector<16xi32>
      %add3A_432 = arith.addi %add3A_365, %add3A_431 : vector<16xi32>
      %swap3A_433 = arith.index_cast %add3A_429 : i32 to index
      %swap3A_434 = arith.constant 96 : index
      %swap3A_435 = tpu.vector_load %arg10[%swap3A_433, %swap3A_434] {strides = array<i32>} : memref<32x128xi32, #tpu.memory_space<vmem>>, vector<16xi32>,
      tpu.vector_store %arg10[%swap3A_433, %swap3A_434], %add3A_432 {strides = array<i32>} : memref<32x128xi32, #tpu.memory_space<vmem>>, vector<16xi32>,
      %mul3A_436 = arith.constant 2 : i32
      %mul3A_437 = arith.muli %scan3A_350, %mul3A_436 : i32
      %add3A_438 = arith.constant 0 : i32
      %add3A_439 = arith.addi %mul3A_437, %add3A_438 : i32
      %add3A_440 = arith.constant 114688 : i32
      %add3A_441 = vector.broadcast %add3A_440 : i32 to vector<16xi32>
      %add3A_442 = arith.addi %add3A_365, %add3A_441 : vector<16xi32>
      %swap3A_443 = arith.index_cast %add3A_439 : i32 to index
      %swap3A_444 = arith.constant 112 : index
      %swap3A_445 = tpu.vector_load %arg10[%swap3A_443, %swap3A_444] {strides = array<i32>} : memref<32x128xi32, #tpu.memory_space<vmem>>, vector<16xi32>,
      tpu.vector_store %arg10[%swap3A_443, %swap3A_444], %add3A_442 {strides = array<i32>} : memref<32x128xi32, #tpu.memory_space<vmem>>, vector<16xi32>,
      %mul3A_446 = arith.constant 2 : i32
      %mul3A_447 = arith.muli %scan3A_350, %mul3A_446 : i32
      %add3A_448 = arith.constant 1 : i32
      %add3A_449 = arith.addi %mul3A_447, %add3A_448 : i32
      %add3A_450 = arith.constant 131072 : i32
      %add3A_451 = vector.broadcast %add3A_450 : i32 to vector<16xi32>
      %add3A_452 = arith.addi %add3A_365, %add3A_451 : vector<16xi32>
      %swap3A_453 = arith.index_cast %add3A_449 : i32 to index
      %swap3A_454 = arith.constant 0 : index
      %swap3A_455 = tpu.vector_load %arg10[%swap3A_453, %swap3A_454] {strides = array<i32>} : memref<32x128xi32, #tpu.memory_space<vmem>>, vector<16xi32>,
      tpu.vector_store %arg10[%swap3A_453, %swap3A_454], %add3A_452 {strides = array<i32>} : memref<32x128xi32, #tpu.memory_space<vmem>>, vector<16xi32>,
      %mul3A_456 = arith.constant 2 : i32
      %mul3A_457 = arith.muli %scan3A_350, %mul3A_456 : i32
      %add3A_458 = arith.constant 1 : i32
      %add3A_459 = arith.addi %mul3A_457, %add3A_458 : i32
      %add3A_460 = arith.constant 147456 : i32
      %add3A_461 = vector.broadcast %add3A_460 : i32 to vector<16xi32>
      %add3A_462 = arith.addi %add3A_365, %add3A_461 : vector<16xi32>
      %swap3A_463 = arith.index_cast %add3A_459 : i32 to index
      %swap3A_464 = arith.constant 16 : index
      %swap3A_465 = tpu.vector_load %arg10[%swap3A_463, %swap3A_464] {strides = array<i32>} : memref<32x128xi32, #tpu.memory_space<vmem>>, vector<16xi32>,
      tpu.vector_store %arg10[%swap3A_463, %swap3A_464], %add3A_462 {strides = array<i32>} : memref<32x128xi32, #tpu.memory_space<vmem>>, vector<16xi32>,
      %mul3A_466 = arith.constant 2 : i32
      %mul3A_467 = arith.muli %scan3A_350, %mul3A_466 : i32
      %add3A_468 = arith.constant 1 : i32
      %add3A_469 = arith.addi %mul3A_467, %add3A_468 : i32
      %add3A_470 = arith.constant 163840 : i32
      %add3A_471 = vector.broadcast %add3A_470 : i32 to vector<16xi32>
      %add3A_472 = arith.addi %add3A_365, %add3A_471 : vector<16xi32>
      %swap3A_473 = arith.index_cast %add3A_469 : i32 to index
      %swap3A_474 = arith.constant 32 : index
      %swap3A_475 = tpu.vector_load %arg10[%swap3A_473, %swap3A_474] {strides = array<i32>} : memref<32x128xi32, #tpu.memory_space<vmem>>, vector<16xi32>,
      tpu.vector_store %arg10[%swap3A_473, %swap3A_474], %add3A_472 {strides = array<i32>} : memref<32x128xi32, #tpu.memory_space<vmem>>, vector<16xi32>,
      %mul3A_476 = arith.constant 2 : i32
      %mul3A_477 = arith.muli %scan3A_350, %mul3A_476 : i32
      %add3A_478 = arith.constant 1 : i32
      %add3A_479 = arith.addi %mul3A_477, %add3A_478 : i32
      %add3A_480 = arith.constant 180224 : i32
      %add3A_481 = vector.broadcast %add3A_480 : i32 to vector<16xi32>
      %add3A_482 = arith.addi %add3A_365, %add3A_481 : vector<16xi32>
      %swap3A_483 = arith.index_cast %add3A_479 : i32 to index
      %swap3A_484 = arith.constant 48 : index
      %swap3A_485 = tpu.vector_load %arg10[%swap3A_483, %swap3A_484] {strides = array<i32>} : memref<32x128xi32, #tpu.memory_space<vmem>>, vector<16xi32>,
      tpu.vector_store %arg10[%swap3A_483, %swap3A_484], %add3A_482 {strides = array<i32>} : memref<32x128xi32, #tpu.memory_space<vmem>>, vector<16xi32>,
      %mul3A_486 = arith.constant 2 : i32
      %mul3A_487 = arith.muli %scan3A_350, %mul3A_486 : i32
      %add3A_488 = arith.constant 1 : i32
      %add3A_489 = arith.addi %mul3A_487, %add3A_488 : i32
      %add3A_490 = arith.constant 196608 : i32
      %add3A_491 = vector.broadcast %add3A_490 : i32 to vector<16xi32>
      %add3A_492 = arith.addi %add3A_365, %add3A_491 : vector<16xi32>
      %swap3A_493 = arith.index_cast %add3A_489 : i32 to index
      %swap3A_494 = arith.constant 64 : index
      %swap3A_495 = tpu.vector_load %arg10[%swap3A_493, %swap3A_494] {strides = array<i32>} : memref<32x128xi32, #tpu.memory_space<vmem>>, vector<16xi32>,
      tpu.vector_store %arg10[%swap3A_493, %swap3A_494], %add3A_492 {strides = array<i32>} : memref<32x128xi32, #tpu.memory_space<vmem>>, vector<16xi32>,
      %mul3A_496 = arith.constant 2 : i32
      %mul3A_497 = arith.muli %scan3A_350, %mul3A_496 : i32
      %add3A_498 = arith.constant 1 : i32
      %add3A_499 = arith.addi %mul3A_497, %add3A_498 : i32
      %add3A_500 = arith.constant 212992 : i32
      %add3A_501 = vector.broadcast %add3A_500 : i32 to vector<16xi32>
      %add3A_502 = arith.addi %add3A_365, %add3A_501 : vector<16xi32>
      %swap3A_503 = arith.index_cast %add3A_499 : i32 to index
      %swap3A_504 = arith.constant 80 : index
      %swap3A_505 = tpu.vector_load %arg10[%swap3A_503, %swap3A_504] {strides = array<i32>} : memref<32x128xi32, #tpu.memory_space<vmem>>, vector<16xi32>,
      tpu.vector_store %arg10[%swap3A_503, %swap3A_504], %add3A_502 {strides = array<i32>} : memref<32x128xi32, #tpu.memory_space<vmem>>, vector<16xi32>,
      %mul3A_506 = arith.constant 2 : i32
      %mul3A_507 = arith.muli %scan3A_350, %mul3A_506 : i32
      %add3A_508 = arith.constant 1 : i32
      %add3A_509 = arith.addi %mul3A_507, %add3A_508 : i32
      %add3A_510 = arith.constant 229376 : i32
      %add3A_511 = vector.broadcast %add3A_510 : i32 to vector<16xi32>
      %add3A_512 = arith.addi %add3A_365, %add3A_511 : vector<16xi32>
      %swap3A_513 = arith.index_cast %add3A_509 : i32 to index
      %swap3A_514 = arith.constant 96 : index
      %swap3A_515 = tpu.vector_load %arg10[%swap3A_513, %swap3A_514] {strides = array<i32>} : memref<32x128xi32, #tpu.memory_space<vmem>>, vector<16xi32>,
      tpu.vector_store %arg10[%swap3A_513, %swap3A_514], %add3A_512 {strides = array<i32>} : memref<32x128xi32, #tpu.memory_space<vmem>>, vector<16xi32>,
      %mul3A_516 = arith.constant 2 : i32
      %mul3A_517 = arith.muli %scan3A_350, %mul3A_516 : i32
      %add3A_518 = arith.constant 1 : i32
      %add3A_519 = arith.addi %mul3A_517, %add3A_518 : i32
      %add3A_520 = arith.constant 245760 : i32
      %add3A_521 = vector.broadcast %add3A_520 : i32 to vector<16xi32>
      %add3A_522 = arith.addi %add3A_365, %add3A_521 : vector<16xi32>
      %swap3A_523 = arith.index_cast %add3A_519 : i32 to index
      %swap3A_524 = arith.constant 112 : index
      %swap3A_525 = tpu.vector_load %arg10[%swap3A_523, %swap3A_524] {strides = array<i32>} : memref<32x128xi32, #tpu.memory_space<vmem>>, vector<16xi32>,
      tpu.vector_store %arg10[%swap3A_523, %swap3A_524], %add3A_522 {strides = array<i32>} : memref<32x128xi32, #tpu.memory_space<vmem>>, vector<16xi32>,
      %mul3A_526 = arith.constant 2 : i32
      %mul3A_527 = arith.muli %scan3A_350, %mul3A_526 : i32
      %add3A_528 = arith.constant 0 : i32
      %add3A_529 = arith.addi %mul3A_527, %add3A_528 : i32
      %mul3A_530 = arith.constant 128 : i32
      %mul3A_531 = arith.muli %add3A_529, %mul3A_530 : i32
      %dma_start3A_532 = tpu.memref_slice %arg11[%mul3A_531] : memref<4096xf32, #tpu.memory_space<vmem>> -> memref<128xf32, #tpu.memory_space<vmem>>
      %dma_start3A_533 = arith.constant 0 : i32
      %dma_start3A_534 = tpu.memref_slice %arg10[%add3A_529, %dma_start3A_533] : memref<32x128xi32, #tpu.memory_space<vmem>> -> memref<1x128xi32, #tpu.memory_space<vmem>>
      %dma_start3A_535 = tpu.memref_squeeze %dma_start3A_534 : memref<1x128xi32, #tpu.memory_space<vmem>> -> memref<128xi32, #tpu.memory_space<vmem>>
      %dma_start3A_536 = arith.constant 0 : i32
      %dma_start3A_537 = tpu.memref_slice %arg2[%dma_start3A_536] : memref<16777216xf32, #tpu.memory_space<hbm>> -> memref<16777216xf32, #tpu.memory_space<hbm>>
      tpu.enqueue_indirect_dma source(%dma_start3A_537 : memref<16777216xf32, #tpu.memory_space<hbm>>) target(%dma_start3A_532 : memref<128xf32, #tpu.memory_space<vmem>>) offsets(%dma_start3A_535 : memref<128xi32, #tpu.memory_space<vmem>>) semaphore(%arg18 : memref<!tpu.dma_semaphore, #tpu.memory_space<semaphore_mem>>)
      %mul3A_538 = arith.constant 2 : i32
      %mul3A_539 = arith.muli %scan3A_350, %mul3A_538 : i32
      %add3A_540 = arith.constant 1 : i32
      %add3A_541 = arith.addi %mul3A_539, %add3A_540 : i32
      %mul3A_542 = arith.constant 128 : i32
      %mul3A_543 = arith.muli %add3A_541, %mul3A_542 : i32
      %dma_start3A_544 = tpu.memref_slice %arg11[%mul3A_543] : memref<4096xf32, #tpu.memory_space<vmem>> -> memref<128xf32, #tpu.memory_space<vmem>>
      %dma_start3A_545 = arith.constant 0 : i32
      %dma_start3A_546 = tpu.memref_slice %arg10[%add3A_541, %dma_start3A_545] : memref<32x128xi32, #tpu.memory_space<vmem>> -> memref<1x128xi32, #tpu.memory_space<vmem>>
      %dma_start3A_547 = tpu.memref_squeeze %dma_start3A_546 : memref<1x128xi32, #tpu.memory_space<vmem>> -> memref<128xi32, #tpu.memory_space<vmem>>
      %dma_start3A_548 = arith.constant 0 : i32
      %dma_start3A_549 = tpu.memref_slice %arg2[%dma_start3A_548] : memref<16777216xf32, #tpu.memory_space<hbm>> -> memref<16777216xf32, #tpu.memory_space<hbm>>
      tpu.enqueue_indirect_dma source(%dma_start3A_549 : memref<16777216xf32, #tpu.memory_space<hbm>>) target(%dma_start3A_544 : memref<128xf32, #tpu.memory_space<vmem>>) offsets(%dma_start3A_547 : memref<128xi32, #tpu.memory_space<vmem>>) semaphore(%arg18 : memref<!tpu.dma_semaphore, #tpu.memory_space<semaphore_mem>>)
      %scan3A_550 = arith.constant 0 : i32
      scf.yield %scan3A_550 : i32
    }
    %scan3A_52 = arith.constant 4 : i32
    %scan3A_53 = arith.constant 0 : i32
    %scan3A_54 = arith.constant 12 : i32
    %scan3A_55 = arith.constant 4 : i32
    %scan3A_56 = arith.addi %scan3A_54, %scan3A_55 : i32
    %scan3A_57 = arith.constant 1 : i32
    %scan3A_58 = scf.for %scan3A_350 = %scan3A_54 to %scan3A_56 step %scan3A_57 iter_args(%scan3A_351 = %scan3A_53) -> (i32)  : i32 {
      %mul3A_352 = arith.constant 16 : i32
      %mul3A_353 = arith.muli %scan3A_350, %mul3A_352 : i32
      %get3A = arith.index_cast %mul3A_353 : i32 to index
      %get3A_354 = tpu.vector_load %arg7[%get3A] {strides = array<i32>} : memref<256xi32, #tpu.memory_space<vmem>>, vector<16xi32>,
      %mul3A_355 = arith.constant 16 : i32
      %mul3A_356 = arith.muli %scan3A_350, %mul3A_355 : i32
      %add3A_357 = arith.addi %mul3A_2, %mul3A_356 : i32
      %add3A_358 = vector.broadcast %add3A_357 : i32 to vector<16xi32>
      %add3A_359 = arith.addi %add3A_358, %iota3A : vector<16xi32>
      %shift_right_arithmetic3A = arith.constant 7 : i32
      %shift_right_arithmetic3A_360 = vector.broadcast %shift_right_arithmetic3A : i32 to vector<16xi32>
      %shift_right_arithmetic3A_361 = arith.shrsi %add3A_359, %shift_right_arithmetic3A_360 : vector<16xi32>
      %mul3A_362 = arith.constant 262144 : i32
      %mul3A_363 = vector.broadcast %mul3A_362 : i32 to vector<16xi32>
      %mul3A_364 = arith.muli %shift_right_arithmetic3A_361, %mul3A_363 : vector<16xi32>
      %add3A_365 = arith.addi %mul3A_364, %get3A_354 : vector<16xi32>
      %mul3A_366 = arith.constant 2 : i32
      %mul3A_367 = arith.muli %scan3A_350, %mul3A_366 : i32
      %add3A_368 = arith.constant 0 : i32
      %add3A_369 = arith.addi %mul3A_367, %add3A_368 : i32
      %add3A_370 = arith.constant 0 : i32
      %add3A_371 = vector.broadcast %add3A_370 : i32 to vector<16xi32>
      %add3A_372 = arith.addi %add3A_365, %add3A_371 : vector<16xi32>
      %swap3A_373 = arith.index_cast %add3A_369 : i32 to index
      %swap3A_374 = arith.constant 0 : index
      %swap3A_375 = tpu.vector_load %arg10[%swap3A_373, %swap3A_374] {strides = array<i32>} : memref<32x128xi32, #tpu.memory_space<vmem>>, vector<16xi32>,
      tpu.vector_store %arg10[%swap3A_373, %swap3A_374], %add3A_372 {strides = array<i32>} : memref<32x128xi32, #tpu.memory_space<vmem>>, vector<16xi32>,
      %mul3A_376 = arith.constant 2 : i32
      %mul3A_377 = arith.muli %scan3A_350, %mul3A_376 : i32
      %add3A_378 = arith.constant 0 : i32
      %add3A_379 = arith.addi %mul3A_377, %add3A_378 : i32
      %add3A_380 = arith.constant 16384 : i32
      %add3A_381 = vector.broadcast %add3A_380 : i32 to vector<16xi32>
      %add3A_382 = arith.addi %add3A_365, %add3A_381 : vector<16xi32>
      %swap3A_383 = arith.index_cast %add3A_379 : i32 to index
      %swap3A_384 = arith.constant 16 : index
      %swap3A_385 = tpu.vector_load %arg10[%swap3A_383, %swap3A_384] {strides = array<i32>} : memref<32x128xi32, #tpu.memory_space<vmem>>, vector<16xi32>,
      tpu.vector_store %arg10[%swap3A_383, %swap3A_384], %add3A_382 {strides = array<i32>} : memref<32x128xi32, #tpu.memory_space<vmem>>, vector<16xi32>,
      %mul3A_386 = arith.constant 2 : i32
      %mul3A_387 = arith.muli %scan3A_350, %mul3A_386 : i32
      %add3A_388 = arith.constant 0 : i32
      %add3A_389 = arith.addi %mul3A_387, %add3A_388 : i32
      %add3A_390 = arith.constant 32768 : i32
      %add3A_391 = vector.broadcast %add3A_390 : i32 to vector<16xi32>
      %add3A_392 = arith.addi %add3A_365, %add3A_391 : vector<16xi32>
      %swap3A_393 = arith.index_cast %add3A_389 : i32 to index
      %swap3A_394 = arith.constant 32 : index
      %swap3A_395 = tpu.vector_load %arg10[%swap3A_393, %swap3A_394] {strides = array<i32>} : memref<32x128xi32, #tpu.memory_space<vmem>>, vector<16xi32>,
      tpu.vector_store %arg10[%swap3A_393, %swap3A_394], %add3A_392 {strides = array<i32>} : memref<32x128xi32, #tpu.memory_space<vmem>>, vector<16xi32>,
      %mul3A_396 = arith.constant 2 : i32
      %mul3A_397 = arith.muli %scan3A_350, %mul3A_396 : i32
      %add3A_398 = arith.constant 0 : i32
      %add3A_399 = arith.addi %mul3A_397, %add3A_398 : i32
      %add3A_400 = arith.constant 49152 : i32
      %add3A_401 = vector.broadcast %add3A_400 : i32 to vector<16xi32>
      %add3A_402 = arith.addi %add3A_365, %add3A_401 : vector<16xi32>
      %swap3A_403 = arith.index_cast %add3A_399 : i32 to index
      %swap3A_404 = arith.constant 48 : index
      %swap3A_405 = tpu.vector_load %arg10[%swap3A_403, %swap3A_404] {strides = array<i32>} : memref<32x128xi32, #tpu.memory_space<vmem>>, vector<16xi32>,
      tpu.vector_store %arg10[%swap3A_403, %swap3A_404], %add3A_402 {strides = array<i32>} : memref<32x128xi32, #tpu.memory_space<vmem>>, vector<16xi32>,
      %mul3A_406 = arith.constant 2 : i32
      %mul3A_407 = arith.muli %scan3A_350, %mul3A_406 : i32
      %add3A_408 = arith.constant 0 : i32
      %add3A_409 = arith.addi %mul3A_407, %add3A_408 : i32
      %add3A_410 = arith.constant 65536 : i32
      %add3A_411 = vector.broadcast %add3A_410 : i32 to vector<16xi32>
      %add3A_412 = arith.addi %add3A_365, %add3A_411 : vector<16xi32>
      %swap3A_413 = arith.index_cast %add3A_409 : i32 to index
      %swap3A_414 = arith.constant 64 : index
      %swap3A_415 = tpu.vector_load %arg10[%swap3A_413, %swap3A_414] {strides = array<i32>} : memref<32x128xi32, #tpu.memory_space<vmem>>, vector<16xi32>,
      tpu.vector_store %arg10[%swap3A_413, %swap3A_414], %add3A_412 {strides = array<i32>} : memref<32x128xi32, #tpu.memory_space<vmem>>, vector<16xi32>,
      %mul3A_416 = arith.constant 2 : i32
      %mul3A_417 = arith.muli %scan3A_350, %mul3A_416 : i32
      %add3A_418 = arith.constant 0 : i32
      %add3A_419 = arith.addi %mul3A_417, %add3A_418 : i32
      %add3A_420 = arith.constant 81920 : i32
      %add3A_421 = vector.broadcast %add3A_420 : i32 to vector<16xi32>
      %add3A_422 = arith.addi %add3A_365, %add3A_421 : vector<16xi32>
      %swap3A_423 = arith.index_cast %add3A_419 : i32 to index
      %swap3A_424 = arith.constant 80 : index
      %swap3A_425 = tpu.vector_load %arg10[%swap3A_423, %swap3A_424] {strides = array<i32>} : memref<32x128xi32, #tpu.memory_space<vmem>>, vector<16xi32>,
      tpu.vector_store %arg10[%swap3A_423, %swap3A_424], %add3A_422 {strides = array<i32>} : memref<32x128xi32, #tpu.memory_space<vmem>>, vector<16xi32>,
      %mul3A_426 = arith.constant 2 : i32
      %mul3A_427 = arith.muli %scan3A_350, %mul3A_426 : i32
      %add3A_428 = arith.constant 0 : i32
      %add3A_429 = arith.addi %mul3A_427, %add3A_428 : i32
      %add3A_430 = arith.constant 98304 : i32
      %add3A_431 = vector.broadcast %add3A_430 : i32 to vector<16xi32>
      %add3A_432 = arith.addi %add3A_365, %add3A_431 : vector<16xi32>
      %swap3A_433 = arith.index_cast %add3A_429 : i32 to index
      %swap3A_434 = arith.constant 96 : index
      %swap3A_435 = tpu.vector_load %arg10[%swap3A_433, %swap3A_434] {strides = array<i32>} : memref<32x128xi32, #tpu.memory_space<vmem>>, vector<16xi32>,
      tpu.vector_store %arg10[%swap3A_433, %swap3A_434], %add3A_432 {strides = array<i32>} : memref<32x128xi32, #tpu.memory_space<vmem>>, vector<16xi32>,
      %mul3A_436 = arith.constant 2 : i32
      %mul3A_437 = arith.muli %scan3A_350, %mul3A_436 : i32
      %add3A_438 = arith.constant 0 : i32
      %add3A_439 = arith.addi %mul3A_437, %add3A_438 : i32
      %add3A_440 = arith.constant 114688 : i32
      %add3A_441 = vector.broadcast %add3A_440 : i32 to vector<16xi32>
      %add3A_442 = arith.addi %add3A_365, %add3A_441 : vector<16xi32>
      %swap3A_443 = arith.index_cast %add3A_439 : i32 to index
      %swap3A_444 = arith.constant 112 : index
      %swap3A_445 = tpu.vector_load %arg10[%swap3A_443, %swap3A_444] {strides = array<i32>} : memref<32x128xi32, #tpu.memory_space<vmem>>, vector<16xi32>,
      tpu.vector_store %arg10[%swap3A_443, %swap3A_444], %add3A_442 {strides = array<i32>} : memref<32x128xi32, #tpu.memory_space<vmem>>, vector<16xi32>,
      %mul3A_446 = arith.constant 2 : i32
      %mul3A_447 = arith.muli %scan3A_350, %mul3A_446 : i32
      %add3A_448 = arith.constant 1 : i32
      %add3A_449 = arith.addi %mul3A_447, %add3A_448 : i32
      %add3A_450 = arith.constant 131072 : i32
      %add3A_451 = vector.broadcast %add3A_450 : i32 to vector<16xi32>
      %add3A_452 = arith.addi %add3A_365, %add3A_451 : vector<16xi32>
      %swap3A_453 = arith.index_cast %add3A_449 : i32 to index
      %swap3A_454 = arith.constant 0 : index
      %swap3A_455 = tpu.vector_load %arg10[%swap3A_453, %swap3A_454] {strides = array<i32>} : memref<32x128xi32, #tpu.memory_space<vmem>>, vector<16xi32>,
      tpu.vector_store %arg10[%swap3A_453, %swap3A_454], %add3A_452 {strides = array<i32>} : memref<32x128xi32, #tpu.memory_space<vmem>>, vector<16xi32>,
      %mul3A_456 = arith.constant 2 : i32
      %mul3A_457 = arith.muli %scan3A_350, %mul3A_456 : i32
      %add3A_458 = arith.constant 1 : i32
      %add3A_459 = arith.addi %mul3A_457, %add3A_458 : i32
      %add3A_460 = arith.constant 147456 : i32
      %add3A_461 = vector.broadcast %add3A_460 : i32 to vector<16xi32>
      %add3A_462 = arith.addi %add3A_365, %add3A_461 : vector<16xi32>
      %swap3A_463 = arith.index_cast %add3A_459 : i32 to index
      %swap3A_464 = arith.constant 16 : index
      %swap3A_465 = tpu.vector_load %arg10[%swap3A_463, %swap3A_464] {strides = array<i32>} : memref<32x128xi32, #tpu.memory_space<vmem>>, vector<16xi32>,
      tpu.vector_store %arg10[%swap3A_463, %swap3A_464], %add3A_462 {strides = array<i32>} : memref<32x128xi32, #tpu.memory_space<vmem>>, vector<16xi32>,
      %mul3A_466 = arith.constant 2 : i32
      %mul3A_467 = arith.muli %scan3A_350, %mul3A_466 : i32
      %add3A_468 = arith.constant 1 : i32
      %add3A_469 = arith.addi %mul3A_467, %add3A_468 : i32
      %add3A_470 = arith.constant 163840 : i32
      %add3A_471 = vector.broadcast %add3A_470 : i32 to vector<16xi32>
      %add3A_472 = arith.addi %add3A_365, %add3A_471 : vector<16xi32>
      %swap3A_473 = arith.index_cast %add3A_469 : i32 to index
      %swap3A_474 = arith.constant 32 : index
      %swap3A_475 = tpu.vector_load %arg10[%swap3A_473, %swap3A_474] {strides = array<i32>} : memref<32x128xi32, #tpu.memory_space<vmem>>, vector<16xi32>,
      tpu.vector_store %arg10[%swap3A_473, %swap3A_474], %add3A_472 {strides = array<i32>} : memref<32x128xi32, #tpu.memory_space<vmem>>, vector<16xi32>,
      %mul3A_476 = arith.constant 2 : i32
      %mul3A_477 = arith.muli %scan3A_350, %mul3A_476 : i32
      %add3A_478 = arith.constant 1 : i32
      %add3A_479 = arith.addi %mul3A_477, %add3A_478 : i32
      %add3A_480 = arith.constant 180224 : i32
      %add3A_481 = vector.broadcast %add3A_480 : i32 to vector<16xi32>
      %add3A_482 = arith.addi %add3A_365, %add3A_481 : vector<16xi32>
      %swap3A_483 = arith.index_cast %add3A_479 : i32 to index
      %swap3A_484 = arith.constant 48 : index
      %swap3A_485 = tpu.vector_load %arg10[%swap3A_483, %swap3A_484] {strides = array<i32>} : memref<32x128xi32, #tpu.memory_space<vmem>>, vector<16xi32>,
      tpu.vector_store %arg10[%swap3A_483, %swap3A_484], %add3A_482 {strides = array<i32>} : memref<32x128xi32, #tpu.memory_space<vmem>>, vector<16xi32>,
      %mul3A_486 = arith.constant 2 : i32
      %mul3A_487 = arith.muli %scan3A_350, %mul3A_486 : i32
      %add3A_488 = arith.constant 1 : i32
      %add3A_489 = arith.addi %mul3A_487, %add3A_488 : i32
      %add3A_490 = arith.constant 196608 : i32
      %add3A_491 = vector.broadcast %add3A_490 : i32 to vector<16xi32>
      %add3A_492 = arith.addi %add3A_365, %add3A_491 : vector<16xi32>
      %swap3A_493 = arith.index_cast %add3A_489 : i32 to index
      %swap3A_494 = arith.constant 64 : index
      %swap3A_495 = tpu.vector_load %arg10[%swap3A_493, %swap3A_494] {strides = array<i32>} : memref<32x128xi32, #tpu.memory_space<vmem>>, vector<16xi32>,
      tpu.vector_store %arg10[%swap3A_493, %swap3A_494], %add3A_492 {strides = array<i32>} : memref<32x128xi32, #tpu.memory_space<vmem>>, vector<16xi32>,
      %mul3A_496 = arith.constant 2 : i32
      %mul3A_497 = arith.muli %scan3A_350, %mul3A_496 : i32
      %add3A_498 = arith.constant 1 : i32
      %add3A_499 = arith.addi %mul3A_497, %add3A_498 : i32
      %add3A_500 = arith.constant 212992 : i32
      %add3A_501 = vector.broadcast %add3A_500 : i32 to vector<16xi32>
      %add3A_502 = arith.addi %add3A_365, %add3A_501 : vector<16xi32>
      %swap3A_503 = arith.index_cast %add3A_499 : i32 to index
      %swap3A_504 = arith.constant 80 : index
      %swap3A_505 = tpu.vector_load %arg10[%swap3A_503, %swap3A_504] {strides = array<i32>} : memref<32x128xi32, #tpu.memory_space<vmem>>, vector<16xi32>,
      tpu.vector_store %arg10[%swap3A_503, %swap3A_504], %add3A_502 {strides = array<i32>} : memref<32x128xi32, #tpu.memory_space<vmem>>, vector<16xi32>,
      %mul3A_506 = arith.constant 2 : i32
      %mul3A_507 = arith.muli %scan3A_350, %mul3A_506 : i32
      %add3A_508 = arith.constant 1 : i32
      %add3A_509 = arith.addi %mul3A_507, %add3A_508 : i32
      %add3A_510 = arith.constant 229376 : i32
      %add3A_511 = vector.broadcast %add3A_510 : i32 to vector<16xi32>
      %add3A_512 = arith.addi %add3A_365, %add3A_511 : vector<16xi32>
      %swap3A_513 = arith.index_cast %add3A_509 : i32 to index
      %swap3A_514 = arith.constant 96 : index
      %swap3A_515 = tpu.vector_load %arg10[%swap3A_513, %swap3A_514] {strides = array<i32>} : memref<32x128xi32, #tpu.memory_space<vmem>>, vector<16xi32>,
      tpu.vector_store %arg10[%swap3A_513, %swap3A_514], %add3A_512 {strides = array<i32>} : memref<32x128xi32, #tpu.memory_space<vmem>>, vector<16xi32>,
      %mul3A_516 = arith.constant 2 : i32
      %mul3A_517 = arith.muli %scan3A_350, %mul3A_516 : i32
      %add3A_518 = arith.constant 1 : i32
      %add3A_519 = arith.addi %mul3A_517, %add3A_518 : i32
      %add3A_520 = arith.constant 245760 : i32
      %add3A_521 = vector.broadcast %add3A_520 : i32 to vector<16xi32>
      %add3A_522 = arith.addi %add3A_365, %add3A_521 : vector<16xi32>
      %swap3A_523 = arith.index_cast %add3A_519 : i32 to index
      %swap3A_524 = arith.constant 112 : index
      %swap3A_525 = tpu.vector_load %arg10[%swap3A_523, %swap3A_524] {strides = array<i32>} : memref<32x128xi32, #tpu.memory_space<vmem>>, vector<16xi32>,
      tpu.vector_store %arg10[%swap3A_523, %swap3A_524], %add3A_522 {strides = array<i32>} : memref<32x128xi32, #tpu.memory_space<vmem>>, vector<16xi32>,
      %mul3A_526 = arith.constant 2 : i32
      %mul3A_527 = arith.muli %scan3A_350, %mul3A_526 : i32
      %add3A_528 = arith.constant 0 : i32
      %add3A_529 = arith.addi %mul3A_527, %add3A_528 : i32
      %mul3A_530 = arith.constant 128 : i32
      %mul3A_531 = arith.muli %add3A_529, %mul3A_530 : i32
      %dma_start3A_532 = tpu.memref_slice %arg11[%mul3A_531] : memref<4096xf32, #tpu.memory_space<vmem>> -> memref<128xf32, #tpu.memory_space<vmem>>
      %dma_start3A_533 = arith.constant 0 : i32
      %dma_start3A_534 = tpu.memref_slice %arg10[%add3A_529, %dma_start3A_533] : memref<32x128xi32, #tpu.memory_space<vmem>> -> memref<1x128xi32, #tpu.memory_space<vmem>>
      %dma_start3A_535 = tpu.memref_squeeze %dma_start3A_534 : memref<1x128xi32, #tpu.memory_space<vmem>> -> memref<128xi32, #tpu.memory_space<vmem>>
      %dma_start3A_536 = arith.constant 0 : i32
      %dma_start3A_537 = tpu.memref_slice %arg2[%dma_start3A_536] : memref<16777216xf32, #tpu.memory_space<hbm>> -> memref<16777216xf32, #tpu.memory_space<hbm>>
      tpu.enqueue_indirect_dma source(%dma_start3A_537 : memref<16777216xf32, #tpu.memory_space<hbm>>) target(%dma_start3A_532 : memref<128xf32, #tpu.memory_space<vmem>>) offsets(%dma_start3A_535 : memref<128xi32, #tpu.memory_space<vmem>>) semaphore(%arg19 : memref<!tpu.dma_semaphore, #tpu.memory_space<semaphore_mem>>)
      %mul3A_538 = arith.constant 2 : i32
      %mul3A_539 = arith.muli %scan3A_350, %mul3A_538 : i32
      %add3A_540 = arith.constant 1 : i32
      %add3A_541 = arith.addi %mul3A_539, %add3A_540 : i32
      %mul3A_542 = arith.constant 128 : i32
      %mul3A_543 = arith.muli %add3A_541, %mul3A_542 : i32
      %dma_start3A_544 = tpu.memref_slice %arg11[%mul3A_543] : memref<4096xf32, #tpu.memory_space<vmem>> -> memref<128xf32, #tpu.memory_space<vmem>>
      %dma_start3A_545 = arith.constant 0 : i32
      %dma_start3A_546 = tpu.memref_slice %arg10[%add3A_541, %dma_start3A_545] : memref<32x128xi32, #tpu.memory_space<vmem>> -> memref<1x128xi32, #tpu.memory_space<vmem>>
      %dma_start3A_547 = tpu.memref_squeeze %dma_start3A_546 : memref<1x128xi32, #tpu.memory_space<vmem>> -> memref<128xi32, #tpu.memory_space<vmem>>
      %dma_start3A_548 = arith.constant 0 : i32
      %dma_start3A_549 = tpu.memref_slice %arg2[%dma_start3A_548] : memref<16777216xf32, #tpu.memory_space<hbm>> -> memref<16777216xf32, #tpu.memory_space<hbm>>
      tpu.enqueue_indirect_dma source(%dma_start3A_549 : memref<16777216xf32, #tpu.memory_space<hbm>>) target(%dma_start3A_544 : memref<128xf32, #tpu.memory_space<vmem>>) offsets(%dma_start3A_547 : memref<128xi32, #tpu.memory_space<vmem>>) semaphore(%arg19 : memref<!tpu.dma_semaphore, #tpu.memory_space<semaphore_mem>>)
      %scan3A_550 = arith.constant 0 : i32
      scf.yield %scan3A_550 : i32
    }
    %scan3A_59 = arith.constant 4 : i32
    %dma_wait3A_60 = tpu.memref_slice %arg5[%mul3A_17] : memref<131072xf32, #tpu.memory_space<hbm>> -> memref<4096xf32, #tpu.memory_space<hbm>>
    %dma_wait3A_61 = tpu.memref_slice %arg5[%mul3A_17] : memref<131072xf32, #tpu.memory_space<hbm>> -> memref<4096xf32, #tpu.memory_space<hbm>>
    tpu.wait_dma2 semaphore(%arg13 : memref<!tpu.dma_semaphore, #tpu.memory_space<semaphore_mem>>) src(%dma_wait3A_61 : memref<4096xf32, #tpu.memory_space<hbm>>) dst(%arg9 : memref<4096xf32, #tpu.memory_space<vmem>>)
    %dma_wait3A_62 = tpu.memref_slice %arg4[%mul3A_2] : memref<8192xf32, #tpu.memory_space<hbm>> -> memref<256xf32, #tpu.memory_space<hbm>>
    %dma_wait3A_63 = tpu.memref_slice %arg4[%mul3A_2] : memref<8192xf32, #tpu.memory_space<hbm>> -> memref<256xf32, #tpu.memory_space<hbm>>
    tpu.wait_dma2 semaphore(%arg13 : memref<!tpu.dma_semaphore, #tpu.memory_space<semaphore_mem>>) src(%dma_wait3A_63 : memref<256xf32, #tpu.memory_space<hbm>>) dst(%arg8 : memref<256xf32, #tpu.memory_space<vmem>>)
    %broadcast_in_dim3A = arith.constant 0.000000e+00 : f32
    %broadcast_in_dim3A_64 = vector.broadcast %broadcast_in_dim3A : f32 to vector<16xf32>
    %broadcast_in_dim3A_65 = arith.constant 0.000000e+00 : f32
    %broadcast_in_dim3A_66 = vector.broadcast %broadcast_in_dim3A_65 : f32 to vector<16xf32>
    %dma_wait3A_67 = arith.constant 0 : i32
    %dma_wait3A_68 = arith.constant 0 : i32
    %dma_wait3A_69 = tpu.memref_slice %arg11[%dma_wait3A_68] : memref<4096xf32, #tpu.memory_space<vmem>> -> memref<128xf32, #tpu.memory_space<vmem>>
    %dma_wait3A_70 = arith.constant 0 : i32
    %dma_wait3A_71 = tpu.memref_slice %arg10[%dma_wait3A_67, %dma_wait3A_70] : memref<32x128xi32, #tpu.memory_space<vmem>> -> memref<1x128xi32, #tpu.memory_space<vmem>>
    %dma_wait3A_72 = tpu.memref_squeeze %dma_wait3A_71 : memref<1x128xi32, #tpu.memory_space<vmem>> -> memref<128xi32, #tpu.memory_space<vmem>>
    %dma_wait3A_73 = arith.constant 0 : i32
    %dma_wait3A_74 = tpu.memref_slice %arg2[%dma_wait3A_73] : memref<16777216xf32, #tpu.memory_space<hbm>> -> memref<16777216xf32, #tpu.memory_space<hbm>>
    tpu.wait_indirect_dma semaphore(%arg16 : memref<!tpu.dma_semaphore, #tpu.memory_space<semaphore_mem>>) src(%dma_wait3A_74 : memref<16777216xf32, #tpu.memory_space<hbm>>) dst(%dma_wait3A_69 : memref<128xf32, #tpu.memory_space<vmem>>)
    %dma_wait3A_75 = arith.constant 1 : i32
    %dma_wait3A_76 = arith.constant 128 : i32
    %dma_wait3A_77 = tpu.memref_slice %arg11[%dma_wait3A_76] : memref<4096xf32, #tpu.memory_space<vmem>> -> memref<128xf32, #tpu.memory_space<vmem>>
    %dma_wait3A_78 = arith.constant 0 : i32
    %dma_wait3A_79 = tpu.memref_slice %arg10[%dma_wait3A_75, %dma_wait3A_78] : memref<32x128xi32, #tpu.memory_space<vmem>> -> memref<1x128xi32, #tpu.memory_space<vmem>>
    %dma_wait3A_80 = tpu.memref_squeeze %dma_wait3A_79 : memref<1x128xi32, #tpu.memory_space<vmem>> -> memref<128xi32, #tpu.memory_space<vmem>>
    %dma_wait3A_81 = arith.constant 0 : i32
    %dma_wait3A_82 = tpu.memref_slice %arg2[%dma_wait3A_81] : memref<16777216xf32, #tpu.memory_space<hbm>> -> memref<16777216xf32, #tpu.memory_space<hbm>>
    tpu.wait_indirect_dma semaphore(%arg16 : memref<!tpu.dma_semaphore, #tpu.memory_space<semaphore_mem>>) src(%dma_wait3A_82 : memref<16777216xf32, #tpu.memory_space<hbm>>) dst(%dma_wait3A_77 : memref<128xf32, #tpu.memory_space<vmem>>)
    %dma_wait3A_83 = arith.constant 2 : i32
    %dma_wait3A_84 = arith.constant 256 : i32
    %dma_wait3A_85 = tpu.memref_slice %arg11[%dma_wait3A_84] : memref<4096xf32, #tpu.memory_space<vmem>> -> memref<128xf32, #tpu.memory_space<vmem>>
    %dma_wait3A_86 = arith.constant 0 : i32
    %dma_wait3A_87 = tpu.memref_slice %arg10[%dma_wait3A_83, %dma_wait3A_86] : memref<32x128xi32, #tpu.memory_space<vmem>> -> memref<1x128xi32, #tpu.memory_space<vmem>>
    %dma_wait3A_88 = tpu.memref_squeeze %dma_wait3A_87 : memref<1x128xi32, #tpu.memory_space<vmem>> -> memref<128xi32, #tpu.memory_space<vmem>>
    %dma_wait3A_89 = arith.constant 0 : i32
    %dma_wait3A_90 = tpu.memref_slice %arg2[%dma_wait3A_89] : memref<16777216xf32, #tpu.memory_space<hbm>> -> memref<16777216xf32, #tpu.memory_space<hbm>>
    tpu.wait_indirect_dma semaphore(%arg16 : memref<!tpu.dma_semaphore, #tpu.memory_space<semaphore_mem>>) src(%dma_wait3A_90 : memref<16777216xf32, #tpu.memory_space<hbm>>) dst(%dma_wait3A_85 : memref<128xf32, #tpu.memory_space<vmem>>)
    %dma_wait3A_91 = arith.constant 3 : i32
    %dma_wait3A_92 = arith.constant 384 : i32
    %dma_wait3A_93 = tpu.memref_slice %arg11[%dma_wait3A_92] : memref<4096xf32, #tpu.memory_space<vmem>> -> memref<128xf32, #tpu.memory_space<vmem>>
    %dma_wait3A_94 = arith.constant 0 : i32
    %dma_wait3A_95 = tpu.memref_slice %arg10[%dma_wait3A_91, %dma_wait3A_94] : memref<32x128xi32, #tpu.memory_space<vmem>> -> memref<1x128xi32, #tpu.memory_space<vmem>>
    %dma_wait3A_96 = tpu.memref_squeeze %dma_wait3A_95 : memref<1x128xi32, #tpu.memory_space<vmem>> -> memref<128xi32, #tpu.memory_space<vmem>>
    %dma_wait3A_97 = arith.constant 0 : i32
    %dma_wait3A_98 = tpu.memref_slice %arg2[%dma_wait3A_97] : memref<16777216xf32, #tpu.memory_space<hbm>> -> memref<16777216xf32, #tpu.memory_space<hbm>>
    tpu.wait_indirect_dma semaphore(%arg16 : memref<!tpu.dma_semaphore, #tpu.memory_space<semaphore_mem>>) src(%dma_wait3A_98 : memref<16777216xf32, #tpu.memory_space<hbm>>) dst(%dma_wait3A_93 : memref<128xf32, #tpu.memory_space<vmem>>)
    %dma_wait3A_99 = arith.constant 4 : i32
    %dma_wait3A_100 = arith.constant 512 : i32
    %dma_wait3A_101 = tpu.memref_slice %arg11[%dma_wait3A_100] : memref<4096xf32, #tpu.memory_space<vmem>> -> memref<128xf32, #tpu.memory_space<vmem>>
    %dma_wait3A_102 = arith.constant 0 : i32
    %dma_wait3A_103 = tpu.memref_slice %arg10[%dma_wait3A_99, %dma_wait3A_102] : memref<32x128xi32, #tpu.memory_space<vmem>> -> memref<1x128xi32, #tpu.memory_space<vmem>>
    %dma_wait3A_104 = tpu.memref_squeeze %dma_wait3A_103 : memref<1x128xi32, #tpu.memory_space<vmem>> -> memref<128xi32, #tpu.memory_space<vmem>>
    %dma_wait3A_105 = arith.constant 0 : i32
    %dma_wait3A_106 = tpu.memref_slice %arg2[%dma_wait3A_105] : memref<16777216xf32, #tpu.memory_space<hbm>> -> memref<16777216xf32, #tpu.memory_space<hbm>>
    tpu.wait_indirect_dma semaphore(%arg16 : memref<!tpu.dma_semaphore, #tpu.memory_space<semaphore_mem>>) src(%dma_wait3A_106 : memref<16777216xf32, #tpu.memory_space<hbm>>) dst(%dma_wait3A_101 : memref<128xf32, #tpu.memory_space<vmem>>)
    %dma_wait3A_107 = arith.constant 5 : i32
    %dma_wait3A_108 = arith.constant 640 : i32
    %dma_wait3A_109 = tpu.memref_slice %arg11[%dma_wait3A_108] : memref<4096xf32, #tpu.memory_space<vmem>> -> memref<128xf32, #tpu.memory_space<vmem>>
    %dma_wait3A_110 = arith.constant 0 : i32
    %dma_wait3A_111 = tpu.memref_slice %arg10[%dma_wait3A_107, %dma_wait3A_110] : memref<32x128xi32, #tpu.memory_space<vmem>> -> memref<1x128xi32, #tpu.memory_space<vmem>>
    %dma_wait3A_112 = tpu.memref_squeeze %dma_wait3A_111 : memref<1x128xi32, #tpu.memory_space<vmem>> -> memref<128xi32, #tpu.memory_space<vmem>>
    %dma_wait3A_113 = arith.constant 0 : i32
    %dma_wait3A_114 = tpu.memref_slice %arg2[%dma_wait3A_113] : memref<16777216xf32, #tpu.memory_space<hbm>> -> memref<16777216xf32, #tpu.memory_space<hbm>>
    tpu.wait_indirect_dma semaphore(%arg16 : memref<!tpu.dma_semaphore, #tpu.memory_space<semaphore_mem>>) src(%dma_wait3A_114 : memref<16777216xf32, #tpu.memory_space<hbm>>) dst(%dma_wait3A_109 : memref<128xf32, #tpu.memory_space<vmem>>)
    %dma_wait3A_115 = arith.constant 6 : i32
    %dma_wait3A_116 = arith.constant 768 : i32
    %dma_wait3A_117 = tpu.memref_slice %arg11[%dma_wait3A_116] : memref<4096xf32, #tpu.memory_space<vmem>> -> memref<128xf32, #tpu.memory_space<vmem>>
    %dma_wait3A_118 = arith.constant 0 : i32
    %dma_wait3A_119 = tpu.memref_slice %arg10[%dma_wait3A_115, %dma_wait3A_118] : memref<32x128xi32, #tpu.memory_space<vmem>> -> memref<1x128xi32, #tpu.memory_space<vmem>>
    %dma_wait3A_120 = tpu.memref_squeeze %dma_wait3A_119 : memref<1x128xi32, #tpu.memory_space<vmem>> -> memref<128xi32, #tpu.memory_space<vmem>>
    %dma_wait3A_121 = arith.constant 0 : i32
    %dma_wait3A_122 = tpu.memref_slice %arg2[%dma_wait3A_121] : memref<16777216xf32, #tpu.memory_space<hbm>> -> memref<16777216xf32, #tpu.memory_space<hbm>>
    tpu.wait_indirect_dma semaphore(%arg16 : memref<!tpu.dma_semaphore, #tpu.memory_space<semaphore_mem>>) src(%dma_wait3A_122 : memref<16777216xf32, #tpu.memory_space<hbm>>) dst(%dma_wait3A_117 : memref<128xf32, #tpu.memory_space<vmem>>)
    %dma_wait3A_123 = arith.constant 7 : i32
    %dma_wait3A_124 = arith.constant 896 : i32
    %dma_wait3A_125 = tpu.memref_slice %arg11[%dma_wait3A_124] : memref<4096xf32, #tpu.memory_space<vmem>> -> memref<128xf32, #tpu.memory_space<vmem>>
    %dma_wait3A_126 = arith.constant 0 : i32
    %dma_wait3A_127 = tpu.memref_slice %arg10[%dma_wait3A_123, %dma_wait3A_126] : memref<32x128xi32, #tpu.memory_space<vmem>> -> memref<1x128xi32, #tpu.memory_space<vmem>>
    %dma_wait3A_128 = tpu.memref_squeeze %dma_wait3A_127 : memref<1x128xi32, #tpu.memory_space<vmem>> -> memref<128xi32, #tpu.memory_space<vmem>>
    %dma_wait3A_129 = arith.constant 0 : i32
    %dma_wait3A_130 = tpu.memref_slice %arg2[%dma_wait3A_129] : memref<16777216xf32, #tpu.memory_space<hbm>> -> memref<16777216xf32, #tpu.memory_space<hbm>>
    tpu.wait_indirect_dma semaphore(%arg16 : memref<!tpu.dma_semaphore, #tpu.memory_space<semaphore_mem>>) src(%dma_wait3A_130 : memref<16777216xf32, #tpu.memory_space<hbm>>) dst(%dma_wait3A_125 : memref<128xf32, #tpu.memory_space<vmem>>)
    %scan3A_131 = arith.constant 0 : i32
    %scan3A_132 = arith.constant 4 : i32
    %scan3A_133 = arith.addi %scan3A_131, %scan3A_132 : i32
    %scan3A_134 = arith.constant 1 : i32
    %scan3A_135:2 = scf.for %scan3A_350 = %scan3A_131 to %scan3A_133 step %scan3A_134 iter_args(%scan3A_351 = %broadcast_in_dim3A_64, %scan3A_352 = %broadcast_in_dim3A_66) -> (vector<16xf32>, vector<16xf32>)  : i32 {
      %mul3A_353 = arith.constant 16 : i32
      %mul3A_354 = arith.muli %scan3A_350, %mul3A_353 : i32
      %get3A = arith.index_cast %mul3A_354 : i32 to index
      %get3A_355 = tpu.vector_load %arg8[%get3A] {strides = array<i32>} : memref<256xf32, #tpu.memory_space<vmem>>, vector<16xf32>,
      %jit3A = arith.constant 8 : i32
      %div3A = arith.divsi %scan3A_350, %jit3A : i32
      %sign3A = arith.constant 0 : i32
      %sign3A_356 = arith.cmpi sgt, %scan3A_350, %sign3A : i32
      %sign3A_357 = arith.extui %sign3A_356 : i1 to i32
      %sign3A_358 = arith.constant 0 : i32
      %sign3A_359 = arith.cmpi slt, %scan3A_350, %sign3A_358 : i32
      %sign3A_360 = arith.extui %sign3A_359 : i1 to i32
      %sign3A_361 = arith.subi %sign3A_357, %sign3A_360 : i32
      %sign3A_362 = arith.constant 0 : i32
      %sign3A_363 = arith.cmpi sgt, %jit3A, %sign3A_362 : i32
      %sign3A_364 = arith.extui %sign3A_363 : i1 to i32
      %sign3A_365 = arith.constant 0 : i32
      %sign3A_366 = arith.cmpi slt, %jit3A, %sign3A_365 : i32
      %sign3A_367 = arith.extui %sign3A_366 : i1 to i32
      %sign3A_368 = arith.subi %sign3A_364, %sign3A_367 : i32
      %ne3A = arith.cmpi ne, %sign3A_361, %sign3A_368 : i32
      %rem3A = arith.remsi %scan3A_350, %jit3A : i32
      %ne3A_369 = arith.constant 0 : i32
      %ne3A_370 = arith.cmpi ne, %rem3A, %ne3A_369 : i32
      %and3A = arith.andi %ne3A, %ne3A_370 : i1
      %sub3A = arith.constant 1 : i32
      %sub3A_371 = arith.subi %div3A, %sub3A : i32
      %select_n3A = arith.select %and3A, %sub3A_371, %div3A : i32
      %jit3A_372 = arith.constant 8 : i32
      %eq3A = arith.constant 0 : i32
      %eq3A_373 = arith.cmpi eq, %jit3A_372, %eq3A : i32
      %jit3A_374 = arith.constant 1 : i32
      %select_n3A_375 = arith.select %eq3A_373, %jit3A_374, %jit3A_372 : i32
      %rem3A_376 = arith.remsi %scan3A_350, %select_n3A_375 : i32
      %ne3A_377 = arith.constant 0 : i32
      %ne3A_378 = arith.cmpi ne, %rem3A_376, %ne3A_377 : i32
      %lt3A = arith.constant 0 : i32
      %lt3A_379 = arith.cmpi slt, %rem3A_376, %lt3A : i32
      %lt3A_380 = arith.constant 0 : i32
      %lt3A_381 = arith.cmpi slt, %select_n3A_375, %lt3A_380 : i32
      %ne3A_382 = arith.xori %lt3A_379, %lt3A_381 : i1
      %and3A_383 = arith.andi %ne3A_382, %ne3A_378 : i1
      %add3A_384 = arith.addi %rem3A_376, %select_n3A_375 : i32
      %select_n3A_385 = arith.select %and3A_383, %add3A_384, %rem3A_376 : i32
      %mul3A_386 = arith.constant 256 : i32
      %mul3A_387 = arith.muli %scan3A_350, %mul3A_386 : i32
      %mul3A_388 = arith.constant 2048 : i32
      %mul3A_389 = arith.muli %select_n3A, %mul3A_388 : i32
      %mul3A_390 = arith.constant 16 : i32
      %mul3A_391 = arith.muli %select_n3A_385, %mul3A_390 : i32
      %add3A_392 = arith.addi %mul3A_389, %mul3A_391 : i32
      %scan3A_393 = arith.constant 0 : i32
      %scan3A_394 = arith.constant 16 : i32
      %scan3A_395 = arith.addi %scan3A_393, %scan3A_394 : i32
      %scan3A_396 = arith.constant 1 : i32
      %scan3A_397 = scf.for %scan3A_400 = %scan3A_393 to %scan3A_395 step %scan3A_396 iter_args(%scan3A_401 = %scan3A_351) -> (vector<16xf32>)  : i32 {
        %mul3A_402 = arith.constant 16 : i32
        %mul3A_403 = arith.muli %scan3A_400, %mul3A_402 : i32
        %add3A_404 = arith.addi %mul3A_387, %mul3A_403 : i32
        %get3A_405 = arith.index_cast %add3A_404 : i32 to index
        %get3A_406 = tpu.vector_load %arg11[%get3A_405] {strides = array<i32>} : memref<4096xf32, #tpu.memory_space<vmem>>, vector<16xf32>,
        %mul3A_407 = arith.constant 128 : i32
        %mul3A_408 = arith.muli %scan3A_400, %mul3A_407 : i32
        %add3A_409 = arith.addi %add3A_392, %mul3A_408 : i32
        %get3A_410 = arith.index_cast %add3A_409 : i32 to index
        %get3A_411 = tpu.vector_load %arg9[%get3A_410] {strides = array<i32>} : memref<4096xf32, #tpu.memory_space<vmem>>, vector<16xf32>,
        %sub3A_412 = arith.subf %get3A_406, %get3A_411 : vector<16xf32>
        %abs3A = math.absf %sub3A_412 : vector<16xf32>
        %lt3A_413 = arith.constant 1.000000e+00 : f32
        %lt3A_414 = vector.broadcast %lt3A_413 : f32 to vector<16xf32>
        %lt3A_415 = arith.cmpf olt, %abs3A, %lt3A_414 : vector<16xf32>
        %mul3A_416 = arith.constant 5.000000e-01 : f32
        %mul3A_417 = vector.broadcast %mul3A_416 : f32 to vector<16xf32>
        %mul3A_418 = arith.mulf %mul3A_417, %abs3A : vector<16xf32>
        %mul3A_419 = arith.mulf %mul3A_418, %abs3A : vector<16xf32>
        %sub3A_420 = arith.constant 5.000000e-01 : f32
        %sub3A_421 = vector.broadcast %sub3A_420 : f32 to vector<16xf32>
        %sub3A_422 = arith.subf %abs3A, %sub3A_421 : vector<16xf32>
        %select_n3A_423 = arith.select %lt3A_415, %mul3A_419, %sub3A_422 : vector<16xi1>, vector<16xf32>
        %mul3A_424 = arith.mulf %select_n3A_423, %get3A_355 : vector<16xf32>
        %add3A_425 = arith.addf %scan3A_401, %mul3A_424 : vector<16xf32>
        scf.yield %add3A_425 : vector<16xf32>
      }
      %scan3A_398 = arith.constant 16 : i32
      %add3A_399 = arith.addf %scan3A_352, %get3A_355 : vector<16xf32>
      scf.yield %scan3A_397, %add3A_399 : vector<16xf32>, vector<16xf32>
    }
    %scan3A_136 = arith.constant 4 : i32
    %dma_wait3A_137 = arith.constant 8 : i32
    %dma_wait3A_138 = arith.constant 1024 : i32
    %dma_wait3A_139 = tpu.memref_slice %arg11[%dma_wait3A_138] : memref<4096xf32, #tpu.memory_space<vmem>> -> memref<128xf32, #tpu.memory_space<vmem>>
    %dma_wait3A_140 = arith.constant 0 : i32
    %dma_wait3A_141 = tpu.memref_slice %arg10[%dma_wait3A_137, %dma_wait3A_140] : memref<32x128xi32, #tpu.memory_space<vmem>> -> memref<1x128xi32, #tpu.memory_space<vmem>>
    %dma_wait3A_142 = tpu.memref_squeeze %dma_wait3A_141 : memref<1x128xi32, #tpu.memory_space<vmem>> -> memref<128xi32, #tpu.memory_space<vmem>>
    %dma_wait3A_143 = arith.constant 0 : i32
    %dma_wait3A_144 = tpu.memref_slice %arg2[%dma_wait3A_143] : memref<16777216xf32, #tpu.memory_space<hbm>> -> memref<16777216xf32, #tpu.memory_space<hbm>>
    tpu.wait_indirect_dma semaphore(%arg17 : memref<!tpu.dma_semaphore, #tpu.memory_space<semaphore_mem>>) src(%dma_wait3A_144 : memref<16777216xf32, #tpu.memory_space<hbm>>) dst(%dma_wait3A_139 : memref<128xf32, #tpu.memory_space<vmem>>)
    %dma_wait3A_145 = arith.constant 9 : i32
    %dma_wait3A_146 = arith.constant 1152 : i32
    %dma_wait3A_147 = tpu.memref_slice %arg11[%dma_wait3A_146] : memref<4096xf32, #tpu.memory_space<vmem>> -> memref<128xf32, #tpu.memory_space<vmem>>
    %dma_wait3A_148 = arith.constant 0 : i32
    %dma_wait3A_149 = tpu.memref_slice %arg10[%dma_wait3A_145, %dma_wait3A_148] : memref<32x128xi32, #tpu.memory_space<vmem>> -> memref<1x128xi32, #tpu.memory_space<vmem>>
    %dma_wait3A_150 = tpu.memref_squeeze %dma_wait3A_149 : memref<1x128xi32, #tpu.memory_space<vmem>> -> memref<128xi32, #tpu.memory_space<vmem>>
    %dma_wait3A_151 = arith.constant 0 : i32
    %dma_wait3A_152 = tpu.memref_slice %arg2[%dma_wait3A_151] : memref<16777216xf32, #tpu.memory_space<hbm>> -> memref<16777216xf32, #tpu.memory_space<hbm>>
    tpu.wait_indirect_dma semaphore(%arg17 : memref<!tpu.dma_semaphore, #tpu.memory_space<semaphore_mem>>) src(%dma_wait3A_152 : memref<16777216xf32, #tpu.memory_space<hbm>>) dst(%dma_wait3A_147 : memref<128xf32, #tpu.memory_space<vmem>>)
    %dma_wait3A_153 = arith.constant 10 : i32
    %dma_wait3A_154 = arith.constant 1280 : i32
    %dma_wait3A_155 = tpu.memref_slice %arg11[%dma_wait3A_154] : memref<4096xf32, #tpu.memory_space<vmem>> -> memref<128xf32, #tpu.memory_space<vmem>>
    %dma_wait3A_156 = arith.constant 0 : i32
    %dma_wait3A_157 = tpu.memref_slice %arg10[%dma_wait3A_153, %dma_wait3A_156] : memref<32x128xi32, #tpu.memory_space<vmem>> -> memref<1x128xi32, #tpu.memory_space<vmem>>
    %dma_wait3A_158 = tpu.memref_squeeze %dma_wait3A_157 : memref<1x128xi32, #tpu.memory_space<vmem>> -> memref<128xi32, #tpu.memory_space<vmem>>
    %dma_wait3A_159 = arith.constant 0 : i32
    %dma_wait3A_160 = tpu.memref_slice %arg2[%dma_wait3A_159] : memref<16777216xf32, #tpu.memory_space<hbm>> -> memref<16777216xf32, #tpu.memory_space<hbm>>
    tpu.wait_indirect_dma semaphore(%arg17 : memref<!tpu.dma_semaphore, #tpu.memory_space<semaphore_mem>>) src(%dma_wait3A_160 : memref<16777216xf32, #tpu.memory_space<hbm>>) dst(%dma_wait3A_155 : memref<128xf32, #tpu.memory_space<vmem>>)
    %dma_wait3A_161 = arith.constant 11 : i32
    %dma_wait3A_162 = arith.constant 1408 : i32
    %dma_wait3A_163 = tpu.memref_slice %arg11[%dma_wait3A_162] : memref<4096xf32, #tpu.memory_space<vmem>> -> memref<128xf32, #tpu.memory_space<vmem>>
    %dma_wait3A_164 = arith.constant 0 : i32
    %dma_wait3A_165 = tpu.memref_slice %arg10[%dma_wait3A_161, %dma_wait3A_164] : memref<32x128xi32, #tpu.memory_space<vmem>> -> memref<1x128xi32, #tpu.memory_space<vmem>>
    %dma_wait3A_166 = tpu.memref_squeeze %dma_wait3A_165 : memref<1x128xi32, #tpu.memory_space<vmem>> -> memref<128xi32, #tpu.memory_space<vmem>>
    %dma_wait3A_167 = arith.constant 0 : i32
    %dma_wait3A_168 = tpu.memref_slice %arg2[%dma_wait3A_167] : memref<16777216xf32, #tpu.memory_space<hbm>> -> memref<16777216xf32, #tpu.memory_space<hbm>>
    tpu.wait_indirect_dma semaphore(%arg17 : memref<!tpu.dma_semaphore, #tpu.memory_space<semaphore_mem>>) src(%dma_wait3A_168 : memref<16777216xf32, #tpu.memory_space<hbm>>) dst(%dma_wait3A_163 : memref<128xf32, #tpu.memory_space<vmem>>)
    %dma_wait3A_169 = arith.constant 12 : i32
    %dma_wait3A_170 = arith.constant 1536 : i32
    %dma_wait3A_171 = tpu.memref_slice %arg11[%dma_wait3A_170] : memref<4096xf32, #tpu.memory_space<vmem>> -> memref<128xf32, #tpu.memory_space<vmem>>
    %dma_wait3A_172 = arith.constant 0 : i32
    %dma_wait3A_173 = tpu.memref_slice %arg10[%dma_wait3A_169, %dma_wait3A_172] : memref<32x128xi32, #tpu.memory_space<vmem>> -> memref<1x128xi32, #tpu.memory_space<vmem>>
    %dma_wait3A_174 = tpu.memref_squeeze %dma_wait3A_173 : memref<1x128xi32, #tpu.memory_space<vmem>> -> memref<128xi32, #tpu.memory_space<vmem>>
    %dma_wait3A_175 = arith.constant 0 : i32
    %dma_wait3A_176 = tpu.memref_slice %arg2[%dma_wait3A_175] : memref<16777216xf32, #tpu.memory_space<hbm>> -> memref<16777216xf32, #tpu.memory_space<hbm>>
    tpu.wait_indirect_dma semaphore(%arg17 : memref<!tpu.dma_semaphore, #tpu.memory_space<semaphore_mem>>) src(%dma_wait3A_176 : memref<16777216xf32, #tpu.memory_space<hbm>>) dst(%dma_wait3A_171 : memref<128xf32, #tpu.memory_space<vmem>>)
    %dma_wait3A_177 = arith.constant 13 : i32
    %dma_wait3A_178 = arith.constant 1664 : i32
    %dma_wait3A_179 = tpu.memref_slice %arg11[%dma_wait3A_178] : memref<4096xf32, #tpu.memory_space<vmem>> -> memref<128xf32, #tpu.memory_space<vmem>>
    %dma_wait3A_180 = arith.constant 0 : i32
    %dma_wait3A_181 = tpu.memref_slice %arg10[%dma_wait3A_177, %dma_wait3A_180] : memref<32x128xi32, #tpu.memory_space<vmem>> -> memref<1x128xi32, #tpu.memory_space<vmem>>
    %dma_wait3A_182 = tpu.memref_squeeze %dma_wait3A_181 : memref<1x128xi32, #tpu.memory_space<vmem>> -> memref<128xi32, #tpu.memory_space<vmem>>
    %dma_wait3A_183 = arith.constant 0 : i32
    %dma_wait3A_184 = tpu.memref_slice %arg2[%dma_wait3A_183] : memref<16777216xf32, #tpu.memory_space<hbm>> -> memref<16777216xf32, #tpu.memory_space<hbm>>
    tpu.wait_indirect_dma semaphore(%arg17 : memref<!tpu.dma_semaphore, #tpu.memory_space<semaphore_mem>>) src(%dma_wait3A_184 : memref<16777216xf32, #tpu.memory_space<hbm>>) dst(%dma_wait3A_179 : memref<128xf32, #tpu.memory_space<vmem>>)
    %dma_wait3A_185 = arith.constant 14 : i32
    %dma_wait3A_186 = arith.constant 1792 : i32
    %dma_wait3A_187 = tpu.memref_slice %arg11[%dma_wait3A_186] : memref<4096xf32, #tpu.memory_space<vmem>> -> memref<128xf32, #tpu.memory_space<vmem>>
    %dma_wait3A_188 = arith.constant 0 : i32
    %dma_wait3A_189 = tpu.memref_slice %arg10[%dma_wait3A_185, %dma_wait3A_188] : memref<32x128xi32, #tpu.memory_space<vmem>> -> memref<1x128xi32, #tpu.memory_space<vmem>>
    %dma_wait3A_190 = tpu.memref_squeeze %dma_wait3A_189 : memref<1x128xi32, #tpu.memory_space<vmem>> -> memref<128xi32, #tpu.memory_space<vmem>>
    %dma_wait3A_191 = arith.constant 0 : i32
    %dma_wait3A_192 = tpu.memref_slice %arg2[%dma_wait3A_191] : memref<16777216xf32, #tpu.memory_space<hbm>> -> memref<16777216xf32, #tpu.memory_space<hbm>>
    tpu.wait_indirect_dma semaphore(%arg17 : memref<!tpu.dma_semaphore, #tpu.memory_space<semaphore_mem>>) src(%dma_wait3A_192 : memref<16777216xf32, #tpu.memory_space<hbm>>) dst(%dma_wait3A_187 : memref<128xf32, #tpu.memory_space<vmem>>)
    %dma_wait3A_193 = arith.constant 15 : i32
    %dma_wait3A_194 = arith.constant 1920 : i32
    %dma_wait3A_195 = tpu.memref_slice %arg11[%dma_wait3A_194] : memref<4096xf32, #tpu.memory_space<vmem>> -> memref<128xf32, #tpu.memory_space<vmem>>
    %dma_wait3A_196 = arith.constant 0 : i32
    %dma_wait3A_197 = tpu.memref_slice %arg10[%dma_wait3A_193, %dma_wait3A_196] : memref<32x128xi32, #tpu.memory_space<vmem>> -> memref<1x128xi32, #tpu.memory_space<vmem>>
    %dma_wait3A_198 = tpu.memref_squeeze %dma_wait3A_197 : memref<1x128xi32, #tpu.memory_space<vmem>> -> memref<128xi32, #tpu.memory_space<vmem>>
    %dma_wait3A_199 = arith.constant 0 : i32
    %dma_wait3A_200 = tpu.memref_slice %arg2[%dma_wait3A_199] : memref<16777216xf32, #tpu.memory_space<hbm>> -> memref<16777216xf32, #tpu.memory_space<hbm>>
    tpu.wait_indirect_dma semaphore(%arg17 : memref<!tpu.dma_semaphore, #tpu.memory_space<semaphore_mem>>) src(%dma_wait3A_200 : memref<16777216xf32, #tpu.memory_space<hbm>>) dst(%dma_wait3A_195 : memref<128xf32, #tpu.memory_space<vmem>>)
    %scan3A_201 = arith.constant 4 : i32
    %scan3A_202 = arith.constant 4 : i32
    %scan3A_203 = arith.addi %scan3A_201, %scan3A_202 : i32
    %scan3A_204 = arith.constant 1 : i32
    %scan3A_205:2 = scf.for %scan3A_350 = %scan3A_201 to %scan3A_203 step %scan3A_204 iter_args(%scan3A_351 = %scan3A_135#0, %scan3A_352 = %scan3A_135#1) -> (vector<16xf32>, vector<16xf32>)  : i32 {
      %mul3A_353 = arith.constant 16 : i32
      %mul3A_354 = arith.muli %scan3A_350, %mul3A_353 : i32
      %get3A = arith.index_cast %mul3A_354 : i32 to index
      %get3A_355 = tpu.vector_load %arg8[%get3A] {strides = array<i32>} : memref<256xf32, #tpu.memory_space<vmem>>, vector<16xf32>,
      %jit3A = arith.constant 8 : i32
      %div3A = arith.divsi %scan3A_350, %jit3A : i32
      %sign3A = arith.constant 0 : i32
      %sign3A_356 = arith.cmpi sgt, %scan3A_350, %sign3A : i32
      %sign3A_357 = arith.extui %sign3A_356 : i1 to i32
      %sign3A_358 = arith.constant 0 : i32
      %sign3A_359 = arith.cmpi slt, %scan3A_350, %sign3A_358 : i32
      %sign3A_360 = arith.extui %sign3A_359 : i1 to i32
      %sign3A_361 = arith.subi %sign3A_357, %sign3A_360 : i32
      %sign3A_362 = arith.constant 0 : i32
      %sign3A_363 = arith.cmpi sgt, %jit3A, %sign3A_362 : i32
      %sign3A_364 = arith.extui %sign3A_363 : i1 to i32
      %sign3A_365 = arith.constant 0 : i32
      %sign3A_366 = arith.cmpi slt, %jit3A, %sign3A_365 : i32
      %sign3A_367 = arith.extui %sign3A_366 : i1 to i32
      %sign3A_368 = arith.subi %sign3A_364, %sign3A_367 : i32
      %ne3A = arith.cmpi ne, %sign3A_361, %sign3A_368 : i32
      %rem3A = arith.remsi %scan3A_350, %jit3A : i32
      %ne3A_369 = arith.constant 0 : i32
      %ne3A_370 = arith.cmpi ne, %rem3A, %ne3A_369 : i32
      %and3A = arith.andi %ne3A, %ne3A_370 : i1
      %sub3A = arith.constant 1 : i32
      %sub3A_371 = arith.subi %div3A, %sub3A : i32
      %select_n3A = arith.select %and3A, %sub3A_371, %div3A : i32
      %jit3A_372 = arith.constant 8 : i32
      %eq3A = arith.constant 0 : i32
      %eq3A_373 = arith.cmpi eq, %jit3A_372, %eq3A : i32
      %jit3A_374 = arith.constant 1 : i32
      %select_n3A_375 = arith.select %eq3A_373, %jit3A_374, %jit3A_372 : i32
      %rem3A_376 = arith.remsi %scan3A_350, %select_n3A_375 : i32
      %ne3A_377 = arith.constant 0 : i32
      %ne3A_378 = arith.cmpi ne, %rem3A_376, %ne3A_377 : i32
      %lt3A = arith.constant 0 : i32
      %lt3A_379 = arith.cmpi slt, %rem3A_376, %lt3A : i32
      %lt3A_380 = arith.constant 0 : i32
      %lt3A_381 = arith.cmpi slt, %select_n3A_375, %lt3A_380 : i32
      %ne3A_382 = arith.xori %lt3A_379, %lt3A_381 : i1
      %and3A_383 = arith.andi %ne3A_382, %ne3A_378 : i1
      %add3A_384 = arith.addi %rem3A_376, %select_n3A_375 : i32
      %select_n3A_385 = arith.select %and3A_383, %add3A_384, %rem3A_376 : i32
      %mul3A_386 = arith.constant 256 : i32
      %mul3A_387 = arith.muli %scan3A_350, %mul3A_386 : i32
      %mul3A_388 = arith.constant 2048 : i32
      %mul3A_389 = arith.muli %select_n3A, %mul3A_388 : i32
      %mul3A_390 = arith.constant 16 : i32
      %mul3A_391 = arith.muli %select_n3A_385, %mul3A_390 : i32
      %add3A_392 = arith.addi %mul3A_389, %mul3A_391 : i32
      %scan3A_393 = arith.constant 0 : i32
      %scan3A_394 = arith.constant 16 : i32
      %scan3A_395 = arith.addi %scan3A_393, %scan3A_394 : i32
      %scan3A_396 = arith.constant 1 : i32
      %scan3A_397 = scf.for %scan3A_400 = %scan3A_393 to %scan3A_395 step %scan3A_396 iter_args(%scan3A_401 = %scan3A_351) -> (vector<16xf32>)  : i32 {
        %mul3A_402 = arith.constant 16 : i32
        %mul3A_403 = arith.muli %scan3A_400, %mul3A_402 : i32
        %add3A_404 = arith.addi %mul3A_387, %mul3A_403 : i32
        %get3A_405 = arith.index_cast %add3A_404 : i32 to index
        %get3A_406 = tpu.vector_load %arg11[%get3A_405] {strides = array<i32>} : memref<4096xf32, #tpu.memory_space<vmem>>, vector<16xf32>,
        %mul3A_407 = arith.constant 128 : i32
        %mul3A_408 = arith.muli %scan3A_400, %mul3A_407 : i32
        %add3A_409 = arith.addi %add3A_392, %mul3A_408 : i32
        %get3A_410 = arith.index_cast %add3A_409 : i32 to index
        %get3A_411 = tpu.vector_load %arg9[%get3A_410] {strides = array<i32>} : memref<4096xf32, #tpu.memory_space<vmem>>, vector<16xf32>,
        %sub3A_412 = arith.subf %get3A_406, %get3A_411 : vector<16xf32>
        %abs3A = math.absf %sub3A_412 : vector<16xf32>
        %lt3A_413 = arith.constant 1.000000e+00 : f32
        %lt3A_414 = vector.broadcast %lt3A_413 : f32 to vector<16xf32>
        %lt3A_415 = arith.cmpf olt, %abs3A, %lt3A_414 : vector<16xf32>
        %mul3A_416 = arith.constant 5.000000e-01 : f32
        %mul3A_417 = vector.broadcast %mul3A_416 : f32 to vector<16xf32>
        %mul3A_418 = arith.mulf %mul3A_417, %abs3A : vector<16xf32>
        %mul3A_419 = arith.mulf %mul3A_418, %abs3A : vector<16xf32>
        %sub3A_420 = arith.constant 5.000000e-01 : f32
        %sub3A_421 = vector.broadcast %sub3A_420 : f32 to vector<16xf32>
        %sub3A_422 = arith.subf %abs3A, %sub3A_421 : vector<16xf32>
        %select_n3A_423 = arith.select %lt3A_415, %mul3A_419, %sub3A_422 : vector<16xi1>, vector<16xf32>
        %mul3A_424 = arith.mulf %select_n3A_423, %get3A_355 : vector<16xf32>
        %add3A_425 = arith.addf %scan3A_401, %mul3A_424 : vector<16xf32>
        scf.yield %add3A_425 : vector<16xf32>
      }
      %scan3A_398 = arith.constant 16 : i32
      %add3A_399 = arith.addf %scan3A_352, %get3A_355 : vector<16xf32>
      scf.yield %scan3A_397, %add3A_399 : vector<16xf32>, vector<16xf32>
    }
    %scan3A_206 = arith.constant 4 : i32
    %dma_wait3A_207 = arith.constant 16 : i32
    %dma_wait3A_208 = arith.constant 2048 : i32
    %dma_wait3A_209 = tpu.memref_slice %arg11[%dma_wait3A_208] : memref<4096xf32, #tpu.memory_space<vmem>> -> memref<128xf32, #tpu.memory_space<vmem>>
    %dma_wait3A_210 = arith.constant 0 : i32
    %dma_wait3A_211 = tpu.memref_slice %arg10[%dma_wait3A_207, %dma_wait3A_210] : memref<32x128xi32, #tpu.memory_space<vmem>> -> memref<1x128xi32, #tpu.memory_space<vmem>>
    %dma_wait3A_212 = tpu.memref_squeeze %dma_wait3A_211 : memref<1x128xi32, #tpu.memory_space<vmem>> -> memref<128xi32, #tpu.memory_space<vmem>>
    %dma_wait3A_213 = arith.constant 0 : i32
    %dma_wait3A_214 = tpu.memref_slice %arg2[%dma_wait3A_213] : memref<16777216xf32, #tpu.memory_space<hbm>> -> memref<16777216xf32, #tpu.memory_space<hbm>>
    tpu.wait_indirect_dma semaphore(%arg18 : memref<!tpu.dma_semaphore, #tpu.memory_space<semaphore_mem>>) src(%dma_wait3A_214 : memref<16777216xf32, #tpu.memory_space<hbm>>) dst(%dma_wait3A_209 : memref<128xf32, #tpu.memory_space<vmem>>)
    %dma_wait3A_215 = arith.constant 17 : i32
    %dma_wait3A_216 = arith.constant 2176 : i32
    %dma_wait3A_217 = tpu.memref_slice %arg11[%dma_wait3A_216] : memref<4096xf32, #tpu.memory_space<vmem>> -> memref<128xf32, #tpu.memory_space<vmem>>
    %dma_wait3A_218 = arith.constant 0 : i32
    %dma_wait3A_219 = tpu.memref_slice %arg10[%dma_wait3A_215, %dma_wait3A_218] : memref<32x128xi32, #tpu.memory_space<vmem>> -> memref<1x128xi32, #tpu.memory_space<vmem>>
    %dma_wait3A_220 = tpu.memref_squeeze %dma_wait3A_219 : memref<1x128xi32, #tpu.memory_space<vmem>> -> memref<128xi32, #tpu.memory_space<vmem>>
    %dma_wait3A_221 = arith.constant 0 : i32
    %dma_wait3A_222 = tpu.memref_slice %arg2[%dma_wait3A_221] : memref<16777216xf32, #tpu.memory_space<hbm>> -> memref<16777216xf32, #tpu.memory_space<hbm>>
    tpu.wait_indirect_dma semaphore(%arg18 : memref<!tpu.dma_semaphore, #tpu.memory_space<semaphore_mem>>) src(%dma_wait3A_222 : memref<16777216xf32, #tpu.memory_space<hbm>>) dst(%dma_wait3A_217 : memref<128xf32, #tpu.memory_space<vmem>>)
    %dma_wait3A_223 = arith.constant 18 : i32
    %dma_wait3A_224 = arith.constant 2304 : i32
    %dma_wait3A_225 = tpu.memref_slice %arg11[%dma_wait3A_224] : memref<4096xf32, #tpu.memory_space<vmem>> -> memref<128xf32, #tpu.memory_space<vmem>>
    %dma_wait3A_226 = arith.constant 0 : i32
    %dma_wait3A_227 = tpu.memref_slice %arg10[%dma_wait3A_223, %dma_wait3A_226] : memref<32x128xi32, #tpu.memory_space<vmem>> -> memref<1x128xi32, #tpu.memory_space<vmem>>
    %dma_wait3A_228 = tpu.memref_squeeze %dma_wait3A_227 : memref<1x128xi32, #tpu.memory_space<vmem>> -> memref<128xi32, #tpu.memory_space<vmem>>
    %dma_wait3A_229 = arith.constant 0 : i32
    %dma_wait3A_230 = tpu.memref_slice %arg2[%dma_wait3A_229] : memref<16777216xf32, #tpu.memory_space<hbm>> -> memref<16777216xf32, #tpu.memory_space<hbm>>
    tpu.wait_indirect_dma semaphore(%arg18 : memref<!tpu.dma_semaphore, #tpu.memory_space<semaphore_mem>>) src(%dma_wait3A_230 : memref<16777216xf32, #tpu.memory_space<hbm>>) dst(%dma_wait3A_225 : memref<128xf32, #tpu.memory_space<vmem>>)
    %dma_wait3A_231 = arith.constant 19 : i32
    %dma_wait3A_232 = arith.constant 2432 : i32
    %dma_wait3A_233 = tpu.memref_slice %arg11[%dma_wait3A_232] : memref<4096xf32, #tpu.memory_space<vmem>> -> memref<128xf32, #tpu.memory_space<vmem>>
    %dma_wait3A_234 = arith.constant 0 : i32
    %dma_wait3A_235 = tpu.memref_slice %arg10[%dma_wait3A_231, %dma_wait3A_234] : memref<32x128xi32, #tpu.memory_space<vmem>> -> memref<1x128xi32, #tpu.memory_space<vmem>>
    %dma_wait3A_236 = tpu.memref_squeeze %dma_wait3A_235 : memref<1x128xi32, #tpu.memory_space<vmem>> -> memref<128xi32, #tpu.memory_space<vmem>>
    %dma_wait3A_237 = arith.constant 0 : i32
    %dma_wait3A_238 = tpu.memref_slice %arg2[%dma_wait3A_237] : memref<16777216xf32, #tpu.memory_space<hbm>> -> memref<16777216xf32, #tpu.memory_space<hbm>>
    tpu.wait_indirect_dma semaphore(%arg18 : memref<!tpu.dma_semaphore, #tpu.memory_space<semaphore_mem>>) src(%dma_wait3A_238 : memref<16777216xf32, #tpu.memory_space<hbm>>) dst(%dma_wait3A_233 : memref<128xf32, #tpu.memory_space<vmem>>)
    %dma_wait3A_239 = arith.constant 20 : i32
    %dma_wait3A_240 = arith.constant 2560 : i32
    %dma_wait3A_241 = tpu.memref_slice %arg11[%dma_wait3A_240] : memref<4096xf32, #tpu.memory_space<vmem>> -> memref<128xf32, #tpu.memory_space<vmem>>
    %dma_wait3A_242 = arith.constant 0 : i32
    %dma_wait3A_243 = tpu.memref_slice %arg10[%dma_wait3A_239, %dma_wait3A_242] : memref<32x128xi32, #tpu.memory_space<vmem>> -> memref<1x128xi32, #tpu.memory_space<vmem>>
    %dma_wait3A_244 = tpu.memref_squeeze %dma_wait3A_243 : memref<1x128xi32, #tpu.memory_space<vmem>> -> memref<128xi32, #tpu.memory_space<vmem>>
    %dma_wait3A_245 = arith.constant 0 : i32
    %dma_wait3A_246 = tpu.memref_slice %arg2[%dma_wait3A_245] : memref<16777216xf32, #tpu.memory_space<hbm>> -> memref<16777216xf32, #tpu.memory_space<hbm>>
    tpu.wait_indirect_dma semaphore(%arg18 : memref<!tpu.dma_semaphore, #tpu.memory_space<semaphore_mem>>) src(%dma_wait3A_246 : memref<16777216xf32, #tpu.memory_space<hbm>>) dst(%dma_wait3A_241 : memref<128xf32, #tpu.memory_space<vmem>>)
    %dma_wait3A_247 = arith.constant 21 : i32
    %dma_wait3A_248 = arith.constant 2688 : i32
    %dma_wait3A_249 = tpu.memref_slice %arg11[%dma_wait3A_248] : memref<4096xf32, #tpu.memory_space<vmem>> -> memref<128xf32, #tpu.memory_space<vmem>>
    %dma_wait3A_250 = arith.constant 0 : i32
    %dma_wait3A_251 = tpu.memref_slice %arg10[%dma_wait3A_247, %dma_wait3A_250] : memref<32x128xi32, #tpu.memory_space<vmem>> -> memref<1x128xi32, #tpu.memory_space<vmem>>
    %dma_wait3A_252 = tpu.memref_squeeze %dma_wait3A_251 : memref<1x128xi32, #tpu.memory_space<vmem>> -> memref<128xi32, #tpu.memory_space<vmem>>
    %dma_wait3A_253 = arith.constant 0 : i32
    %dma_wait3A_254 = tpu.memref_slice %arg2[%dma_wait3A_253] : memref<16777216xf32, #tpu.memory_space<hbm>> -> memref<16777216xf32, #tpu.memory_space<hbm>>
    tpu.wait_indirect_dma semaphore(%arg18 : memref<!tpu.dma_semaphore, #tpu.memory_space<semaphore_mem>>) src(%dma_wait3A_254 : memref<16777216xf32, #tpu.memory_space<hbm>>) dst(%dma_wait3A_249 : memref<128xf32, #tpu.memory_space<vmem>>)
    %dma_wait3A_255 = arith.constant 22 : i32
    %dma_wait3A_256 = arith.constant 2816 : i32
    %dma_wait3A_257 = tpu.memref_slice %arg11[%dma_wait3A_256] : memref<4096xf32, #tpu.memory_space<vmem>> -> memref<128xf32, #tpu.memory_space<vmem>>
    %dma_wait3A_258 = arith.constant 0 : i32
    %dma_wait3A_259 = tpu.memref_slice %arg10[%dma_wait3A_255, %dma_wait3A_258] : memref<32x128xi32, #tpu.memory_space<vmem>> -> memref<1x128xi32, #tpu.memory_space<vmem>>
    %dma_wait3A_260 = tpu.memref_squeeze %dma_wait3A_259 : memref<1x128xi32, #tpu.memory_space<vmem>> -> memref<128xi32, #tpu.memory_space<vmem>>
    %dma_wait3A_261 = arith.constant 0 : i32
    %dma_wait3A_262 = tpu.memref_slice %arg2[%dma_wait3A_261] : memref<16777216xf32, #tpu.memory_space<hbm>> -> memref<16777216xf32, #tpu.memory_space<hbm>>
    tpu.wait_indirect_dma semaphore(%arg18 : memref<!tpu.dma_semaphore, #tpu.memory_space<semaphore_mem>>) src(%dma_wait3A_262 : memref<16777216xf32, #tpu.memory_space<hbm>>) dst(%dma_wait3A_257 : memref<128xf32, #tpu.memory_space<vmem>>)
    %dma_wait3A_263 = arith.constant 23 : i32
    %dma_wait3A_264 = arith.constant 2944 : i32
    %dma_wait3A_265 = tpu.memref_slice %arg11[%dma_wait3A_264] : memref<4096xf32, #tpu.memory_space<vmem>> -> memref<128xf32, #tpu.memory_space<vmem>>
    %dma_wait3A_266 = arith.constant 0 : i32
    %dma_wait3A_267 = tpu.memref_slice %arg10[%dma_wait3A_263, %dma_wait3A_266] : memref<32x128xi32, #tpu.memory_space<vmem>> -> memref<1x128xi32, #tpu.memory_space<vmem>>
    %dma_wait3A_268 = tpu.memref_squeeze %dma_wait3A_267 : memref<1x128xi32, #tpu.memory_space<vmem>> -> memref<128xi32, #tpu.memory_space<vmem>>
    %dma_wait3A_269 = arith.constant 0 : i32
    %dma_wait3A_270 = tpu.memref_slice %arg2[%dma_wait3A_269] : memref<16777216xf32, #tpu.memory_space<hbm>> -> memref<16777216xf32, #tpu.memory_space<hbm>>
    tpu.wait_indirect_dma semaphore(%arg18 : memref<!tpu.dma_semaphore, #tpu.memory_space<semaphore_mem>>) src(%dma_wait3A_270 : memref<16777216xf32, #tpu.memory_space<hbm>>) dst(%dma_wait3A_265 : memref<128xf32, #tpu.memory_space<vmem>>)
    %scan3A_271 = arith.constant 8 : i32
    %scan3A_272 = arith.constant 4 : i32
    %scan3A_273 = arith.addi %scan3A_271, %scan3A_272 : i32
    %scan3A_274 = arith.constant 1 : i32
    %scan3A_275:2 = scf.for %scan3A_350 = %scan3A_271 to %scan3A_273 step %scan3A_274 iter_args(%scan3A_351 = %scan3A_205#0, %scan3A_352 = %scan3A_205#1) -> (vector<16xf32>, vector<16xf32>)  : i32 {
      %mul3A_353 = arith.constant 16 : i32
      %mul3A_354 = arith.muli %scan3A_350, %mul3A_353 : i32
      %get3A = arith.index_cast %mul3A_354 : i32 to index
      %get3A_355 = tpu.vector_load %arg8[%get3A] {strides = array<i32>} : memref<256xf32, #tpu.memory_space<vmem>>, vector<16xf32>,
      %jit3A = arith.constant 8 : i32
      %div3A = arith.divsi %scan3A_350, %jit3A : i32
      %sign3A = arith.constant 0 : i32
      %sign3A_356 = arith.cmpi sgt, %scan3A_350, %sign3A : i32
      %sign3A_357 = arith.extui %sign3A_356 : i1 to i32
      %sign3A_358 = arith.constant 0 : i32
      %sign3A_359 = arith.cmpi slt, %scan3A_350, %sign3A_358 : i32
      %sign3A_360 = arith.extui %sign3A_359 : i1 to i32
      %sign3A_361 = arith.subi %sign3A_357, %sign3A_360 : i32
      %sign3A_362 = arith.constant 0 : i32
      %sign3A_363 = arith.cmpi sgt, %jit3A, %sign3A_362 : i32
      %sign3A_364 = arith.extui %sign3A_363 : i1 to i32
      %sign3A_365 = arith.constant 0 : i32
      %sign3A_366 = arith.cmpi slt, %jit3A, %sign3A_365 : i32
      %sign3A_367 = arith.extui %sign3A_366 : i1 to i32
      %sign3A_368 = arith.subi %sign3A_364, %sign3A_367 : i32
      %ne3A = arith.cmpi ne, %sign3A_361, %sign3A_368 : i32
      %rem3A = arith.remsi %scan3A_350, %jit3A : i32
      %ne3A_369 = arith.constant 0 : i32
      %ne3A_370 = arith.cmpi ne, %rem3A, %ne3A_369 : i32
      %and3A = arith.andi %ne3A, %ne3A_370 : i1
      %sub3A = arith.constant 1 : i32
      %sub3A_371 = arith.subi %div3A, %sub3A : i32
      %select_n3A = arith.select %and3A, %sub3A_371, %div3A : i32
      %jit3A_372 = arith.constant 8 : i32
      %eq3A = arith.constant 0 : i32
      %eq3A_373 = arith.cmpi eq, %jit3A_372, %eq3A : i32
      %jit3A_374 = arith.constant 1 : i32
      %select_n3A_375 = arith.select %eq3A_373, %jit3A_374, %jit3A_372 : i32
      %rem3A_376 = arith.remsi %scan3A_350, %select_n3A_375 : i32
      %ne3A_377 = arith.constant 0 : i32
      %ne3A_378 = arith.cmpi ne, %rem3A_376, %ne3A_377 : i32
      %lt3A = arith.constant 0 : i32
      %lt3A_379 = arith.cmpi slt, %rem3A_376, %lt3A : i32
      %lt3A_380 = arith.constant 0 : i32
      %lt3A_381 = arith.cmpi slt, %select_n3A_375, %lt3A_380 : i32
      %ne3A_382 = arith.xori %lt3A_379, %lt3A_381 : i1
      %and3A_383 = arith.andi %ne3A_382, %ne3A_378 : i1
      %add3A_384 = arith.addi %rem3A_376, %select_n3A_375 : i32
      %select_n3A_385 = arith.select %and3A_383, %add3A_384, %rem3A_376 : i32
      %mul3A_386 = arith.constant 256 : i32
      %mul3A_387 = arith.muli %scan3A_350, %mul3A_386 : i32
      %mul3A_388 = arith.constant 2048 : i32
      %mul3A_389 = arith.muli %select_n3A, %mul3A_388 : i32
      %mul3A_390 = arith.constant 16 : i32
      %mul3A_391 = arith.muli %select_n3A_385, %mul3A_390 : i32
      %add3A_392 = arith.addi %mul3A_389, %mul3A_391 : i32
      %scan3A_393 = arith.constant 0 : i32
      %scan3A_394 = arith.constant 16 : i32
      %scan3A_395 = arith.addi %scan3A_393, %scan3A_394 : i32
      %scan3A_396 = arith.constant 1 : i32
      %scan3A_397 = scf.for %scan3A_400 = %scan3A_393 to %scan3A_395 step %scan3A_396 iter_args(%scan3A_401 = %scan3A_351) -> (vector<16xf32>)  : i32 {
        %mul3A_402 = arith.constant 16 : i32
        %mul3A_403 = arith.muli %scan3A_400, %mul3A_402 : i32
        %add3A_404 = arith.addi %mul3A_387, %mul3A_403 : i32
        %get3A_405 = arith.index_cast %add3A_404 : i32 to index
        %get3A_406 = tpu.vector_load %arg11[%get3A_405] {strides = array<i32>} : memref<4096xf32, #tpu.memory_space<vmem>>, vector<16xf32>,
        %mul3A_407 = arith.constant 128 : i32
        %mul3A_408 = arith.muli %scan3A_400, %mul3A_407 : i32
        %add3A_409 = arith.addi %add3A_392, %mul3A_408 : i32
        %get3A_410 = arith.index_cast %add3A_409 : i32 to index
        %get3A_411 = tpu.vector_load %arg9[%get3A_410] {strides = array<i32>} : memref<4096xf32, #tpu.memory_space<vmem>>, vector<16xf32>,
        %sub3A_412 = arith.subf %get3A_406, %get3A_411 : vector<16xf32>
        %abs3A = math.absf %sub3A_412 : vector<16xf32>
        %lt3A_413 = arith.constant 1.000000e+00 : f32
        %lt3A_414 = vector.broadcast %lt3A_413 : f32 to vector<16xf32>
        %lt3A_415 = arith.cmpf olt, %abs3A, %lt3A_414 : vector<16xf32>
        %mul3A_416 = arith.constant 5.000000e-01 : f32
        %mul3A_417 = vector.broadcast %mul3A_416 : f32 to vector<16xf32>
        %mul3A_418 = arith.mulf %mul3A_417, %abs3A : vector<16xf32>
        %mul3A_419 = arith.mulf %mul3A_418, %abs3A : vector<16xf32>
        %sub3A_420 = arith.constant 5.000000e-01 : f32
        %sub3A_421 = vector.broadcast %sub3A_420 : f32 to vector<16xf32>
        %sub3A_422 = arith.subf %abs3A, %sub3A_421 : vector<16xf32>
        %select_n3A_423 = arith.select %lt3A_415, %mul3A_419, %sub3A_422 : vector<16xi1>, vector<16xf32>
        %mul3A_424 = arith.mulf %select_n3A_423, %get3A_355 : vector<16xf32>
        %add3A_425 = arith.addf %scan3A_401, %mul3A_424 : vector<16xf32>
        scf.yield %add3A_425 : vector<16xf32>
      }
      %scan3A_398 = arith.constant 16 : i32
      %add3A_399 = arith.addf %scan3A_352, %get3A_355 : vector<16xf32>
      scf.yield %scan3A_397, %add3A_399 : vector<16xf32>, vector<16xf32>
    }
    %scan3A_276 = arith.constant 4 : i32
    %dma_wait3A_277 = arith.constant 24 : i32
    %dma_wait3A_278 = arith.constant 3072 : i32
    %dma_wait3A_279 = tpu.memref_slice %arg11[%dma_wait3A_278] : memref<4096xf32, #tpu.memory_space<vmem>> -> memref<128xf32, #tpu.memory_space<vmem>>
    %dma_wait3A_280 = arith.constant 0 : i32
    %dma_wait3A_281 = tpu.memref_slice %arg10[%dma_wait3A_277, %dma_wait3A_280] : memref<32x128xi32, #tpu.memory_space<vmem>> -> memref<1x128xi32, #tpu.memory_space<vmem>>
    %dma_wait3A_282 = tpu.memref_squeeze %dma_wait3A_281 : memref<1x128xi32, #tpu.memory_space<vmem>> -> memref<128xi32, #tpu.memory_space<vmem>>
    %dma_wait3A_283 = arith.constant 0 : i32
    %dma_wait3A_284 = tpu.memref_slice %arg2[%dma_wait3A_283] : memref<16777216xf32, #tpu.memory_space<hbm>> -> memref<16777216xf32, #tpu.memory_space<hbm>>
    tpu.wait_indirect_dma semaphore(%arg19 : memref<!tpu.dma_semaphore, #tpu.memory_space<semaphore_mem>>) src(%dma_wait3A_284 : memref<16777216xf32, #tpu.memory_space<hbm>>) dst(%dma_wait3A_279 : memref<128xf32, #tpu.memory_space<vmem>>)
    %dma_wait3A_285 = arith.constant 25 : i32
    %dma_wait3A_286 = arith.constant 3200 : i32
    %dma_wait3A_287 = tpu.memref_slice %arg11[%dma_wait3A_286] : memref<4096xf32, #tpu.memory_space<vmem>> -> memref<128xf32, #tpu.memory_space<vmem>>
    %dma_wait3A_288 = arith.constant 0 : i32
    %dma_wait3A_289 = tpu.memref_slice %arg10[%dma_wait3A_285, %dma_wait3A_288] : memref<32x128xi32, #tpu.memory_space<vmem>> -> memref<1x128xi32, #tpu.memory_space<vmem>>
    %dma_wait3A_290 = tpu.memref_squeeze %dma_wait3A_289 : memref<1x128xi32, #tpu.memory_space<vmem>> -> memref<128xi32, #tpu.memory_space<vmem>>
    %dma_wait3A_291 = arith.constant 0 : i32
    %dma_wait3A_292 = tpu.memref_slice %arg2[%dma_wait3A_291] : memref<16777216xf32, #tpu.memory_space<hbm>> -> memref<16777216xf32, #tpu.memory_space<hbm>>
    tpu.wait_indirect_dma semaphore(%arg19 : memref<!tpu.dma_semaphore, #tpu.memory_space<semaphore_mem>>) src(%dma_wait3A_292 : memref<16777216xf32, #tpu.memory_space<hbm>>) dst(%dma_wait3A_287 : memref<128xf32, #tpu.memory_space<vmem>>)
    %dma_wait3A_293 = arith.constant 26 : i32
    %dma_wait3A_294 = arith.constant 3328 : i32
    %dma_wait3A_295 = tpu.memref_slice %arg11[%dma_wait3A_294] : memref<4096xf32, #tpu.memory_space<vmem>> -> memref<128xf32, #tpu.memory_space<vmem>>
    %dma_wait3A_296 = arith.constant 0 : i32
    %dma_wait3A_297 = tpu.memref_slice %arg10[%dma_wait3A_293, %dma_wait3A_296] : memref<32x128xi32, #tpu.memory_space<vmem>> -> memref<1x128xi32, #tpu.memory_space<vmem>>
    %dma_wait3A_298 = tpu.memref_squeeze %dma_wait3A_297 : memref<1x128xi32, #tpu.memory_space<vmem>> -> memref<128xi32, #tpu.memory_space<vmem>>
    %dma_wait3A_299 = arith.constant 0 : i32
    %dma_wait3A_300 = tpu.memref_slice %arg2[%dma_wait3A_299] : memref<16777216xf32, #tpu.memory_space<hbm>> -> memref<16777216xf32, #tpu.memory_space<hbm>>
    tpu.wait_indirect_dma semaphore(%arg19 : memref<!tpu.dma_semaphore, #tpu.memory_space<semaphore_mem>>) src(%dma_wait3A_300 : memref<16777216xf32, #tpu.memory_space<hbm>>) dst(%dma_wait3A_295 : memref<128xf32, #tpu.memory_space<vmem>>)
    %dma_wait3A_301 = arith.constant 27 : i32
    %dma_wait3A_302 = arith.constant 3456 : i32
    %dma_wait3A_303 = tpu.memref_slice %arg11[%dma_wait3A_302] : memref<4096xf32, #tpu.memory_space<vmem>> -> memref<128xf32, #tpu.memory_space<vmem>>
    %dma_wait3A_304 = arith.constant 0 : i32
    %dma_wait3A_305 = tpu.memref_slice %arg10[%dma_wait3A_301, %dma_wait3A_304] : memref<32x128xi32, #tpu.memory_space<vmem>> -> memref<1x128xi32, #tpu.memory_space<vmem>>
    %dma_wait3A_306 = tpu.memref_squeeze %dma_wait3A_305 : memref<1x128xi32, #tpu.memory_space<vmem>> -> memref<128xi32, #tpu.memory_space<vmem>>
    %dma_wait3A_307 = arith.constant 0 : i32
    %dma_wait3A_308 = tpu.memref_slice %arg2[%dma_wait3A_307] : memref<16777216xf32, #tpu.memory_space<hbm>> -> memref<16777216xf32, #tpu.memory_space<hbm>>
    tpu.wait_indirect_dma semaphore(%arg19 : memref<!tpu.dma_semaphore, #tpu.memory_space<semaphore_mem>>) src(%dma_wait3A_308 : memref<16777216xf32, #tpu.memory_space<hbm>>) dst(%dma_wait3A_303 : memref<128xf32, #tpu.memory_space<vmem>>)
    %dma_wait3A_309 = arith.constant 28 : i32
    %dma_wait3A_310 = arith.constant 3584 : i32
    %dma_wait3A_311 = tpu.memref_slice %arg11[%dma_wait3A_310] : memref<4096xf32, #tpu.memory_space<vmem>> -> memref<128xf32, #tpu.memory_space<vmem>>
    %dma_wait3A_312 = arith.constant 0 : i32
    %dma_wait3A_313 = tpu.memref_slice %arg10[%dma_wait3A_309, %dma_wait3A_312] : memref<32x128xi32, #tpu.memory_space<vmem>> -> memref<1x128xi32, #tpu.memory_space<vmem>>
    %dma_wait3A_314 = tpu.memref_squeeze %dma_wait3A_313 : memref<1x128xi32, #tpu.memory_space<vmem>> -> memref<128xi32, #tpu.memory_space<vmem>>
    %dma_wait3A_315 = arith.constant 0 : i32
    %dma_wait3A_316 = tpu.memref_slice %arg2[%dma_wait3A_315] : memref<16777216xf32, #tpu.memory_space<hbm>> -> memref<16777216xf32, #tpu.memory_space<hbm>>
    tpu.wait_indirect_dma semaphore(%arg19 : memref<!tpu.dma_semaphore, #tpu.memory_space<semaphore_mem>>) src(%dma_wait3A_316 : memref<16777216xf32, #tpu.memory_space<hbm>>) dst(%dma_wait3A_311 : memref<128xf32, #tpu.memory_space<vmem>>)
    %dma_wait3A_317 = arith.constant 29 : i32
    %dma_wait3A_318 = arith.constant 3712 : i32
    %dma_wait3A_319 = tpu.memref_slice %arg11[%dma_wait3A_318] : memref<4096xf32, #tpu.memory_space<vmem>> -> memref<128xf32, #tpu.memory_space<vmem>>
    %dma_wait3A_320 = arith.constant 0 : i32
    %dma_wait3A_321 = tpu.memref_slice %arg10[%dma_wait3A_317, %dma_wait3A_320] : memref<32x128xi32, #tpu.memory_space<vmem>> -> memref<1x128xi32, #tpu.memory_space<vmem>>
    %dma_wait3A_322 = tpu.memref_squeeze %dma_wait3A_321 : memref<1x128xi32, #tpu.memory_space<vmem>> -> memref<128xi32, #tpu.memory_space<vmem>>
    %dma_wait3A_323 = arith.constant 0 : i32
    %dma_wait3A_324 = tpu.memref_slice %arg2[%dma_wait3A_323] : memref<16777216xf32, #tpu.memory_space<hbm>> -> memref<16777216xf32, #tpu.memory_space<hbm>>
    tpu.wait_indirect_dma semaphore(%arg19 : memref<!tpu.dma_semaphore, #tpu.memory_space<semaphore_mem>>) src(%dma_wait3A_324 : memref<16777216xf32, #tpu.memory_space<hbm>>) dst(%dma_wait3A_319 : memref<128xf32, #tpu.memory_space<vmem>>)
    %dma_wait3A_325 = arith.constant 30 : i32
    %dma_wait3A_326 = arith.constant 3840 : i32
    %dma_wait3A_327 = tpu.memref_slice %arg11[%dma_wait3A_326] : memref<4096xf32, #tpu.memory_space<vmem>> -> memref<128xf32, #tpu.memory_space<vmem>>
    %dma_wait3A_328 = arith.constant 0 : i32
    %dma_wait3A_329 = tpu.memref_slice %arg10[%dma_wait3A_325, %dma_wait3A_328] : memref<32x128xi32, #tpu.memory_space<vmem>> -> memref<1x128xi32, #tpu.memory_space<vmem>>
    %dma_wait3A_330 = tpu.memref_squeeze %dma_wait3A_329 : memref<1x128xi32, #tpu.memory_space<vmem>> -> memref<128xi32, #tpu.memory_space<vmem>>
    %dma_wait3A_331 = arith.constant 0 : i32
    %dma_wait3A_332 = tpu.memref_slice %arg2[%dma_wait3A_331] : memref<16777216xf32, #tpu.memory_space<hbm>> -> memref<16777216xf32, #tpu.memory_space<hbm>>
    tpu.wait_indirect_dma semaphore(%arg19 : memref<!tpu.dma_semaphore, #tpu.memory_space<semaphore_mem>>) src(%dma_wait3A_332 : memref<16777216xf32, #tpu.memory_space<hbm>>) dst(%dma_wait3A_327 : memref<128xf32, #tpu.memory_space<vmem>>)
    %dma_wait3A_333 = arith.constant 31 : i32
    %dma_wait3A_334 = arith.constant 3968 : i32
    %dma_wait3A_335 = tpu.memref_slice %arg11[%dma_wait3A_334] : memref<4096xf32, #tpu.memory_space<vmem>> -> memref<128xf32, #tpu.memory_space<vmem>>
    %dma_wait3A_336 = arith.constant 0 : i32
    %dma_wait3A_337 = tpu.memref_slice %arg10[%dma_wait3A_333, %dma_wait3A_336] : memref<32x128xi32, #tpu.memory_space<vmem>> -> memref<1x128xi32, #tpu.memory_space<vmem>>
    %dma_wait3A_338 = tpu.memref_squeeze %dma_wait3A_337 : memref<1x128xi32, #tpu.memory_space<vmem>> -> memref<128xi32, #tpu.memory_space<vmem>>
    %dma_wait3A_339 = arith.constant 0 : i32
    %dma_wait3A_340 = tpu.memref_slice %arg2[%dma_wait3A_339] : memref<16777216xf32, #tpu.memory_space<hbm>> -> memref<16777216xf32, #tpu.memory_space<hbm>>
    tpu.wait_indirect_dma semaphore(%arg19 : memref<!tpu.dma_semaphore, #tpu.memory_space<semaphore_mem>>) src(%dma_wait3A_340 : memref<16777216xf32, #tpu.memory_space<hbm>>) dst(%dma_wait3A_335 : memref<128xf32, #tpu.memory_space<vmem>>)
    %scan3A_341 = arith.constant 12 : i32
    %scan3A_342 = arith.constant 4 : i32
    %scan3A_343 = arith.addi %scan3A_341, %scan3A_342 : i32
    %scan3A_344 = arith.constant 1 : i32
    %scan3A_345:2 = scf.for %scan3A_350 = %scan3A_341 to %scan3A_343 step %scan3A_344 iter_args(%scan3A_351 = %scan3A_275#0, %scan3A_352 = %scan3A_275#1) -> (vector<16xf32>, vector<16xf32>)  : i32 {
      %mul3A_353 = arith.constant 16 : i32
      %mul3A_354 = arith.muli %scan3A_350, %mul3A_353 : i32
      %get3A = arith.index_cast %mul3A_354 : i32 to index
      %get3A_355 = tpu.vector_load %arg8[%get3A] {strides = array<i32>} : memref<256xf32, #tpu.memory_space<vmem>>, vector<16xf32>,
      %jit3A = arith.constant 8 : i32
      %div3A = arith.divsi %scan3A_350, %jit3A : i32
      %sign3A = arith.constant 0 : i32
      %sign3A_356 = arith.cmpi sgt, %scan3A_350, %sign3A : i32
      %sign3A_357 = arith.extui %sign3A_356 : i1 to i32
      %sign3A_358 = arith.constant 0 : i32
      %sign3A_359 = arith.cmpi slt, %scan3A_350, %sign3A_358 : i32
      %sign3A_360 = arith.extui %sign3A_359 : i1 to i32
      %sign3A_361 = arith.subi %sign3A_357, %sign3A_360 : i32
      %sign3A_362 = arith.constant 0 : i32
      %sign3A_363 = arith.cmpi sgt, %jit3A, %sign3A_362 : i32
      %sign3A_364 = arith.extui %sign3A_363 : i1 to i32
      %sign3A_365 = arith.constant 0 : i32
      %sign3A_366 = arith.cmpi slt, %jit3A, %sign3A_365 : i32
      %sign3A_367 = arith.extui %sign3A_366 : i1 to i32
      %sign3A_368 = arith.subi %sign3A_364, %sign3A_367 : i32
      %ne3A = arith.cmpi ne, %sign3A_361, %sign3A_368 : i32
      %rem3A = arith.remsi %scan3A_350, %jit3A : i32
      %ne3A_369 = arith.constant 0 : i32
      %ne3A_370 = arith.cmpi ne, %rem3A, %ne3A_369 : i32
      %and3A = arith.andi %ne3A, %ne3A_370 : i1
      %sub3A = arith.constant 1 : i32
      %sub3A_371 = arith.subi %div3A, %sub3A : i32
      %select_n3A = arith.select %and3A, %sub3A_371, %div3A : i32
      %jit3A_372 = arith.constant 8 : i32
      %eq3A = arith.constant 0 : i32
      %eq3A_373 = arith.cmpi eq, %jit3A_372, %eq3A : i32
      %jit3A_374 = arith.constant 1 : i32
      %select_n3A_375 = arith.select %eq3A_373, %jit3A_374, %jit3A_372 : i32
      %rem3A_376 = arith.remsi %scan3A_350, %select_n3A_375 : i32
      %ne3A_377 = arith.constant 0 : i32
      %ne3A_378 = arith.cmpi ne, %rem3A_376, %ne3A_377 : i32
      %lt3A = arith.constant 0 : i32
      %lt3A_379 = arith.cmpi slt, %rem3A_376, %lt3A : i32
      %lt3A_380 = arith.constant 0 : i32
      %lt3A_381 = arith.cmpi slt, %select_n3A_375, %lt3A_380 : i32
      %ne3A_382 = arith.xori %lt3A_379, %lt3A_381 : i1
      %and3A_383 = arith.andi %ne3A_382, %ne3A_378 : i1
      %add3A_384 = arith.addi %rem3A_376, %select_n3A_375 : i32
      %select_n3A_385 = arith.select %and3A_383, %add3A_384, %rem3A_376 : i32
      %mul3A_386 = arith.constant 256 : i32
      %mul3A_387 = arith.muli %scan3A_350, %mul3A_386 : i32
      %mul3A_388 = arith.constant 2048 : i32
      %mul3A_389 = arith.muli %select_n3A, %mul3A_388 : i32
      %mul3A_390 = arith.constant 16 : i32
      %mul3A_391 = arith.muli %select_n3A_385, %mul3A_390 : i32
      %add3A_392 = arith.addi %mul3A_389, %mul3A_391 : i32
      %scan3A_393 = arith.constant 0 : i32
      %scan3A_394 = arith.constant 16 : i32
      %scan3A_395 = arith.addi %scan3A_393, %scan3A_394 : i32
      %scan3A_396 = arith.constant 1 : i32
      %scan3A_397 = scf.for %scan3A_400 = %scan3A_393 to %scan3A_395 step %scan3A_396 iter_args(%scan3A_401 = %scan3A_351) -> (vector<16xf32>)  : i32 {
        %mul3A_402 = arith.constant 16 : i32
        %mul3A_403 = arith.muli %scan3A_400, %mul3A_402 : i32
        %add3A_404 = arith.addi %mul3A_387, %mul3A_403 : i32
        %get3A_405 = arith.index_cast %add3A_404 : i32 to index
        %get3A_406 = tpu.vector_load %arg11[%get3A_405] {strides = array<i32>} : memref<4096xf32, #tpu.memory_space<vmem>>, vector<16xf32>,
        %mul3A_407 = arith.constant 128 : i32
        %mul3A_408 = arith.muli %scan3A_400, %mul3A_407 : i32
        %add3A_409 = arith.addi %add3A_392, %mul3A_408 : i32
        %get3A_410 = arith.index_cast %add3A_409 : i32 to index
        %get3A_411 = tpu.vector_load %arg9[%get3A_410] {strides = array<i32>} : memref<4096xf32, #tpu.memory_space<vmem>>, vector<16xf32>,
        %sub3A_412 = arith.subf %get3A_406, %get3A_411 : vector<16xf32>
        %abs3A = math.absf %sub3A_412 : vector<16xf32>
        %lt3A_413 = arith.constant 1.000000e+00 : f32
        %lt3A_414 = vector.broadcast %lt3A_413 : f32 to vector<16xf32>
        %lt3A_415 = arith.cmpf olt, %abs3A, %lt3A_414 : vector<16xf32>
        %mul3A_416 = arith.constant 5.000000e-01 : f32
        %mul3A_417 = vector.broadcast %mul3A_416 : f32 to vector<16xf32>
        %mul3A_418 = arith.mulf %mul3A_417, %abs3A : vector<16xf32>
        %mul3A_419 = arith.mulf %mul3A_418, %abs3A : vector<16xf32>
        %sub3A_420 = arith.constant 5.000000e-01 : f32
        %sub3A_421 = vector.broadcast %sub3A_420 : f32 to vector<16xf32>
        %sub3A_422 = arith.subf %abs3A, %sub3A_421 : vector<16xf32>
        %select_n3A_423 = arith.select %lt3A_415, %mul3A_419, %sub3A_422 : vector<16xi1>, vector<16xf32>
        %mul3A_424 = arith.mulf %select_n3A_423, %get3A_355 : vector<16xf32>
        %add3A_425 = arith.addf %scan3A_401, %mul3A_424 : vector<16xf32>
        scf.yield %add3A_425 : vector<16xf32>
      }
      %scan3A_398 = arith.constant 16 : i32
      %add3A_399 = arith.addf %scan3A_352, %get3A_355 : vector<16xf32>
      scf.yield %scan3A_397, %add3A_399 : vector<16xf32>, vector<16xf32>
    }
    %scan3A_346 = arith.constant 4 : i32
    %swap3A = arith.constant 0 : index
    %swap3A_347 = tpu.vector_load %arg12[%swap3A] {strides = array<i32>} : memref<32xf32, #tpu.memory_space<vmem>>, vector<16xf32>,
    tpu.vector_store %arg12[%swap3A], %scan3A_345#0 {strides = array<i32>} : memref<32xf32, #tpu.memory_space<vmem>>, vector<16xf32>,
    %swap3A_348 = arith.constant 16 : index
    %swap3A_349 = tpu.vector_load %arg12[%swap3A_348] {strides = array<i32>} : memref<32xf32, #tpu.memory_space<vmem>>, vector<16xf32>,
    tpu.vector_store %arg12[%swap3A_348], %scan3A_345#1 {strides = array<i32>} : memref<32xf32, #tpu.memory_space<vmem>>, vector<16xf32>,
    "tpu.region"() ({
      %run_scoped3A = tpu.sem_alloc : memref<!tpu.dma_semaphore, #tpu.memory_space<semaphore_mem>>
      %dma_start3A_350 = arith.constant 0 : i32
      %dma_start3A_351 = tpu.memref_slice %arg6[%add3A, %dma_start3A_350] : memref<32x32xf32, #tpu.memory_space<hbm>> -> memref<1x32xf32, #tpu.memory_space<hbm>>
      %dma_start3A_352 = tpu.memref_squeeze %dma_start3A_351 : memref<1x32xf32, #tpu.memory_space<hbm>> -> memref<32xf32, #tpu.memory_space<hbm>>
      %dma_start3A_353 = arith.constant 0 : i32
      %dma_start3A_354 = tpu.memref_slice %arg6[%add3A, %dma_start3A_353] : memref<32x32xf32, #tpu.memory_space<hbm>> -> memref<1x32xf32, #tpu.memory_space<hbm>>
      %dma_start3A_355 = tpu.memref_squeeze %dma_start3A_354 : memref<1x32xf32, #tpu.memory_space<hbm>> -> memref<32xf32, #tpu.memory_space<hbm>>
      tpu.enqueue_dma source(%arg12 : memref<32xf32, #tpu.memory_space<vmem>>) target(%dma_start3A_355 : memref<32xf32, #tpu.memory_space<hbm>>) target_semaphore(%run_scoped3A : memref<!tpu.dma_semaphore, #tpu.memory_space<semaphore_mem>>)
      %dma_wait3A_356 = arith.constant 0 : i32
      %dma_wait3A_357 = tpu.memref_slice %arg6[%add3A, %dma_wait3A_356] : memref<32x32xf32, #tpu.memory_space<hbm>> -> memref<1x32xf32, #tpu.memory_space<hbm>>
      %dma_wait3A_358 = tpu.memref_squeeze %dma_wait3A_357 : memref<1x32xf32, #tpu.memory_space<hbm>> -> memref<32xf32, #tpu.memory_space<hbm>>
      %dma_wait3A_359 = arith.constant 0 : i32
      %dma_wait3A_360 = tpu.memref_slice %arg6[%add3A, %dma_wait3A_359] : memref<32x32xf32, #tpu.memory_space<hbm>> -> memref<1x32xf32, #tpu.memory_space<hbm>>
      %dma_wait3A_361 = tpu.memref_squeeze %dma_wait3A_360 : memref<1x32xf32, #tpu.memory_space<hbm>> -> memref<32xf32, #tpu.memory_space<hbm>>
      tpu.wait_dma2 semaphore(%run_scoped3A : memref<!tpu.dma_semaphore, #tpu.memory_space<semaphore_mem>>) src(%arg12 : memref<32xf32, #tpu.memory_space<vmem>>) dst(%dma_wait3A_361 : memref<32xf32, #tpu.memory_space<hbm>>)
      tpu.yield
    }) : () -> ()
    return
  }
}

module attributes {stable_mosaic.version = 14 : i64} {
  func.func @_combine(%arg0: memref<32x32xf32, #tpu.memory_space<vmem>>, %arg1: memref<1x1xf32, #tpu.memory_space<vmem>>) attributes {dimension_semantics = [], scalar_prefetch = 0 : i64, scratch_operands = 0 : i64, tpu.core_type = #tpu.core_type<tc>} {
    %get3A = arith.constant 0 : index
    %get3A_0 = arith.constant 0 : index
    %get3A_1 = vector.load %arg0[%get3A, %get3A_0] : memref<32x32xf32, #tpu.memory_space<vmem>>, vector<32x16xf32>
    %reduce_sum3A = vector.shape_cast %get3A_1 : vector<32x16xf32> to vector<1x32x16xf32>
    %reduce_sum3A_2 = arith.constant dense<0.000000e+00> : vector<1xf32>
    %reduce_sum3A_3 = vector.multi_reduction <add>, %reduce_sum3A, %reduce_sum3A_2 [1, 2] : vector<1x32x16xf32> to vector<1xf32>
    %reduce_sum3A_4 = vector.shape_cast %reduce_sum3A_3 : vector<1xf32> to vector<1x1x1xf32>
    %reduce_sum3A_5 = vector.extract %reduce_sum3A_4[0, 0, 0] : f32 from vector<1x1x1xf32>
    %get3A_6 = arith.constant 0 : index
    %get3A_7 = arith.constant 16 : index
    %get3A_8 = vector.load %arg0[%get3A_6, %get3A_7] : memref<32x32xf32, #tpu.memory_space<vmem>>, vector<32x16xf32>
    %reduce_sum3A_9 = vector.shape_cast %get3A_8 : vector<32x16xf32> to vector<1x32x16xf32>
    %reduce_sum3A_10 = arith.constant dense<0.000000e+00> : vector<1xf32>
    %reduce_sum3A_11 = vector.multi_reduction <add>, %reduce_sum3A_9, %reduce_sum3A_10 [1, 2] : vector<1x32x16xf32> to vector<1xf32>
    %reduce_sum3A_12 = vector.shape_cast %reduce_sum3A_11 : vector<1xf32> to vector<1x1x1xf32>
    %reduce_sum3A_13 = vector.extract %reduce_sum3A_12[0, 0, 0] : f32 from vector<1x1x1xf32>
    %mul3A = arith.constant 1.600000e+01 : f32
    %mul3A_14 = arith.mulf %reduce_sum3A_13, %mul3A : f32
    %div3A = arith.divf %reduce_sum3A_5, %mul3A_14 : f32
    %broadcast_in_dim3A = vector.broadcast %div3A : f32 to vector<1x1xf32>
    %swap3A = arith.constant 0 : index
    %swap3A_15 = arith.constant 0 : index
    %swap3A_16 = vector.load %arg1[%swap3A, %swap3A_15] : memref<1x1xf32, #tpu.memory_space<vmem>>, vector<1x1xf32>
    tpu.vector_store %arg1[%swap3A, %swap3A_15], %broadcast_in_dim3A {strides = array<i32>} : memref<1x1xf32, #tpu.memory_space<vmem>>, vector<1x1xf32>,
    return
  }
}

</mosaic_0001>

<sc_bundles>
// kernel: kernel.4.cloned.1.call-start
scs
__scs_entry_jumppad:
0x0: {  	(pc) =	sbr.rel $0x88, $3  }
0x1: {  	(tag) =	ssettag $0x0;
	lr =	simm.s32 $0x1  }
0x2: {  	[smem:$0x3F9D] =	sst lr;
	_ =	strace $0xD0000000  }
0x3: {  	_ = 	snop  }
0x4: {  	_ = 	snop  }
0x5: {  	_ = 	snop  }
0x6: {  	_ = 	snop  }
0x7: {  	_ = 	snop  }
__scs_overlays_trampoline_lowered:
0x8: {  	[smem:$0x3FAC] =	sst s0  }
0x9: {  	[smem:$0x3FAD] =	sst s1  }
0xa: {  	[smem:$0x3FAE] =	sst s2  }
0xb: {  	[smem:$0x3FAF] =	sst s3  }
0xc: {  	[smem:$0x3FB0] =	sst s4  }
0xd: {  	[smem:$0x3FB1] =	sst s5  }
0xe: {  	[smem:$0x3FB2] =	sst s6  }
0xf: {  	[smem:$0x3FB3] =	sst s7  }
0x10: {  	[smem:$0x3FB4] =	sst s8  }
0x11: {  	[smem:$0x3FB5] =	sst s9;
	s0 =	simm.s32 @!p0 $0x0  }
0x12: {  	s1 =	sld [smem:$0x3F9B];
	s0 =	simm.s32 @p0 $0x1  }
0x13: {  	[smem:$0x3FB6] =	sst s0;
	s0 =	simm.s32 @!p1 $0x0  }
0x14: {  	s2 =	sld [smem:$0x3F9A];
	s0 =	simm.s32 @p1 $0x1  }
0x15: {  	[smem:$0x3FB7] =	sst s0;
	s0 =	simm.s32 @!p2 $0x0  }
0x16: {  	s3 =	sld [smem:$0x3FDB];
	s0 =	simm.s32 @p2 $0x1  }
0x17: {  	s4 =	simm.s32 $0x1BF5;
	[smem:$0x3FB9] =	sst s0  }
0x18: {  	s0 =	sld [smem:$0x3F9C];
	_ =	swait.ge [sflag:s4], $0x0  }
0x19: {  	s7 =	sld [smem:$0x3F9D]  }
0x1a: {  	s8 =	sadd.s32 $0xFFFFE003, lr  }
0x1b: {  	s9 =	sadd.s32 $0xFFFFFEF7, lr;
	s5 =	simm.s32 $0xFFFFFFFF;
	p2 =	slt.u32 s8, $0xFFFFF086  }
0x1c: {  	p1 =	slt.u32 s9, $0xF7A;
	s5 =	simm.s32 @!p2 $0x0  }
0x1d: {  	s5 =	simm.s32 @p1 $0x1;
	p0 =	seq.s32 s7, s2  }
0x1e: {  	s7 =	smul.u32 @!p0 $0xF7A, s2;
	p2 =	seq.s32 @!p0 s5, $0x0  }
0x1f: {  	s9 =	smul.u32 $0xF7A, s1;
	s8 =	simm.s32 @!p0 $0x1BF5;
	p2 =	por !p2, p0  }
0x20: {  	[sflag:s8] =	ssyncset.s32 @!p0 $0xFFFFF086;
	s6 =	sadd.s32 @!p0 s3, s7;
	s7 =	simm.s32 @!p0 $0x108  }
0x21: {  	s3 =	sadd.s32 s3, s9;
	s6 =	sadd.s32 @!p0 $0x88, s6;
	s7 =	simm.s32 @p2 $0x1082  }
0x22: {  	[simem:s7], [sflag:s8] =	dma.local @!p0 [hbm:s6], $0xF7A  }
0x23: {  	s9 =	sor.u32 $0xD0000000, s2;
	s6 =	simm.s32 $0x108;
	_ =	swait.ge @!p0 [sflag:s8], $0x0  }
0x24: {  	s3 =	sadd.s32 $0x88, s3;
	s6 =	simm.s32 @!p1 $0x1082;
	[sflag:s4] =	ssyncset.s32 $0xFFFFF086  }
0x25: {  	[simem:s6], [sflag:s4] =	dma.local [hbm:s3], $0xF7A  }
0x26: {  	[smem:$0x3F9D] =	sst s1;
	(tag) =	ssettag s2;
	_ =	strace s9  }
0x27: {  	s1 =	sld [smem:$0x3FAD]  }
0x28: {  	s2 =	sld [smem:$0x3FAE]  }
0x29: {  	s4 =	sld [smem:$0x3FB0]  }
0x2a: {  	p0 =	seq.s32 s5, $0x0;
	s5 =	sld [smem:$0x3FB1]  }
0x2b: {  	s6 =	sld [smem:$0x3FB2]  }
0x2c: {  	s7 =	sld [smem:$0x3FB3]  }
0x2d: {  	s3 =	simm.s32 $0x108;
	s8 =	sld [smem:$0x3FB4]  }
0x2e: {  	s3 =	simm.s32 @!p0 $0x1082;
	s9 =	sld [smem:$0x3FB5]  }
0x2f: {  	lr =	sadd.s32 s0, s3;
	s0 =	sld [smem:$0x3FAC]  }
0x30: {  	s3 =	sld [smem:$0x3FAF]  }
0x31: {  	[smem:$0x3FB8] =	sst s10  }
0x32: {  	s10 =	sld [smem:$0x3FB6];
	_ =	sdelay $0x3  }
0x33: {  	p0 =	seq.s32 s10, $0x1;
	s10 =	sld [smem:$0x3FB8];
	_ =	sdelay $0x3  }
0x34: {  	[smem:$0x3FB8] =	sst s10  }
0x35: {  	s10 =	sld [smem:$0x3FB7];
	_ =	sdelay $0x3  }
0x36: {  	p1 =	seq.s32 s10, $0x1;
	s10 =	sld [smem:$0x3FB8];
	_ =	sdelay $0x3  }
0x37: {  	[smem:$0x3FB8] =	sst s10  }
0x38: {  	s10 =	sld [smem:$0x3FB9]  }
0x39: {  	_ = 	snop;
	(pc) =	sbr.ind lr, $3  }
0x3a: {  	_ = 	snop  }
0x3b: {  	_ = 	snop  }
0x3c: {  	p2 =	seq.s32 s10, $0x1;
	s10 =	sld [smem:$0x3FB8]  }
0x3d: {  	_ =	shalt  }
0x3e: {  	_ =	shalt  }
0x3f: {  	_ =	shalt  }
0x40: {  	_ =	shalt  }
0x41: {  	_ =	shalt  }
0x42: {  	_ =	shalt  }
0x43: {  	_ =	shalt  }
0x44: {  	_ =	shalt  }
0x45: {  	_ =	shalt  }
0x46: {  	_ =	shalt  }
0x47: {  	_ =	shalt  }
0x48: {  	_ =	shalt  }
0x49: {  	_ =	shalt  }
0x4a: {  	_ =	shalt  }
0x4b: {  	_ =	shalt  }
0x4c: {  	_ =	shalt  }
0x4d: {  	_ =	shalt  }
0x4e: {  	_ =	shalt  }
0x4f: {  	_ =	shalt  }
0x50: {  	_ =	shalt  }
0x51: {  	_ =	shalt  }
0x52: {  	_ =	shalt  }
0x53: {  	_ =	shalt  }
0x54: {  	_ =	shalt  }
0x55: {  	_ =	shalt  }
0x56: {  	_ =	shalt  }
0x57: {  	_ =	shalt  }
0x58: {  	_ =	shalt  }
0x59: {  	_ =	shalt  }
0x5a: {  	_ =	shalt  }
0x5b: {  	_ =	shalt  }
0x5c: {  	_ =	shalt  }
0x5d: {  	_ =	shalt  }
0x5e: {  	_ =	shalt  }
0x5f: {  	_ =	shalt  }
0x60: {  	_ =	shalt  }
0x61: {  	_ =	shalt  }
0x62: {  	_ =	shalt  }
0x63: {  	_ =	shalt  }
0x64: {  	_ =	shalt  }
0x65: {  	_ =	shalt  }
0x66: {  	_ =	shalt  }
0x67: {  	_ =	shalt  }
0x68: {  	_ =	shalt  }
0x69: {  	_ =	shalt  }
0x6a: {  	_ =	shalt  }
0x6b: {  	_ =	shalt  }
0x6c: {  	_ =	shalt  }
0x6d: {  	_ =	shalt  }
0x6e: {  	_ =	shalt  }
0x6f: {  	_ =	shalt  }
0x70: {  	_ =	shalt  }
0x71: {  	_ =	shalt  }
0x72: {  	_ =	shalt  }
0x73: {  	_ =	shalt  }
0x74: {  	_ =	shalt  }
0x75: {  	_ =	shalt  }
0x76: {  	_ =	shalt  }
0x77: {  	_ =	shalt  }
0x78: {  	_ =	shalt  }
0x79: {  	_ =	shalt  }
0x7a: {  	_ =	shalt  }
0x7b: {  	_ =	shalt  }
0x7c: {  	_ =	shalt  }
0x7d: {  	_ =	shalt  }
0x7e: {  	_ =	shalt  }
0x7f: {  	_ =	shalt  }
0x80: {  	_ =	shalt  }
0x81: {  	_ =	shalt  }
0x82: {  	_ =	shalt  }
0x83: {  	_ =	shalt  }
0x84: {  	_ =	shalt  }
0x85: {  	_ =	shalt  }
0x86: {  	_ =	shalt  }
0x87: {  	_ =	shalt  }
.Lfunc_end0:
.L_simem_size_0:
called_computation_lowered:
.L_overlay_start_0:
0x88: {  	s2 =	sld [smem:$0x3FD9]  }
0x89: {  	s3 =	sld [smem:$0x3FFE];
	_ =	sdelay $0x1  }
0x8a: {  	s1 =	srdreg.scid  }
0x8b: {  	s0 =	sand.u32 $0x1, s1  }
0x8c: {  	s17 =	sshll.u32 s0, $0xA;
	s2 =	sadd.s32 s3, s2  }
0x8d: {  	s2 =	sadd.s32 s2, s17  }
0x8e: {  	[smem:$0x3FC4] =	sst s2  }
0x8f: {  	_ = 	snop  }
0x90: {  	s2 =	sld [smem:$0x3FC9]  }
0x91: {  	s18 =	sld [smem:$0x3FC8]  }
0x92: {  	s4 =	sld [smem:$0x3FC7]  }
0x93: {  	s5 =	sld [smem:$0x3FC6];
	(tm) =	ssettm $0x1  }
0x94: {  	s6 =	sld [smem:$0x3FFB];
	_ =	sdelay $0x3  }
0x95: {  	_ =	strace s6  }
0x96: {  	s6 =	sld [smem:$0x3FFC];
	_ =	sdelay $0x3  }
0x97: {  	_ =	strace s6  }
0x98: {  	s6 =	sld [smem:$0x3FFD];
	_ =	sdelay $0x3  }
0x99: {  	_ =	strace s6  }
0x9a: {  	_ =	strace $0x8FFFFFFF  }
0x9b: {  	s19 =	sld [smem:$0x3FDB];
	_ =	sdelay $0x1  }
0x9c: {  	s7 =	simm.s32 $_scs_section_size  }
0x9d: {  	s8 =	simm.s32 $_size__tile_overlayer_lowered;
	s9 =	simm.s32 $_tile_overlayer_lowered  }
0x9e: {  	s22 =	simm.s32 $0x1BFF;
	s21 =	sshll.u32 s9, $0x1;
	s6 =	sadd.s32 s7, s19  }
0x9f: {  	s10 =	simm.s32 $0x0;
	s20 =	sshll.u32 s8, $0x1;
	s8 =	sadd.s32 s21, s6  }
0xa0: {  	[timem:s10], [sflag:s22] =	dma.local [hbm:s8], s20  }
0xa1: {  	_ =	swait.ge [sflag:s22], s20  }
0xa2: {  	s7 =	ssub.s32 $0x0, s20;
	[sflag:s22] =	ssyncset.done $0x0  }
0xa3: {  	[sflag:s22] =	ssyncadd.s32 s7;
	_ =	sdelay $0x1  }
0xa4: {  	s23 =	simm.s32 $0x1B8B  }
0xa5: {  	_ =	swait.ge [sflag:s23], $0x1  }
0xa6: {  	[sflag:s23] =	ssyncset.done $0x0  }
0xa7: {  	s25 =	simm.s32 $0x1B8E;
	s24 =	sld [smem:$0x3FFE];
	[sflag:s23] =	ssyncadd.s32 $0xFFFFFFFF  }
0xa8: {  	s26 =	simm.s32 $execute0_lowered;
	[smem:$0x3FD2] =	sst s25  }
0xa9: {  	s8 =	sshll.u32 s26, $0x1;
	_ =	strace $0x80000046;
	[dreg:$0x1] =	wrdreg $0xFFFFFFFF  }
0xaa: {  	s28 =	simm.s32 $_size_execute0_lowered;
	s6 =	sadd.s32 s6, s8;
	[dreg:$0x0] =	wrdreg $0x0  }
0xab: {  	s8 =	sshll.u32 s28, $0x1;
	[dreg:$0x2] =	wrdreg s6  }
0xac: {  	[dreg:$0x3] =	wrdreg s8  }
0xad: {  	[dreg:$0x4] =	wrdreg $0xC0  }
0xae: {  	_ =	task [dreg:s10], $0x5FFFF  }
0xaf: {  	[dreg:$0x1] =	wrdreg $0xFFFFFFFF  }
0xb0: {  	[dreg:$0x0] =	wrdreg $0x60  }
0xb1: {  	[dreg:$0x2] =	wrdreg s2  }
0xb2: {  	[dreg:$0x3] =	wrdreg s4  }
0xb3: {  	[dreg:$0x4] =	wrdreg s18  }
0xb4: {  	[dreg:$0x5] =	wrdreg s5  }
0xb5: {  	[dreg:$0x6] =	wrdreg s24  }
0xb6: {  	[dreg:$0x7] =	wrdreg $0x9  }
0xb7: {  	_ =	task.clear_ibuf [dreg:s10], $0x8FFFF;
	_ =	strace $0x90000046  }
0xb8: {  	s29 =	simm.s32 $0x9;
	_ =	strace $0x80000048  }
0xb9: {  	_ =	swait.ge [sflag:s29], $0x1  }
0xba: {  	[sflag:s29] =	ssyncadd.s32 $0xFFFFFFFF  }
0xbb: {  	_ =	strace $0x90000048  }
0xbc: {  	_ =	sfence  }
0xbd: {  	s30 =	sld [smem:$0x0];
	_ =	sdelay $0x2  }
0xbe: {  	s31 =	sshll.u32 s1, $0xD;
	s1 =	sshrl.u32 s1, $0x2  }
0xbf: {  	s3 =	sand.u32 $0x4000, s31;
	s1 =	sadd.s32 s1, s30  }
0xc0: {  	s0 =	sor.u32 s3, s0;
	s1 =	sshll.u32 s1, $0x11  }
0xc1: {  	s0 =	sor.u32 s1, s0  }
0xc2: {  	s0 =	sadd.s32 $0x8F2B, s0  }
0xc3: {  	[sflag:s0] =	ssyncadd.remote.s32 $0x1  }
0xc4: {  	_ =	sfence.sel $0xFFFF  }
0xc5: {  	[dreg:$0x0] =	wrdreg $0xFFFFFFFF;
	(pc) =	sbr.abs _section_cstart, $3  }
0xc6: {  	[dreg:$0x1] =	wrdreg $0xFFFFFFFF  }
0xc7: {  	_ =	task.clear_ibuf [dreg:s10], $0x2FFFF;
	_ =	strace $0x9FFFFFFF  }
0xc8: {  	(tm) =	ssettm $0x7FFFFFFF  }
0xc9: {  	_ =	shalt  }
tec
execute0_lowered:
.L_overlay_start_1:
0x0: {  	(tag) =	ssettag $0x1  }
0x1: {  	s1 =	rddreg [dreg:$0x0]  }
0x2: {  	s0 =	rddreg [dreg:$0x1]  }
0x3: {  	s2 =	rddreg [dreg:$0x2]  }
0x4: {  	s6 =	rddreg [dreg:$0x3]  }
0x5: {  	s4 =	rddreg [dreg:$0x4];
	s3 =	simm.s32 $0x0  }
0x6: {  	s5 =	srdreg.scid;
	s12 =	stileid.u32;
	s17 =	simm.s32 $0x2  }
0x7: {  	s18 =	simm.s32 $0x80;
	s19 =	simm.s32 $0x3;
	s20 =	simm.s32 $0x1  }
0x8: {  	s21 =	simm.s32 $0x4;
	s22 =	simm.s32 $0x5;
	s23 =	simm.s32 $0x6  }
0x9: {  	s24 =	simm.s32 $0x7;
	s28 =	simm.s32 $0x0;
	[smem:$0x7FF] =	sst s3  }
0xa: {  	s7 =	sand.u32 $0x1, s5;
	s25 =	sshll.u32 s12, $0x1;
	s30 =	sshll.u32 s12, $0x9  }
0xb: {  	_ =	strace $0x80000047;
	s8 =	sor.u32 s7, s25;
	s9 =	ssub.s32 $0x2, s7  }
0xc: {  	s31 =	sshll.u32 s7, $0x8;
	s5 =	sshll.u32 s8, $0x4;
	s10 =	sshll.u32 s8, $0x5  }
0xd: {  	s26 =	sshrl.u32 s9, $0x1;
	s8 =	sshll.u32 s8, $0x9;
	s11 =	sadd.s32 s5, s4  }
0xe: {  	s4 =	sadd.s32 s0, s10;
	s29 =	ssub.s32 s9, s26;
	s6 =	sadd.s32 s6, s8  }
0xf: {  	s7 =	sadd.s32 s2, s10;
	s9 =	sor.u32 s31, s30;
	s26 =	simm.s32 $0x8  }
0x10: {  	s5 =	sadd.s32 $0x8, s4;
	s8 =	sadd.s32 $0x600, s11;
	s10 =	smax.u32 s29, $0x1  }
0x11: {  	s2 =	sor.u32 $0x40, s9;
	s12 =	sor.u32 $0x80, s9;
	s13 =	sor.u32 $0xC0, s9  }
.LBB2_1:
0x12: {  	[tilespmem:s3], [sflag:$0x2] =	stream.linear.gather [hbm4b:s4+s3], $0x40, $0x38;
	[tilespmem:$0x3280] =	vst v63  }
0x13: {  	s0 =	simm.s32 $0x40  }
0x14: {  	[tilespmem:s0], [sflag:$0x3] =	stream.linear.gather [hbm4b:s5+s3], $0xC0, $0x38;
	[tilespmem:$0x3280] =	vst v63  }
0x15: {  	s25 =	simm.s32 $0x200  }
0x16: {  	[tilespmem:s25], [sflag:$0x1] =	stream.linear.gather [hbm4b:s6+s3], $0x1000, $0x38;
	[tilespmem:$0x3280] =	vst v63  }
0x17: {  	s31 =	simm.s32 $0x100  }
0x18: {  	[tilespmem:s31], [sflag:$0x1] =	stream.linear.gather [hbm4b:s7+s3], $0x100, $0x38;
	[tilespmem:$0x3280] =	vst v63  }
0x19: {  	_ =	swait.ge [sflag:s17], $0x40  }
0x1a: {  	[sflag:s17] =	ssyncset.done $0x0  }
0x1b: {  	[sflag:s17] =	ssyncadd.s32 $0xFFFFFFC0  }
0x1c: {  	v1 =	vmov s9;
	v0 =	vld [tilespmem:s3+$0x0]  }
0x1d: {  	v1 =	vshrl.u32 v1, $0x7  }
0x1e: {  	v1 =	vshll.u32 v1, $0x12  }
0x1f: {  	v1 =	vbroadcast v1, $0x0;
	_ =	sdelay $0x1  }
0x20: {  	s29 =	simm.s32 $0x0;
	v1 =	vadd.s32 v1, v0  }
0x21: {  	[tilespmem:s29+$0x1200] =	vst v1;
	v0 =	vadd.s32 $0x8000, v1;
	v4 =	vadd.s32 $0xC000, v1;
	v6 =	vadd.s32 $0x3C000, v1  }
0x22: {  	v5 =	vadd.s32 $0x4000, v1;
	v3 =	vadd.s32 $0x24000, v1;
	v8 =	vadd.s32 $0x34000, v1;
	[tilespmem:s29+$0x1220] =	vst v0  }
0x23: {  	v2 =	vadd.s32 $0x10000, v1;
	v7 =	vadd.s32 $0x14000, v1;
	v9 =	vadd.s32 $0x18000, v1;
	[tilespmem:s29+$0x12F0] =	vst v6  }
0x24: {  	s30 =	simm.s32 $0x400;
	s11 =	smov.u32 s9;
	s0 =	simm.s32 $0x0;
	[tilespmem:s29+$0x1230] =	vst v4;
	v0 =	vadd.s32 $0x1C000, v1;
	v4 =	vadd.s32 $0x20000, v1;
	v6 =	vadd.s32 $0x28000, v1  }
.LBB2_2:
0x25: {  	p0 =	sne.s32 s30, $0xC00;
	v10 =	vadd.s32 $0x2C000, v1;
	v11 =	vadd.s32 $0x30000, v1;
	[tilespmem:s29+$0x12D0] =	vst v8;
	v1 =	vadd.s32 $0x38000, v1;
	s0 =	sadd.s32 $0x10, s0;
	s11 =	sadd.s32 $0x10, s11  }
0x26: {  	s31 =	smov.u32 s30;
	s30 =	sadd.s32 $0x400, s30;
	[tilespmem:s29+$0x1260] =	vst v9  }
0x27: {  	[tilespmem:s29+$0x1210] =	vst v5  }
0x28: {  	[tilespmem:s29+$0x12E0] =	vst v1  }
0x29: {  	[tilespmem:s29+$0x1250] =	vst v7  }
0x2a: {  	[tilespmem:s29+$0x1290] =	vst v3  }
0x2b: {  	[tilespmem:s29+$0x12C0] =	vst v11  }
0x2c: {  	[tilespmem:s29+$0x12B0] =	vst v10  }
0x2d: {  	[tilespmem:s29+$0x1240] =	vst v2  }
0x2e: {  	[tilespmem:s29+$0x12A0] =	vst v6  }
0x2f: {  	s14 =	sadd.s32 $0x1200, s29;
	s15 =	sadd.s32 $0x2200, s29;
	[tilespmem:s29+$0x1280] =	vst v4  }
0x30: {  	s16 =	sadd.s32 $0x1280, s29;
	[tilespmem:s29+$0x1270] =	vst v0;
	s29 =	sadd.s32 $0x2280, s29  }
0x31: {  	[tilespmem:s15], [sflag:$0x4] =	stream.indirect.gather [hbm4b:s1+s18], $0x1, s14, s18, $0xb8;
	[tilespmem:$0x3280] =	vst v63  }
0x32: {  	_ = 	snop  }
0x33: {  	[tilespmem:s29], [sflag:$0x4] =	stream.indirect.gather [hbm4b:s1+s18], $0x1, s16, s18, $0xb8;
	[tilespmem:$0x3280] =	vst v63  }
0x34: {  	v1 =	vmov s11;
	v0 =	vld [tilespmem:s0+$0x0]  }
0x35: {  	v1 =	vshrl.u32 v1, $0x7  }
0x36: {  	v1 =	vshll.u32 v1, $0x12  }
0x37: {  	v1 =	vbroadcast v1, $0x0;
	_ =	sdelay $0x1  }
.Ltmp0:
0x38: {  	s29 =	sshra.s32 s31, $0x2;
	v1 =	vadd.s32 v1, v0;
	(pc) =	sbr.rel @p0 .LBB2_2-.Ltmp0, $4  }
0x39: {  	[tilespmem:s29+$0x1200] =	vst v1;
	v0 =	vadd.s32 $0x8000, v1;
	v4 =	vadd.s32 $0xC000, v1;
	v6 =	vadd.s32 $0x3C000, v1  }
0x3a: {  	v5 =	vadd.s32 $0x4000, v1;
	v3 =	vadd.s32 $0x24000, v1;
	v8 =	vadd.s32 $0x34000, v1;
	[tilespmem:s29+$0x1220] =	vst v0  }
0x3b: {  	v2 =	vadd.s32 $0x10000, v1;
	v7 =	vadd.s32 $0x14000, v1;
	v9 =	vadd.s32 $0x18000, v1;
	[tilespmem:s29+$0x12F0] =	vst v6  }
0x3c: {  	v0 =	vadd.s32 $0x1C000, v1;
	v6 =	vadd.s32 $0x28000, v1;
	[tilespmem:s29+$0x1230] =	vst v4;
	v4 =	vadd.s32 $0x20000, v1  }
0x3d: {  	[tilespmem:s29+$0x12D0] =	vst v8  }
0x3e: {  	[tilespmem:s29+$0x1260] =	vst v9  }
0x3f: {  	[tilespmem:s29+$0x1210] =	vst v5  }
0x40: {  	[tilespmem:s29+$0x1250] =	vst v7  }
0x41: {  	[tilespmem:s29+$0x1290] =	vst v3  }
0x42: {  	[tilespmem:s29+$0x1240] =	vst v2  }
0x43: {  	[tilespmem:s29+$0x12A0] =	vst v6  }
0x44: {  	[tilespmem:s29+$0x1280] =	vst v4  }
0x45: {  	v8 =	vadd.s32 $0x38000, v1;
	[tilespmem:s29+$0x1270] =	vst v0  }
0x46: {  	v5 =	vadd.s32 $0x30000, v1;
	[tilespmem:s29+$0x12E0] =	vst v8  }
0x47: {  	v1 =	vadd.s32 $0x2C000, v1;
	[tilespmem:s29+$0x12C0] =	vst v5  }
0x48: {  	s0 =	sadd.s32 $0x1200, s29;
	s11 =	sadd.s32 $0x2200, s29;
	[tilespmem:s29+$0x12B0] =	vst v1  }
0x49: {  	[tilespmem:s11], [sflag:$0x4] =	stream.indirect.gather [hbm4b:s1+s18], $0x1, s0, s18, $0xb8;
	[tilespmem:$0x3280] =	vst v63  }
0x4a: {  	s25 =	sadd.s32 $0x1280, s29;
	s29 =	sadd.s32 $0x2280, s29  }
0x4b: {  	[tilespmem:s29], [sflag:$0x4] =	stream.indirect.gather [hbm4b:s1+s18], $0x1, s25, s18, $0xb8;
	[tilespmem:$0x3280] =	vst v63  }
0x4c: {  	_ =	swait.ge [sflag:s19], $0xC0  }
0x4d: {  	[sflag:s19] =	ssyncset.done $0x0  }
0x4e: {  	s30 =	simm.s32 $0x40;
	[sflag:s19] =	ssyncadd.s32 $0xFFFFFF40  }
0x4f: {  	v1 =	vmov s2;
	v0 =	vld [tilespmem:s30+$0x0]  }
0x50: {  	v1 =	vshrl.u32 v1, $0x7  }
0x51: {  	v1 =	vshll.u32 v1, $0x12  }
0x52: {  	v1 =	vbroadcast v1, $0x0;
	_ =	sdelay $0x1  }
0x53: {  	s31 =	simm.s32 $0x0;
	v1 =	vadd.s32 v1, v0  }
0x54: {  	[tilespmem:s31+$0x1600] =	vst v1;
	v0 =	vadd.s32 $0x8000, v1;
	v4 =	vadd.s32 $0xC000, v1;
	v6 =	vadd.s32 $0x3C000, v1  }
0x55: {  	v5 =	vadd.s32 $0x4000, v1;
	v3 =	vadd.s32 $0x24000, v1;
	v8 =	vadd.s32 $0x34000, v1;
	[tilespmem:s31+$0x1620] =	vst v0  }
0x56: {  	v2 =	vadd.s32 $0x10000, v1;
	v7 =	vadd.s32 $0x14000, v1;
	v9 =	vadd.s32 $0x18000, v1;
	[tilespmem:s31+$0x16F0] =	vst v6  }
0x57: {  	s0 =	simm.s32 $0x400;
	s11 =	smov.u32 s2;
	[tilespmem:s31+$0x1630] =	vst v4;
	v0 =	vadd.s32 $0x1C000, v1;
	v4 =	vadd.s32 $0x20000, v1;
	v6 =	vadd.s32 $0x28000, v1  }
.LBB2_4:
0x58: {  	p0 =	sne.s32 s0, $0xC00;
	v10 =	vadd.s32 $0x2C000, v1;
	v11 =	vadd.s32 $0x30000, v1;
	[tilespmem:s31+$0x16D0] =	vst v8;
	v1 =	vadd.s32 $0x38000, v1;
	s30 =	sadd.s32 $0x10, s30;
	s11 =	sadd.s32 $0x10, s11  }
0x59: {  	s14 =	smov.u32 s0;
	s0 =	sadd.s32 $0x400, s0;
	[tilespmem:s31+$0x1660] =	vst v9  }
0x5a: {  	[tilespmem:s31+$0x1610] =	vst v5  }
0x5b: {  	[tilespmem:s31+$0x16E0] =	vst v1  }
0x5c: {  	[tilespmem:s31+$0x1650] =	vst v7  }
0x5d: {  	[tilespmem:s31+$0x1690] =	vst v3  }
0x5e: {  	[tilespmem:s31+$0x16C0] =	vst v11  }
0x5f: {  	[tilespmem:s31+$0x16B0] =	vst v10  }
0x60: {  	[tilespmem:s31+$0x1640] =	vst v2  }
0x61: {  	[tilespmem:s31+$0x16A0] =	vst v6  }
0x62: {  	s15 =	sadd.s32 $0x1600, s31;
	s16 =	sadd.s32 $0x2600, s31;
	s29 =	simm.s32 $0x80;
	[tilespmem:s31+$0x1680] =	vst v4  }
0x63: {  	s25 =	sadd.s32 $0x1680, s31;
	[tilespmem:s31+$0x1670] =	vst v0;
	s31 =	sadd.s32 $0x2680, s31  }
0x64: {  	[tilespmem:s16], [sflag:$0x5] =	stream.indirect.gather [hbm4b:s1+s29], $0x1, s15, s29, $0xb8;
	[tilespmem:$0x3280] =	vst v63  }
0x65: {  	_ = 	snop  }
0x66: {  	[tilespmem:s31], [sflag:$0x5] =	stream.indirect.gather [hbm4b:s1+s29], $0x1, s25, s29, $0xb8;
	[tilespmem:$0x3280] =	vst v63  }
0x67: {  	v1 =	vmov s11;
	v0 =	vld [tilespmem:s30+$0x0]  }
0x68: {  	v1 =	vshrl.u32 v1, $0x7  }
0x69: {  	v1 =	vshll.u32 v1, $0x12  }
0x6a: {  	v1 =	vbroadcast v1, $0x0;
	_ =	sdelay $0x1  }
.Ltmp1:
0x6b: {  	s31 =	sshra.s32 s14, $0x2;
	v1 =	vadd.s32 v1, v0;
	(pc) =	sbr.rel @p0 .LBB2_4-.Ltmp1, $4  }
0x6c: {  	[tilespmem:s31+$0x1600] =	vst v1;
	v0 =	vadd.s32 $0x8000, v1;
	v4 =	vadd.s32 $0xC000, v1;
	v6 =	vadd.s32 $0x3C000, v1  }
0x6d: {  	v5 =	vadd.s32 $0x4000, v1;
	v3 =	vadd.s32 $0x24000, v1;
	v8 =	vadd.s32 $0x34000, v1;
	[tilespmem:s31+$0x1620] =	vst v0  }
0x6e: {  	v2 =	vadd.s32 $0x10000, v1;
	v7 =	vadd.s32 $0x14000, v1;
	v9 =	vadd.s32 $0x18000, v1;
	[tilespmem:s31+$0x16F0] =	vst v6  }
0x6f: {  	v0 =	vadd.s32 $0x1C000, v1;
	v6 =	vadd.s32 $0x28000, v1;
	[tilespmem:s31+$0x1630] =	vst v4;
	v4 =	vadd.s32 $0x20000, v1  }
0x70: {  	[tilespmem:s31+$0x16D0] =	vst v8  }
0x71: {  	[tilespmem:s31+$0x1660] =	vst v9  }
0x72: {  	[tilespmem:s31+$0x1610] =	vst v5  }
0x73: {  	[tilespmem:s31+$0x1650] =	vst v7  }
0x74: {  	[tilespmem:s31+$0x1690] =	vst v3  }
0x75: {  	[tilespmem:s31+$0x1640] =	vst v2  }
0x76: {  	[tilespmem:s31+$0x16A0] =	vst v6  }
0x77: {  	[tilespmem:s31+$0x1680] =	vst v4  }
0x78: {  	v8 =	vadd.s32 $0x38000, v1;
	[tilespmem:s31+$0x1670] =	vst v0  }
0x79: {  	v5 =	vadd.s32 $0x30000, v1;
	[tilespmem:s31+$0x16E0] =	vst v8  }
0x7a: {  	v1 =	vadd.s32 $0x2C000, v1;
	[tilespmem:s31+$0x16C0] =	vst v5  }
0x7b: {  	s0 =	sadd.s32 $0x1600, s31;
	s11 =	sadd.s32 $0x2600, s31;
	[tilespmem:s31+$0x16B0] =	vst v1  }
0x7c: {  	[tilespmem:s11], [sflag:$0x5] =	stream.indirect.gather [hbm4b:s1+s29], $0x1, s0, s29, $0xb8;
	[tilespmem:$0x3280] =	vst v63  }
0x7d: {  	s25 =	sadd.s32 $0x1680, s31;
	s31 =	sadd.s32 $0x2680, s31  }
0x7e: {  	[tilespmem:s31], [sflag:$0x5] =	stream.indirect.gather [hbm4b:s1+s29], $0x1, s25, s29, $0xb8;
	[tilespmem:$0x3280] =	vst v63  }
0x7f: {  	v1 =	vmov s12;
	v0 =	vld [tilespmem:s29+$0x0]  }
0x80: {  	v1 =	vshrl.u32 v1, $0x7  }
0x81: {  	v1 =	vshll.u32 v1, $0x12  }
0x82: {  	v1 =	vbroadcast v1, $0x0;
	_ =	sdelay $0x1  }
0x83: {  	s30 =	simm.s32 $0x0;
	v1 =	vadd.s32 v1, v0  }
0x84: {  	[tilespmem:s30+$0x1A00] =	vst v1;
	v0 =	vadd.s32 $0x8000, v1;
	v4 =	vadd.s32 $0xC000, v1;
	v6 =	vadd.s32 $0x3C000, v1  }
0x85: {  	v5 =	vadd.s32 $0x4000, v1;
	v3 =	vadd.s32 $0x24000, v1;
	v8 =	vadd.s32 $0x34000, v1;
	[tilespmem:s30+$0x1A20] =	vst v0  }
0x86: {  	v2 =	vadd.s32 $0x10000, v1;
	v7 =	vadd.s32 $0x14000, v1;
	v9 =	vadd.s32 $0x18000, v1;
	[tilespmem:s30+$0x1AF0] =	vst v6  }
0x87: {  	s0 =	simm.s32 $0x400;
	s11 =	smov.u32 s12;
	[tilespmem:s30+$0x1A30] =	vst v4;
	v0 =	vadd.s32 $0x1C000, v1;
	v4 =	vadd.s32 $0x20000, v1;
	v6 =	vadd.s32 $0x28000, v1  }
.LBB2_6:
0x88: {  	p0 =	sne.s32 s0, $0xC00;
	v10 =	vadd.s32 $0x2C000, v1;
	v11 =	vadd.s32 $0x30000, v1;
	[tilespmem:s30+$0x1AD0] =	vst v8;
	v1 =	vadd.s32 $0x38000, v1;
	s29 =	sadd.s32 $0x10, s29;
	s11 =	sadd.s32 $0x10, s11  }
0x89: {  	s14 =	smov.u32 s0;
	s0 =	sadd.s32 $0x400, s0;
	[tilespmem:s30+$0x1A60] =	vst v9  }
0x8a: {  	[tilespmem:s30+$0x1A10] =	vst v5  }
0x8b: {  	[tilespmem:s30+$0x1AE0] =	vst v1  }
0x8c: {  	[tilespmem:s30+$0x1A50] =	vst v7  }
0x8d: {  	[tilespmem:s30+$0x1A90] =	vst v3  }
0x8e: {  	[tilespmem:s30+$0x1AC0] =	vst v11  }
0x8f: {  	[tilespmem:s30+$0x1AB0] =	vst v10  }
0x90: {  	[tilespmem:s30+$0x1A40] =	vst v2  }
0x91: {  	[tilespmem:s30+$0x1AA0] =	vst v6  }
0x92: {  	s15 =	sadd.s32 $0x1A00, s30;
	s16 =	sadd.s32 $0x2A00, s30;
	[tilespmem:s30+$0x1A80] =	vst v4  }
0x93: {  	s25 =	sadd.s32 $0x1A80, s30;
	[tilespmem:s30+$0x1A70] =	vst v0;
	s30 =	sadd.s32 $0x2A80, s30  }
0x94: {  	[tilespmem:s16], [sflag:$0x6] =	stream.indirect.gather [hbm4b:s1+s18], $0x1, s15, s18, $0xb8;
	[tilespmem:$0x3280] =	vst v63  }
0x95: {  	_ = 	snop  }
0x96: {  	[tilespmem:s30], [sflag:$0x6] =	stream.indirect.gather [hbm4b:s1+s18], $0x1, s25, s18, $0xb8;
	[tilespmem:$0x3280] =	vst v63  }
0x97: {  	v1 =	vmov s11;
	v0 =	vld [tilespmem:s29+$0x0]  }
0x98: {  	v1 =	vshrl.u32 v1, $0x7  }
0x99: {  	v1 =	vshll.u32 v1, $0x12  }
0x9a: {  	v1 =	vbroadcast v1, $0x0;
	_ =	sdelay $0x1  }
.Ltmp2:
0x9b: {  	s30 =	sshra.s32 s14, $0x2;
	v1 =	vadd.s32 v1, v0;
	(pc) =	sbr.rel @p0 .LBB2_6-.Ltmp2, $4  }
0x9c: {  	[tilespmem:s30+$0x1A00] =	vst v1;
	v0 =	vadd.s32 $0x8000, v1;
	v4 =	vadd.s32 $0xC000, v1;
	v6 =	vadd.s32 $0x3C000, v1  }
0x9d: {  	v5 =	vadd.s32 $0x4000, v1;
	v3 =	vadd.s32 $0x24000, v1;
	v8 =	vadd.s32 $0x34000, v1;
	[tilespmem:s30+$0x1A20] =	vst v0  }
0x9e: {  	v2 =	vadd.s32 $0x10000, v1;
	v7 =	vadd.s32 $0x14000, v1;
	v9 =	vadd.s32 $0x18000, v1;
	[tilespmem:s30+$0x1AF0] =	vst v6  }
0x9f: {  	v0 =	vadd.s32 $0x1C000, v1;
	v6 =	vadd.s32 $0x28000, v1;
	[tilespmem:s30+$0x1A30] =	vst v4;
	v4 =	vadd.s32 $0x20000, v1  }
0xa0: {  	[tilespmem:s30+$0x1AD0] =	vst v8  }
0xa1: {  	[tilespmem:s30+$0x1A60] =	vst v9  }
0xa2: {  	[tilespmem:s30+$0x1A10] =	vst v5  }
0xa3: {  	[tilespmem:s30+$0x1A50] =	vst v7  }
0xa4: {  	[tilespmem:s30+$0x1A90] =	vst v3  }
0xa5: {  	[tilespmem:s30+$0x1A40] =	vst v2  }
0xa6: {  	[tilespmem:s30+$0x1AA0] =	vst v6  }
0xa7: {  	[tilespmem:s30+$0x1A80] =	vst v4  }
0xa8: {  	v8 =	vadd.s32 $0x38000, v1;
	[tilespmem:s30+$0x1A70] =	vst v0  }
0xa9: {  	v5 =	vadd.s32 $0x30000, v1;
	[tilespmem:s30+$0x1AE0] =	vst v8  }
0xaa: {  	v1 =	vadd.s32 $0x2C000, v1;
	[tilespmem:s30+$0x1AC0] =	vst v5  }
0xab: {  	s0 =	sadd.s32 $0x1A00, s30;
	s11 =	sadd.s32 $0x2A00, s30;
	[tilespmem:s30+$0x1AB0] =	vst v1  }
0xac: {  	[tilespmem:s11], [sflag:$0x6] =	stream.indirect.gather [hbm4b:s1+s18], $0x1, s0, s18, $0xb8;
	[tilespmem:$0x3280] =	vst v63  }
0xad: {  	s25 =	sadd.s32 $0x1A80, s30;
	s31 =	sadd.s32 $0x2A80, s30;
	s29 =	simm.s32 $0xC0  }
0xae: {  	[tilespmem:s31], [sflag:$0x6] =	stream.indirect.gather [hbm4b:s1+s18], $0x1, s25, s18, $0xb8;
	[tilespmem:$0x3280] =	vst v63  }
0xaf: {  	v1 =	vmov s13;
	v0 =	vld [tilespmem:s29+$0x0]  }
0xb0: {  	v1 =	vshrl.u32 v1, $0x7  }
0xb1: {  	v1 =	vshll.u32 v1, $0x12  }
0xb2: {  	v1 =	vbroadcast v1, $0x0;
	_ =	sdelay $0x1  }
0xb3: {  	s30 =	simm.s32 $0x0;
	v1 =	vadd.s32 v1, v0  }
0xb4: {  	[tilespmem:s30+$0x1E00] =	vst v1;
	v0 =	vadd.s32 $0x8000, v1;
	v4 =	vadd.s32 $0xC000, v1;
	v6 =	vadd.s32 $0x3C000, v1  }
0xb5: {  	v5 =	vadd.s32 $0x4000, v1;
	v3 =	vadd.s32 $0x24000, v1;
	v8 =	vadd.s32 $0x34000, v1;
	[tilespmem:s30+$0x1E20] =	vst v0  }
0xb6: {  	v2 =	vadd.s32 $0x10000, v1;
	v7 =	vadd.s32 $0x14000, v1;
	v9 =	vadd.s32 $0x18000, v1;
	[tilespmem:s30+$0x1EF0] =	vst v6  }
0xb7: {  	s0 =	simm.s32 $0x400;
	s11 =	smov.u32 s13;
	[tilespmem:s30+$0x1E30] =	vst v4;
	v0 =	vadd.s32 $0x1C000, v1;
	v4 =	vadd.s32 $0x20000, v1;
	v6 =	vadd.s32 $0x28000, v1  }
.LBB2_8:
0xb8: {  	p0 =	sne.s32 s0, $0xC00;
	v10 =	vadd.s32 $0x2C000, v1;
	v11 =	vadd.s32 $0x30000, v1;
	[tilespmem:s30+$0x1ED0] =	vst v8;
	v1 =	vadd.s32 $0x38000, v1;
	s29 =	sadd.s32 $0x10, s29;
	s11 =	sadd.s32 $0x10, s11  }
0xb9: {  	s14 =	smov.u32 s0;
	s0 =	sadd.s32 $0x400, s0;
	[tilespmem:s30+$0x1E60] =	vst v9  }
0xba: {  	[tilespmem:s30+$0x1E10] =	vst v5  }
0xbb: {  	[tilespmem:s30+$0x1EE0] =	vst v1  }
0xbc: {  	[tilespmem:s30+$0x1E50] =	vst v7  }
0xbd: {  	[tilespmem:s30+$0x1E90] =	vst v3  }
0xbe: {  	[tilespmem:s30+$0x1EC0] =	vst v11  }
0xbf: {  	[tilespmem:s30+$0x1EB0] =	vst v10  }
0xc0: {  	[tilespmem:s30+$0x1E40] =	vst v2  }
0xc1: {  	[tilespmem:s30+$0x1EA0] =	vst v6  }
0xc2: {  	s15 =	sadd.s32 $0x1E00, s30;
	s16 =	sadd.s32 $0x2E00, s30;
	[tilespmem:s30+$0x1E80] =	vst v4  }
0xc3: {  	s25 =	sadd.s32 $0x1E80, s30;
	[tilespmem:s30+$0x1E70] =	vst v0;
	s30 =	sadd.s32 $0x2E80, s30  }
0xc4: {  	[tilespmem:s16], [sflag:$0x7] =	stream.indirect.gather [hbm4b:s1+s18], $0x1, s15, s18, $0xb8;
	[tilespmem:$0x3280] =	vst v63  }
0xc5: {  	_ = 	snop  }
0xc6: {  	[tilespmem:s30], [sflag:$0x7] =	stream.indirect.gather [hbm4b:s1+s18], $0x1, s25, s18, $0xb8;
	[tilespmem:$0x3280] =	vst v63  }
0xc7: {  	v1 =	vmov s11;
	v0 =	vld [tilespmem:s29+$0x0]  }
0xc8: {  	v1 =	vshrl.u32 v1, $0x7  }
0xc9: {  	v1 =	vshll.u32 v1, $0x12  }
0xca: {  	v1 =	vbroadcast v1, $0x0;
	_ =	sdelay $0x1  }
.Ltmp3:
0xcb: {  	s30 =	sshra.s32 s14, $0x2;
	v1 =	vadd.s32 v1, v0;
	(pc) =	sbr.rel @p0 .LBB2_8-.Ltmp3, $4  }
0xcc: {  	[tilespmem:s30+$0x1E00] =	vst v1;
	v0 =	vadd.s32 $0x8000, v1;
	v4 =	vadd.s32 $0xC000, v1;
	v6 =	vadd.s32 $0x3C000, v1  }
0xcd: {  	v5 =	vadd.s32 $0x4000, v1;
	v3 =	vadd.s32 $0x24000, v1;
	v8 =	vadd.s32 $0x34000, v1;
	[tilespmem:s30+$0x1E20] =	vst v0  }
0xce: {  	v2 =	vadd.s32 $0x10000, v1;
	v7 =	vadd.s32 $0x14000, v1;
	v9 =	vadd.s32 $0x18000, v1;
	[tilespmem:s30+$0x1EF0] =	vst v6  }
0xcf: {  	v0 =	vadd.s32 $0x1C000, v1;
	v6 =	vadd.s32 $0x28000, v1;
	[tilespmem:s30+$0x1E30] =	vst v4;
	v4 =	vadd.s32 $0x20000, v1  }
0xd0: {  	[tilespmem:s30+$0x1ED0] =	vst v8  }
0xd1: {  	[tilespmem:s30+$0x1E60] =	vst v9  }
0xd2: {  	[tilespmem:s30+$0x1E10] =	vst v5  }
0xd3: {  	[tilespmem:s30+$0x1E50] =	vst v7  }
0xd4: {  	[tilespmem:s30+$0x1E90] =	vst v3  }
0xd5: {  	[tilespmem:s30+$0x1E40] =	vst v2  }
0xd6: {  	[tilespmem:s30+$0x1EA0] =	vst v6  }
0xd7: {  	[tilespmem:s30+$0x1E80] =	vst v4  }
0xd8: {  	v8 =	vadd.s32 $0x38000, v1;
	[tilespmem:s30+$0x1E70] =	vst v0  }
0xd9: {  	v5 =	vadd.s32 $0x30000, v1;
	[tilespmem:s30+$0x1EE0] =	vst v8  }
0xda: {  	v1 =	vadd.s32 $0x2C000, v1;
	[tilespmem:s30+$0x1EC0] =	vst v5  }
0xdb: {  	s0 =	sadd.s32 $0x1E00, s30;
	s11 =	sadd.s32 $0x2E00, s30;
	[tilespmem:s30+$0x1EB0] =	vst v1  }
0xdc: {  	[tilespmem:s11], [sflag:$0x7] =	stream.indirect.gather [hbm4b:s1+s18], $0x1, s0, s18, $0xb8;
	[tilespmem:$0x3280] =	vst v63  }
0xdd: {  	s15 =	sadd.s32 $0x1E80, s30;
	s16 =	sadd.s32 $0x2E80, s30  }
0xde: {  	[tilespmem:s16], [sflag:$0x7] =	stream.indirect.gather [hbm4b:s1+s18], $0x1, s15, s18, $0xb8;
	[tilespmem:$0x3280] =	vst v63  }
0xdf: {  	_ =	swait.ge [sflag:s20], $0x1000  }
0xe0: {  	[sflag:s20] =	ssyncset.done $0x0  }
0xe1: {  	[sflag:s20] =	ssyncadd.s32 $0xFFFFF000  }
0xe2: {  	_ =	swait.ge [sflag:s20], $0x100  }
0xe3: {  	[sflag:s20] =	ssyncset.done $0x0  }
0xe4: {  	[sflag:s20] =	ssyncadd.s32 $0xFFFFFF00  }
0xe5: {  	_ =	swait.ge [sflag:s21], $0x80  }
0xe6: {  	[sflag:s21] =	ssyncset.done $0x0  }
0xe7: {  	[sflag:s21] =	ssyncadd.s32 $0xFFFFFF80  }
0xe8: {  	_ =	swait.ge [sflag:s21], $0x80  }
0xe9: {  	[sflag:s21] =	ssyncset.done $0x0  }
0xea: {  	[sflag:s21] =	ssyncadd.s32 $0xFFFFFF80  }
0xeb: {  	_ =	swait.ge [sflag:s21], $0x80  }
0xec: {  	[sflag:s21] =	ssyncset.done $0x0  }
0xed: {  	[sflag:s21] =	ssyncadd.s32 $0xFFFFFF80  }
0xee: {  	_ =	swait.ge [sflag:s21], $0x80  }
0xef: {  	[sflag:s21] =	ssyncset.done $0x0  }
0xf0: {  	[sflag:s21] =	ssyncadd.s32 $0xFFFFFF80  }
0xf1: {  	_ =	swait.ge [sflag:s21], $0x80  }
0xf2: {  	[sflag:s21] =	ssyncset.done $0x0  }
0xf3: {  	[sflag:s21] =	ssyncadd.s32 $0xFFFFFF80  }
0xf4: {  	_ =	swait.ge [sflag:s21], $0x80  }
0xf5: {  	[sflag:s21] =	ssyncset.done $0x0  }
0xf6: {  	[sflag:s21] =	ssyncadd.s32 $0xFFFFFF80  }
0xf7: {  	_ =	swait.ge [sflag:s21], $0x80  }
0xf8: {  	[sflag:s21] =	ssyncset.done $0x0  }
0xf9: {  	[sflag:s21] =	ssyncadd.s32 $0xFFFFFF80  }
0xfa: {  	_ =	swait.ge [sflag:s21], $0x80  }
0xfb: {  	[sflag:s21] =	ssyncset.done $0x0  }
0xfc: {  	s25 =	simm.s32 $0x0;
	s29 =	simm.s32 $0x200;
	[sflag:s21] =	ssyncadd.s32 $0xFFFFFF80  }
0xfd: {  	s0 =	sand.u32 $0xF0, s25;
	v0 =	vld [tilespmem:s29+$0x0]  }
0xfe: {  	v1 =	vld [tilespmem:s0+$0x2200];
	_ =	sdelay $0x3  }
0xff: {  	s31 =	simm.s32 $0x280;
	s30 =	simm.s32 $0x10  }
0x100: {  	s14 =	sand.u32 $0xF0, s30;
	v3 =	vld [tilespmem:s31+$0x0];
	v0 =	vsub.f32 v1, v0  }
0x101: {  	v4 =	vld [tilespmem:s14+$0x2200]  }
0x102: {  	v1 =	vand.u32 $0x7FFFFFFF, v0  }
0x103: {  	v2 =	vld [tilespmem:$0x100];
	v5 =	vmul.f32 $5.000000000e-01, v1;
	_ =	sdelay $0x1  }
0x104: {  	s11 =	simm.s32 $0x300;
	s0 =	simm.s32 $0x20;
	v0 =	vimm.f32 $0.0e+00;
	v6 =	vadd.f32 $-5.000000000e-01, v1;
	v5 =	vmul.f32 v5, v1  }
.LBB2_10:
0x105: {  	s14 =	sand.u32 $0xF0, s0;
	p0 =	sne.s32 s0, $0xF0;
	s0 =	sadd.s32 $0x10, s0;
	v7 =	vsub.f32 v4, v3;
	v3 =	vld [tilespmem:s11+$0x0];
	vm0 =	vlt.f32 v1, $1.000000000e+00  }
.Ltmp4:
0x106: {  	v4 =	vld [tilespmem:s14+$0x2200];
	v5 =	vsel vm0, v5, v6;
	(pc) =	sbr.rel @p0 .LBB2_10-.Ltmp4, $4  }
0x107: {  	v1 =	vand.u32 $0x7FFFFFFF, v7;
	v5 =	vmul.f32 v5, v2  }
0x108: {  	v6 =	vmul.f32 $5.000000000e-01, v1  }
0x109: {  	v0 =	vadd.f32 v5, v0  }
0x10a: {  	s11 =	sadd.s32 $0x80, s11;
	v5 =	vmul.f32 v6, v1;
	v6 =	vadd.f32 $-5.000000000e-01, v1  }
0x10b: {  	s0 =	simm.s32 $0x0;
	s11 =	simm.s32 $0x210;
	v3 =	vsub.f32 v4, v3  }
0x10c: {  	s0 =	sand.u32 $0xF0, s0;
	v7 =	vld [tilespmem:s11+$0x0]  }
0x10d: {  	v4 =	vld [tilespmem:s0+$0x2300];
	v3 =	vand.u32 $0x7FFFFFFF, v3  }
0x10e: {  	vm0 =	vlt.f32 v1, $1.000000000e+00;
	v1 =	vmul.f32 $5.000000000e-01, v3;
	_ =	sdelay $0x1  }
0x10f: {  	v5 =	vsel vm0, v5, v6;
	v6 =	vadd.f32 $-5.000000000e-01, v3;
	v1 =	vmul.f32 v1, v3  }
0x110: {  	v5 =	vmul.f32 v5, v2;
	vm15 =	vlt.f32 v3, $1.000000000e+00  }
0x111: {  	v4 =	vsub.f32 v4, v7;
	v1 =	vsel vm15, v1, v6  }
0x112: {  	s30 =	simm.s32 $0x10;
	s31 =	simm.s32 $0x290;
	v0 =	vadd.f32 v5, v0;
	v5 =	vmul.f32 v1, v2  }
0x113: {  	s14 =	sand.u32 $0xF0, s30;
	v3 =	vand.u32 $0x7FFFFFFF, v4;
	v4 =	vld [tilespmem:s31+$0x0]  }
0x114: {  	v0 =	vadd.f32 v5, v0;
	v5 =	vld [tilespmem:s14+$0x2300];
	_ =	sdelay $0x1  }
0x115: {  	v1 =	vld [tilespmem:$0x110];
	v6 =	vmul.f32 $5.000000000e-01, v3;
	_ =	sdelay $0x1  }
0x116: {  	s11 =	simm.s32 $0x310;
	s0 =	simm.s32 $0x20;
	v7 =	vadd.f32 $-5.000000000e-01, v3;
	v6 =	vmul.f32 v6, v3  }
.LBB2_12:
0x117: {  	s14 =	sand.u32 $0xF0, s0;
	p0 =	sne.s32 s0, $0xF0;
	s0 =	sadd.s32 $0x10, s0;
	v8 =	vsub.f32 v5, v4;
	v4 =	vld [tilespmem:s11+$0x0];
	vm0 =	vlt.f32 v3, $1.000000000e+00  }
.Ltmp5:
0x118: {  	v5 =	vld [tilespmem:s14+$0x2300];
	v6 =	vsel vm0, v6, v7;
	(pc) =	sbr.rel @p0 .LBB2_12-.Ltmp5, $4  }
0x119: {  	v3 =	vand.u32 $0x7FFFFFFF, v8;
	v6 =	vmul.f32 v6, v1  }
0x11a: {  	v7 =	vmul.f32 $5.000000000e-01, v3  }
0x11b: {  	v0 =	vadd.f32 v6, v0  }
0x11c: {  	s11 =	sadd.s32 $0x80, s11;
	v6 =	vmul.f32 v7, v3;
	v7 =	vadd.f32 $-5.000000000e-01, v3  }
0x11d: {  	s0 =	simm.s32 $0x0;
	s11 =	simm.s32 $0x220;
	v4 =	vsub.f32 v5, v4  }
0x11e: {  	s0 =	sand.u32 $0xF0, s0;
	v5 =	vld [tilespmem:s11+$0x0]  }
0x11f: {  	v8 =	vld [tilespmem:s0+$0x2400];
	v4 =	vand.u32 $0x7FFFFFFF, v4  }
0x120: {  	v9 =	vmul.f32 $5.000000000e-01, v4  }
0x121: {  	vm0 =	vlt.f32 v3, $1.000000000e+00  }
0x122: {  	v3 =	vsel vm0, v6, v7;
	v7 =	vadd.f32 $-5.000000000e-01, v4;
	v6 =	vmul.f32 v9, v4  }
0x123: {  	v3 =	vmul.f32 v3, v1;
	vm15 =	vlt.f32 v4, $1.000000000e+00  }
0x124: {  	v4 =	vsub.f32 v8, v5;
	v5 =	vsel vm15, v6, v7  }
0x125: {  	s30 =	simm.s32 $0x10;
	s31 =	simm.s32 $0x2A0;
	v3 =	vadd.f32 v3, v0;
	v5 =	vmul.f32 v5, v1  }
0x126: {  	s14 =	sand.u32 $0xF0, s30;
	v6 =	vld [tilespmem:s31+$0x0]  }
0x127: {  	v3 =	vadd.f32 v5, v3;
	v5 =	vadd.f32 $0.0e+00, v2;
	v2 =	vld [tilespmem:s14+$0x2400]  }
0x128: {  	v4 =	vand.u32 $0x7FFFFFFF, v4  }
0x129: {  	v0 =	vld [tilespmem:$0x120];
	v7 =	vmul.f32 $5.000000000e-01, v4;
	_ =	sdelay $0x1  }
0x12a: {  	s11 =	simm.s32 $0x320;
	s0 =	simm.s32 $0x20;
	v8 =	vadd.f32 $-5.000000000e-01, v4;
	v7 =	vmul.f32 v7, v4  }
.LBB2_14:
0x12b: {  	s14 =	sand.u32 $0xF0, s0;
	p0 =	sne.s32 s0, $0xF0;
	s0 =	sadd.s32 $0x10, s0;
	v9 =	vsub.f32 v2, v6;
	v6 =	vld [tilespmem:s11+$0x0];
	vm0 =	vlt.f32 v4, $1.000000000e+00  }
.Ltmp6:
0x12c: {  	v2 =	vld [tilespmem:s14+$0x2400];
	v7 =	vsel vm0, v7, v8;
	(pc) =	sbr.rel @p0 .LBB2_14-.Ltmp6, $4  }
0x12d: {  	v4 =	vand.u32 $0x7FFFFFFF, v9;
	v7 =	vmul.f32 v7, v0  }
0x12e: {  	v8 =	vmul.f32 $5.000000000e-01, v4  }
0x12f: {  	v3 =	vadd.f32 v7, v3  }
0x130: {  	s11 =	sadd.s32 $0x80, s11;
	v7 =	vmul.f32 v8, v4;
	v8 =	vadd.f32 $-5.000000000e-01, v4  }
0x131: {  	s0 =	simm.s32 $0x0;
	s11 =	simm.s32 $0x230  }
0x132: {  	v2 =	vsub.f32 v2, v6;
	s0 =	sand.u32 $0xF0, s0;
	v6 =	vld [tilespmem:s11+$0x0]  }
0x133: {  	v9 =	vld [tilespmem:s0+$0x2500];
	_ =	sdelay $0x2  }
0x134: {  	vm0 =	vlt.f32 v4, $1.000000000e+00;
	v2 =	vand.u32 $0x7FFFFFFF, v2  }
0x135: {  	s30 =	simm.s32 $0x10;
	v4 =	vsel vm0, v7, v8;
	v10 =	vmul.f32 $5.000000000e-01, v2  }
0x136: {  	s14 =	sand.u32 $0xF0, s30;
	v4 =	vmul.f32 v4, v0;
	v6 =	vsub.f32 v9, v6  }
0x137: {  	s31 =	simm.s32 $0x2B0;
	v1 =	vadd.f32 v1, v5;
	v5 =	vld [tilespmem:s14+$0x2500];
	v8 =	vadd.f32 $-5.000000000e-01, v2;
	v7 =	vmul.f32 v10, v2  }
0x138: {  	vm15 =	vlt.f32 v2, $1.000000000e+00;
	v3 =	vadd.f32 v4, v3;
	v4 =	vand.u32 $0x7FFFFFFF, v6;
	v6 =	vld [tilespmem:s31+$0x0]  }
0x139: {  	v2 =	vsel vm15, v7, v8  }
0x13a: {  	v7 =	vmul.f32 v2, v0;
	v2 =	vld [tilespmem:$0x130];
	v8 =	vmul.f32 $5.000000000e-01, v4;
	_ =	sdelay $0x1  }
0x13b: {  	s11 =	simm.s32 $0x330;
	s0 =	simm.s32 $0x20;
	v3 =	vadd.f32 v7, v3;
	v7 =	vmul.f32 v8, v4;
	v8 =	vadd.f32 $-5.000000000e-01, v4  }
.LBB2_16:
0x13c: {  	s14 =	sand.u32 $0xF0, s0;
	p0 =	sne.s32 s0, $0xF0;
	s0 =	sadd.s32 $0x10, s0;
	v9 =	vsub.f32 v5, v6;
	v6 =	vld [tilespmem:s11+$0x0];
	vm0 =	vlt.f32 v4, $1.000000000e+00  }
.Ltmp7:
0x13d: {  	v5 =	vld [tilespmem:s14+$0x2500];
	v7 =	vsel vm0, v7, v8;
	(pc) =	sbr.rel @p0 .LBB2_16-.Ltmp7, $4  }
0x13e: {  	v4 =	vand.u32 $0x7FFFFFFF, v9;
	v7 =	vmul.f32 v7, v2  }
0x13f: {  	v8 =	vmul.f32 $5.000000000e-01, v4  }
0x140: {  	v3 =	vadd.f32 v7, v3  }
0x141: {  	s11 =	sadd.s32 $0x80, s11;
	v7 =	vmul.f32 v8, v4;
	v8 =	vadd.f32 $-5.000000000e-01, v4  }
0x142: {  	_ =	swait.ge [sflag:s22], $0x80  }
0x143: {  	[sflag:s22] =	ssyncset.done $0x0  }
0x144: {  	[sflag:s22] =	ssyncadd.s32 $0xFFFFFF80  }
0x145: {  	_ =	swait.ge [sflag:s22], $0x80  }
0x146: {  	[sflag:s22] =	ssyncset.done $0x0  }
0x147: {  	[sflag:s22] =	ssyncadd.s32 $0xFFFFFF80  }
0x148: {  	_ =	swait.ge [sflag:s22], $0x80  }
0x149: {  	[sflag:s22] =	ssyncset.done $0x0  }
0x14a: {  	[sflag:s22] =	ssyncadd.s32 $0xFFFFFF80  }
0x14b: {  	_ =	swait.ge [sflag:s22], $0x80  }
0x14c: {  	[sflag:s22] =	ssyncset.done $0x0  }
0x14d: {  	[sflag:s22] =	ssyncadd.s32 $0xFFFFFF80  }
0x14e: {  	_ =	swait.ge [sflag:s22], $0x80  }
0x14f: {  	[sflag:s22] =	ssyncset.done $0x0  }
0x150: {  	[sflag:s22] =	ssyncadd.s32 $0xFFFFFF80  }
0x151: {  	_ =	swait.ge [sflag:s22], $0x80  }
0x152: {  	[sflag:s22] =	ssyncset.done $0x0  }
0x153: {  	[sflag:s22] =	ssyncadd.s32 $0xFFFFFF80  }
0x154: {  	_ =	swait.ge [sflag:s22], $0x80  }
0x155: {  	[sflag:s22] =	ssyncset.done $0x0  }
0x156: {  	[sflag:s22] =	ssyncadd.s32 $0xFFFFFF80  }
0x157: {  	_ =	swait.ge [sflag:s22], $0x80  }
0x158: {  	[sflag:s22] =	ssyncset.done $0x0  }
0x159: {  	s0 =	simm.s32 $0x0;
	s11 =	simm.s32 $0x240;
	v5 =	vsub.f32 v5, v6;
	[sflag:s22] =	ssyncadd.s32 $0xFFFFFF80  }
0x15a: {  	s0 =	sand.u32 $0xF0, s0;
	v6 =	vld [tilespmem:s11+$0x0]  }
0x15b: {  	v5 =	vand.u32 $0x7FFFFFFF, v5;
	v9 =	vld [tilespmem:s0+$0x2600]  }
0x15c: {  	v10 =	vmul.f32 $5.000000000e-01, v5  }
0x15d: {  	vm0 =	vlt.f32 v4, $1.000000000e+00  }
0x15e: {  	v4 =	vsel vm0, v7, v8;
	v8 =	vadd.f32 $-5.000000000e-01, v5;
	v7 =	vmul.f32 v10, v5  }
0x15f: {  	v4 =	vmul.f32 v4, v2;
	vm15 =	vlt.f32 v5, $1.000000000e+00  }
0x160: {  	v5 =	vsel vm15, v7, v8;
	v6 =	vsub.f32 v9, v6  }
0x161: {  	v3 =	vadd.f32 v4, v3;
	v5 =	vmul.f32 v5, v2  }
0x162: {  	s30 =	simm.s32 $0x10;
	s31 =	simm.s32 $0x2C0;
	v4 =	vand.u32 $0x7FFFFFFF, v6;
	v6 =	vadd.f32 v0, v1  }
0x163: {  	s14 =	sand.u32 $0xF0, s30;
	v0 =	vadd.f32 v5, v3;
	v5 =	vld [tilespmem:s31+$0x0]  }
0x164: {  	v3 =	vadd.f32 v2, v6;
	v2 =	vld [tilespmem:s14+$0x2600];
	_ =	sdelay $0x1  }
0x165: {  	v1 =	vld [tilespmem:$0x140];
	v7 =	vmul.f32 $5.000000000e-01, v4;
	_ =	sdelay $0x1  }
0x166: {  	s0 =	simm.s32 $0x20;
	s11 =	simm.s32 $0x340;
	v6 =	vmul.f32 v7, v4;
	v7 =	vadd.f32 $-5.000000000e-01, v4  }
.LBB2_18:
0x167: {  	s14 =	sand.u32 $0xF0, s0;
	p0 =	sne.s32 s0, $0xF0;
	s0 =	sadd.s32 $0x10, s0;
	v8 =	vsub.f32 v2, v5;
	v5 =	vld [tilespmem:s11+$0x0];
	vm0 =	vlt.f32 v4, $1.000000000e+00  }
.Ltmp8:
0x168: {  	v2 =	vld [tilespmem:s14+$0x2600];
	v6 =	vsel vm0, v6, v7;
	(pc) =	sbr.rel @p0 .LBB2_18-.Ltmp8, $4  }
0x169: {  	v4 =	vand.u32 $0x7FFFFFFF, v8;
	v6 =	vmul.f32 v6, v1  }
0x16a: {  	v7 =	vmul.f32 $5.000000000e-01, v4  }
0x16b: {  	v0 =	vadd.f32 v6, v0  }
0x16c: {  	s11 =	sadd.s32 $0x80, s11;
	v6 =	vmul.f32 v7, v4;
	v7 =	vadd.f32 $-5.000000000e-01, v4  }
0x16d: {  	s0 =	simm.s32 $0x0;
	s11 =	simm.s32 $0x250;
	v2 =	vsub.f32 v2, v5  }
0x16e: {  	s0 =	sand.u32 $0xF0, s0;
	v8 =	vld [tilespmem:s11+$0x0]  }
0x16f: {  	v5 =	vld [tilespmem:s0+$0x2700];
	v2 =	vand.u32 $0x7FFFFFFF, v2  }
0x170: {  	vm0 =	vlt.f32 v4, $1.000000000e+00;
	v4 =	vmul.f32 $5.000000000e-01, v2;
	_ =	sdelay $0x1  }
0x171: {  	v6 =	vsel vm0, v6, v7;
	v7 =	vadd.f32 $-5.000000000e-01, v2;
	v4 =	vmul.f32 v4, v2  }
0x172: {  	v6 =	vmul.f32 v6, v1;
	vm15 =	vlt.f32 v2, $1.000000000e+00  }
0x173: {  	v5 =	vsub.f32 v5, v8;
	v2 =	vsel vm15, v4, v7  }
0x174: {  	s30 =	simm.s32 $0x10;
	s31 =	simm.s32 $0x2D0;
	v0 =	vadd.f32 v6, v0;
	v6 =	vmul.f32 v2, v1  }
0x175: {  	s14 =	sand.u32 $0xF0, s30;
	v4 =	vand.u32 $0x7FFFFFFF, v5;
	v5 =	vld [tilespmem:s31+$0x0]  }
0x176: {  	v0 =	vadd.f32 v6, v0;
	v6 =	vld [tilespmem:s14+$0x2700];
	_ =	sdelay $0x1  }
0x177: {  	v2 =	vld [tilespmem:$0x150];
	v7 =	vmul.f32 $5.000000000e-01, v4;
	_ =	sdelay $0x1  }
0x178: {  	s11 =	simm.s32 $0x350;
	s0 =	simm.s32 $0x20;
	v8 =	vadd.f32 $-5.000000000e-01, v4;
	v7 =	vmul.f32 v7, v4  }
.LBB2_20:
0x179: {  	s14 =	sand.u32 $0xF0, s0;
	p0 =	sne.s32 s0, $0xF0;
	s0 =	sadd.s32 $0x10, s0;
	v9 =	vsub.f32 v6, v5;
	v5 =	vld [tilespmem:s11+$0x0];
	vm0 =	vlt.f32 v4, $1.000000000e+00  }
.Ltmp9:
0x17a: {  	v6 =	vld [tilespmem:s14+$0x2700];
	v7 =	vsel vm0, v7, v8;
	(pc) =	sbr.rel @p0 .LBB2_20-.Ltmp9, $4  }
0x17b: {  	v4 =	vand.u32 $0x7FFFFFFF, v9;
	v7 =	vmul.f32 v7, v2  }
0x17c: {  	v8 =	vmul.f32 $5.000000000e-01, v4  }
0x17d: {  	v0 =	vadd.f32 v7, v0  }
0x17e: {  	s11 =	sadd.s32 $0x80, s11;
	v7 =	vmul.f32 v8, v4;
	v8 =	vadd.f32 $-5.000000000e-01, v4  }
0x17f: {  	s0 =	simm.s32 $0x0;
	s11 =	simm.s32 $0x260  }
0x180: {  	v5 =	vsub.f32 v6, v5;
	s0 =	sand.u32 $0xF0, s0;
	v6 =	vld [tilespmem:s11+$0x0]  }
0x181: {  	v9 =	vld [tilespmem:s0+$0x2800]  }
0x182: {  	v5 =	vand.u32 $0x7FFFFFFF, v5  }
0x183: {  	v10 =	vmul.f32 $5.000000000e-01, v5  }
0x184: {  	vm0 =	vlt.f32 v4, $1.000000000e+00  }
0x185: {  	s30 =	simm.s32 $0x10;
	v4 =	vsel vm0, v7, v8;
	v8 =	vadd.f32 $-5.000000000e-01, v5;
	v7 =	vmul.f32 v10, v5  }
0x186: {  	s14 =	sand.u32 $0xF0, s30;
	vm15 =	vlt.f32 v5, $1.000000000e+00;
	v6 =	vsub.f32 v9, v6  }
0x187: {  	s31 =	simm.s32 $0x2E0;
	v1 =	vadd.f32 v1, v3;
	v3 =	vld [tilespmem:s14+$0x2800];
	v5 =	vsel vm15, v7, v8  }
0x188: {  	v4 =	vmul.f32 v4, v2;
	v7 =	vmul.f32 v5, v2;
	v5 =	vand.u32 $0x7FFFFFFF, v6;
	v6 =	vld [tilespmem:s31+$0x0];
	_ =	sdelay $0x1  }
0x189: {  	v4 =	vadd.f32 v4, v0;
	v0 =	vld [tilespmem:$0x160];
	v8 =	vmul.f32 $5.000000000e-01, v5;
	_ =	sdelay $0x1  }
0x18a: {  	s11 =	simm.s32 $0x360;
	s0 =	simm.s32 $0x20;
	v4 =	vadd.f32 v7, v4;
	v7 =	vmul.f32 v8, v5;
	v8 =	vadd.f32 $-5.000000000e-01, v5  }
.LBB2_22:
0x18b: {  	s14 =	sand.u32 $0xF0, s0;
	p0 =	sne.s32 s0, $0xF0;
	s0 =	sadd.s32 $0x10, s0;
	v9 =	vsub.f32 v3, v6;
	v6 =	vld [tilespmem:s11+$0x0];
	vm0 =	vlt.f32 v5, $1.000000000e+00  }
.Ltmp10:
0x18c: {  	v3 =	vld [tilespmem:s14+$0x2800];
	v7 =	vsel vm0, v7, v8;
	(pc) =	sbr.rel @p0 .LBB2_22-.Ltmp10, $4  }
0x18d: {  	v5 =	vand.u32 $0x7FFFFFFF, v9;
	v7 =	vmul.f32 v7, v0  }
0x18e: {  	v8 =	vmul.f32 $5.000000000e-01, v5  }
0x18f: {  	v4 =	vadd.f32 v7, v4  }
0x190: {  	s11 =	sadd.s32 $0x80, s11;
	v7 =	vmul.f32 v8, v5;
	v8 =	vadd.f32 $-5.000000000e-01, v5  }
0x191: {  	s0 =	simm.s32 $0x0;
	s11 =	simm.s32 $0x270  }
0x192: {  	v3 =	vsub.f32 v3, v6;
	s0 =	sand.u32 $0xF0, s0;
	v6 =	vld [tilespmem:s11+$0x0]  }
0x193: {  	v9 =	vld [tilespmem:s0+$0x2900];
	_ =	sdelay $0x2  }
0x194: {  	vm0 =	vlt.f32 v5, $1.000000000e+00;
	v3 =	vand.u32 $0x7FFFFFFF, v3  }
0x195: {  	s30 =	simm.s32 $0x10;
	v5 =	vsel vm0, v7, v8;
	v10 =	vmul.f32 $5.000000000e-01, v3  }
0x196: {  	s14 =	sand.u32 $0xF0, s30;
	v5 =	vmul.f32 v5, v0;
	v6 =	vsub.f32 v9, v6  }
0x197: {  	s31 =	simm.s32 $0x2F0;
	v1 =	vadd.f32 v2, v1;
	v2 =	vld [tilespmem:s14+$0x2900];
	v8 =	vadd.f32 $-5.000000000e-01, v3;
	v7 =	vmul.f32 v10, v3  }
0x198: {  	vm15 =	vlt.f32 v3, $1.000000000e+00;
	v4 =	vadd.f32 v5, v4;
	v5 =	vand.u32 $0x7FFFFFFF, v6;
	v6 =	vld [tilespmem:s31+$0x0]  }
0x199: {  	v3 =	vsel vm15, v7, v8  }
0x19a: {  	v7 =	vmul.f32 v3, v0;
	v3 =	vld [tilespmem:$0x170];
	v8 =	vmul.f32 $5.000000000e-01, v5;
	_ =	sdelay $0x1  }
0x19b: {  	s11 =	simm.s32 $0x370;
	s0 =	simm.s32 $0x20;
	v4 =	vadd.f32 v7, v4;
	v7 =	vmul.f32 v8, v5;
	v8 =	vadd.f32 $-5.000000000e-01, v5  }
.LBB2_24:
0x19c: {  	s14 =	sand.u32 $0xF0, s0;
	p0 =	sne.s32 s0, $0xF0;
	s0 =	sadd.s32 $0x10, s0;
	v9 =	vsub.f32 v2, v6;
	v6 =	vld [tilespmem:s11+$0x0];
	vm0 =	vlt.f32 v5, $1.000000000e+00  }
.Ltmp11:
0x19d: {  	v2 =	vld [tilespmem:s14+$0x2900];
	v7 =	vsel vm0, v7, v8;
	(pc) =	sbr.rel @p0 .LBB2_24-.Ltmp11, $4  }
0x19e: {  	v5 =	vand.u32 $0x7FFFFFFF, v9;
	v7 =	vmul.f32 v7, v3  }
0x19f: {  	v8 =	vmul.f32 $5.000000000e-01, v5  }
0x1a0: {  	v4 =	vadd.f32 v7, v4  }
0x1a1: {  	s11 =	sadd.s32 $0x80, s11;
	v7 =	vmul.f32 v8, v5;
	v8 =	vadd.f32 $-5.000000000e-01, v5  }
0x1a2: {  	_ =	swait.ge [sflag:s23], $0x80  }
0x1a3: {  	[sflag:s23] =	ssyncset.done $0x0  }
0x1a4: {  	[sflag:s23] =	ssyncadd.s32 $0xFFFFFF80  }
0x1a5: {  	_ =	swait.ge [sflag:s23], $0x80  }
0x1a6: {  	[sflag:s23] =	ssyncset.done $0x0  }
0x1a7: {  	[sflag:s23] =	ssyncadd.s32 $0xFFFFFF80  }
0x1a8: {  	_ =	swait.ge [sflag:s23], $0x80  }
0x1a9: {  	[sflag:s23] =	ssyncset.done $0x0  }
0x1aa: {  	[sflag:s23] =	ssyncadd.s32 $0xFFFFFF80  }
0x1ab: {  	_ =	swait.ge [sflag:s23], $0x80  }
0x1ac: {  	[sflag:s23] =	ssyncset.done $0x0  }
0x1ad: {  	[sflag:s23] =	ssyncadd.s32 $0xFFFFFF80  }
0x1ae: {  	_ =	swait.ge [sflag:s23], $0x80  }
0x1af: {  	[sflag:s23] =	ssyncset.done $0x0  }
0x1b0: {  	[sflag:s23] =	ssyncadd.s32 $0xFFFFFF80  }
0x1b1: {  	_ =	swait.ge [sflag:s23], $0x80  }
0x1b2: {  	[sflag:s23] =	ssyncset.done $0x0  }
0x1b3: {  	[sflag:s23] =	ssyncadd.s32 $0xFFFFFF80  }
0x1b4: {  	_ =	swait.ge [sflag:s23], $0x80  }
0x1b5: {  	[sflag:s23] =	ssyncset.done $0x0  }
0x1b6: {  	[sflag:s23] =	ssyncadd.s32 $0xFFFFFF80  }
0x1b7: {  	_ =	swait.ge [sflag:s23], $0x80  }
0x1b8: {  	v2 =	vsub.f32 v2, v6;
	[sflag:s23] =	ssyncset.done $0x0  }
0x1b9: {  	s0 =	simm.s32 $0x0;
	s11 =	simm.s32 $0xA00;
	[sflag:s23] =	ssyncadd.s32 $0xFFFFFF80  }
0x1ba: {  	s0 =	sand.u32 $0xF0, s0;
	v2 =	vand.u32 $0x7FFFFFFF, v2;
	v6 =	vld [tilespmem:s11+$0x0]  }
0x1bb: {  	v10 =	vmul.f32 $5.000000000e-01, v2;
	v9 =	vld [tilespmem:s0+$0x2A00]  }
0x1bc: {  	vm0 =	vlt.f32 v5, $1.000000000e+00  }
0x1bd: {  	v5 =	vsel vm0, v7, v8;
	v8 =	vadd.f32 $-5.000000000e-01, v2;
	v7 =	vmul.f32 v10, v2  }
0x1be: {  	v5 =	vmul.f32 v5, v3;
	vm15 =	vlt.f32 v2, $1.000000000e+00  }
0x1bf: {  	v2 =	vsel vm15, v7, v8  }
0x1c0: {  	v4 =	vadd.f32 v5, v4;
	v5 =	vmul.f32 v2, v3;
	v6 =	vsub.f32 v9, v6  }
0x1c1: {  	s30 =	simm.s32 $0x10;
	s31 =	simm.s32 $0xA80  }
0x1c2: {  	s14 =	sand.u32 $0xF0, s30;
	v2 =	vand.u32 $0x7FFFFFFF, v6;
	v6 =	vadd.f32 v0, v1;
	v0 =	vadd.f32 v5, v4;
	v4 =	vld [tilespmem:s31+$0x0]  }
0x1c3: {  	v5 =	vld [tilespmem:s14+$0x2A00];
	_ =	sdelay $0x1  }
0x1c4: {  	v1 =	vld [tilespmem:$0x180];
	v7 =	vmul.f32 $5.000000000e-01, v2;
	_ =	sdelay $0x1  }
0x1c5: {  	s0 =	simm.s32 $0x20;
	s11 =	simm.s32 $0xB00;
	v3 =	vadd.f32 v3, v6;
	v6 =	vmul.f32 v7, v2;
	v7 =	vadd.f32 $-5.000000000e-01, v2  }
.LBB2_26:
0x1c6: {  	s14 =	sand.u32 $0xF0, s0;
	p0 =	sne.s32 s0, $0xF0;
	s0 =	sadd.s32 $0x10, s0;
	v8 =	vsub.f32 v5, v4;
	v4 =	vld [tilespmem:s11+$0x0];
	vm0 =	vlt.f32 v2, $1.000000000e+00  }
.Ltmp12:
0x1c7: {  	v5 =	vld [tilespmem:s14+$0x2A00];
	v6 =	vsel vm0, v6, v7;
	(pc) =	sbr.rel @p0 .LBB2_26-.Ltmp12, $4  }
0x1c8: {  	v2 =	vand.u32 $0x7FFFFFFF, v8;
	v6 =	vmul.f32 v6, v1  }
0x1c9: {  	v7 =	vmul.f32 $5.000000000e-01, v2  }
0x1ca: {  	v0 =	vadd.f32 v6, v0  }
0x1cb: {  	s11 =	sadd.s32 $0x80, s11;
	v6 =	vmul.f32 v7, v2;
	v7 =	vadd.f32 $-5.000000000e-01, v2  }
0x1cc: {  	s0 =	simm.s32 $0x0;
	s11 =	simm.s32 $0xA10;
	v4 =	vsub.f32 v5, v4  }
0x1cd: {  	s0 =	sand.u32 $0xF0, s0;
	v8 =	vld [tilespmem:s11+$0x0]  }
0x1ce: {  	v5 =	vld [tilespmem:s0+$0x2B00];
	v4 =	vand.u32 $0x7FFFFFFF, v4  }
0x1cf: {  	vm0 =	vlt.f32 v2, $1.000000000e+00;
	v2 =	vmul.f32 $5.000000000e-01, v4;
	_ =	sdelay $0x1  }
0x1d0: {  	v6 =	vsel vm0, v6, v7;
	v7 =	vadd.f32 $-5.000000000e-01, v4;
	v2 =	vmul.f32 v2, v4  }
0x1d1: {  	v6 =	vmul.f32 v6, v1;
	vm15 =	vlt.f32 v4, $1.000000000e+00  }
0x1d2: {  	v5 =	vsub.f32 v5, v8;
	v2 =	vsel vm15, v2, v7  }
0x1d3: {  	s30 =	simm.s32 $0x10;
	s31 =	simm.s32 $0xA90;
	v0 =	vadd.f32 v6, v0;
	v6 =	vmul.f32 v2, v1  }
0x1d4: {  	s14 =	sand.u32 $0xF0, s30;
	v4 =	vand.u32 $0x7FFFFFFF, v5;
	v5 =	vld [tilespmem:s31+$0x0]  }
0x1d5: {  	v0 =	vadd.f32 v6, v0;
	v6 =	vld [tilespmem:s14+$0x2B00];
	_ =	sdelay $0x1  }
0x1d6: {  	v2 =	vld [tilespmem:$0x190];
	v7 =	vmul.f32 $5.000000000e-01, v4;
	_ =	sdelay $0x1  }
0x1d7: {  	s11 =	simm.s32 $0xB10;
	s0 =	simm.s32 $0x20;
	v8 =	vadd.f32 $-5.000000000e-01, v4;
	v7 =	vmul.f32 v7, v4  }
.LBB2_28:
0x1d8: {  	s14 =	sand.u32 $0xF0, s0;
	p0 =	sne.s32 s0, $0xF0;
	s0 =	sadd.s32 $0x10, s0;
	v9 =	vsub.f32 v6, v5;
	v5 =	vld [tilespmem:s11+$0x0];
	vm0 =	vlt.f32 v4, $1.000000000e+00  }
.Ltmp13:
0x1d9: {  	v6 =	vld [tilespmem:s14+$0x2B00];
	v7 =	vsel vm0, v7, v8;
	(pc) =	sbr.rel @p0 .LBB2_28-.Ltmp13, $4  }
0x1da: {  	v4 =	vand.u32 $0x7FFFFFFF, v9;
	v7 =	vmul.f32 v7, v2  }
0x1db: {  	v8 =	vmul.f32 $5.000000000e-01, v4  }
0x1dc: {  	v0 =	vadd.f32 v7, v0  }
0x1dd: {  	s11 =	sadd.s32 $0x80, s11;
	v7 =	vmul.f32 v8, v4;
	v8 =	vadd.f32 $-5.000000000e-01, v4  }
0x1de: {  	v5 =	vsub.f32 v6, v5;
	_ =	sdelay $0x1  }
0x1df: {  	s0 =	simm.s32 $0x0;
	s11 =	simm.s32 $0xA20;
	v5 =	vand.u32 $0x7FFFFFFF, v5  }
0x1e0: {  	s0 =	sand.u32 $0xF0, s0;
	v6 =	vld [tilespmem:s11+$0x0];
	v10 =	vmul.f32 $5.000000000e-01, v5  }
0x1e1: {  	vm0 =	vlt.f32 v4, $1.000000000e+00;
	v9 =	vld [tilespmem:s0+$0x2C00]  }
0x1e2: {  	v4 =	vsel vm0, v7, v8;
	v8 =	vadd.f32 $-5.000000000e-01, v5;
	v7 =	vmul.f32 v10, v5  }
0x1e3: {  	v4 =	vmul.f32 v4, v2;
	vm15 =	vlt.f32 v5, $1.000000000e+00  }
0x1e4: {  	v5 =	vsel vm15, v7, v8  }
0x1e5: {  	s30 =	simm.s32 $0x10;
	s31 =	simm.s32 $0xAA0;
	v4 =	vadd.f32 v4, v0;
	v5 =	vmul.f32 v5, v2  }
0x1e6: {  	s14 =	sand.u32 $0xF0, s30;
	v6 =	vsub.f32 v9, v6;
	v7 =	vld [tilespmem:s31+$0x0]  }
0x1e7: {  	v4 =	vadd.f32 v5, v4;
	v5 =	vadd.f32 v1, v3;
	v1 =	vld [tilespmem:s14+$0x2C00]  }
0x1e8: {  	v6 =	vand.u32 $0x7FFFFFFF, v6  }
0x1e9: {  	v0 =	vld [tilespmem:$0x1A0];
	v8 =	vmul.f32 $5.000000000e-01, v6;
	_ =	sdelay $0x1  }
0x1ea: {  	s11 =	simm.s32 $0xB20;
	s0 =	simm.s32 $0x20;
	v3 =	vmul.f32 v8, v6;
	v8 =	vadd.f32 $-5.000000000e-01, v6  }
.LBB2_30:
0x1eb: {  	s14 =	sand.u32 $0xF0, s0;
	p0 =	sne.s32 s0, $0xF0;
	s0 =	sadd.s32 $0x10, s0;
	v9 =	vsub.f32 v1, v7;
	v7 =	vld [tilespmem:s11+$0x0];
	vm0 =	vlt.f32 v6, $1.000000000e+00  }
.Ltmp14:
0x1ec: {  	v1 =	vld [tilespmem:s14+$0x2C00];
	v3 =	vsel vm0, v3, v8;
	(pc) =	sbr.rel @p0 .LBB2_30-.Ltmp14, $4  }
0x1ed: {  	v6 =	vand.u32 $0x7FFFFFFF, v9;
	v3 =	vmul.f32 v3, v0  }
0x1ee: {  	v8 =	vmul.f32 $5.000000000e-01, v6  }
0x1ef: {  	v4 =	vadd.f32 v3, v4  }
0x1f0: {  	s11 =	sadd.s32 $0x80, s11;
	v3 =	vmul.f32 v8, v6;
	v8 =	vadd.f32 $-5.000000000e-01, v6  }
0x1f1: {  	v1 =	vsub.f32 v1, v7;
	_ =	sdelay $0x1  }
0x1f2: {  	s0 =	simm.s32 $0x0;
	s11 =	simm.s32 $0xA30;
	v1 =	vand.u32 $0x7FFFFFFF, v1  }
0x1f3: {  	s0 =	sand.u32 $0xF0, s0;
	v7 =	vld [tilespmem:s11+$0x0];
	v10 =	vmul.f32 $5.000000000e-01, v1  }
0x1f4: {  	vm0 =	vlt.f32 v6, $1.000000000e+00;
	v9 =	vld [tilespmem:s0+$0x2D00]  }
0x1f5: {  	v3 =	vsel vm0, v3, v8;
	v8 =	vadd.f32 $-5.000000000e-01, v1;
	v6 =	vmul.f32 v10, v1  }
0x1f6: {  	v3 =	vmul.f32 v3, v0;
	vm15 =	vlt.f32 v1, $1.000000000e+00  }
0x1f7: {  	s30 =	simm.s32 $0x10;
	v1 =	vsel vm15, v6, v8  }
0x1f8: {  	s14 =	sand.u32 $0xF0, s30;
	v3 =	vadd.f32 v3, v4;
	v6 =	vmul.f32 v1, v0  }
0x1f9: {  	s31 =	simm.s32 $0xAB0;
	v2 =	vadd.f32 v2, v5;
	v5 =	vld [tilespmem:s14+$0x2D00];
	v7 =	vsub.f32 v9, v7  }
0x1fa: {  	v3 =	vadd.f32 v6, v3;
	v6 =	vld [tilespmem:s31+$0x0]  }
0x1fb: {  	v4 =	vand.u32 $0x7FFFFFFF, v7  }
0x1fc: {  	v1 =	vld [tilespmem:$0x1B0];
	v7 =	vmul.f32 $5.000000000e-01, v4;
	_ =	sdelay $0x1  }
0x1fd: {  	s11 =	simm.s32 $0xB30;
	s0 =	simm.s32 $0x20;
	v8 =	vadd.f32 $-5.000000000e-01, v4;
	v7 =	vmul.f32 v7, v4  }
.LBB2_32:
0x1fe: {  	s14 =	sand.u32 $0xF0, s0;
	p0 =	sne.s32 s0, $0xF0;
	s0 =	sadd.s32 $0x10, s0;
	v9 =	vsub.f32 v5, v6;
	v6 =	vld [tilespmem:s11+$0x0];
	vm0 =	vlt.f32 v4, $1.000000000e+00  }
.Ltmp15:
0x1ff: {  	v5 =	vld [tilespmem:s14+$0x2D00];
	v7 =	vsel vm0, v7, v8;
	(pc) =	sbr.rel @p0 .LBB2_32-.Ltmp15, $4  }
0x200: {  	v4 =	vand.u32 $0x7FFFFFFF, v9;
	v7 =	vmul.f32 v7, v1  }
0x201: {  	v8 =	vmul.f32 $5.000000000e-01, v4  }
0x202: {  	v3 =	vadd.f32 v7, v3  }
0x203: {  	s11 =	sadd.s32 $0x80, s11;
	v7 =	vmul.f32 v8, v4;
	v8 =	vadd.f32 $-5.000000000e-01, v4  }
0x204: {  	_ =	swait.ge [sflag:s24], $0x80  }
0x205: {  	[sflag:s24] =	ssyncset.done $0x0  }
0x206: {  	[sflag:s24] =	ssyncadd.s32 $0xFFFFFF80  }
0x207: {  	_ =	swait.ge [sflag:s24], $0x80  }
0x208: {  	[sflag:s24] =	ssyncset.done $0x0  }
0x209: {  	[sflag:s24] =	ssyncadd.s32 $0xFFFFFF80  }
0x20a: {  	_ =	swait.ge [sflag:s24], $0x80  }
0x20b: {  	[sflag:s24] =	ssyncset.done $0x0  }
0x20c: {  	[sflag:s24] =	ssyncadd.s32 $0xFFFFFF80  }
0x20d: {  	_ =	swait.ge [sflag:s24], $0x80  }
0x20e: {  	[sflag:s24] =	ssyncset.done $0x0  }
0x20f: {  	[sflag:s24] =	ssyncadd.s32 $0xFFFFFF80  }
0x210: {  	_ =	swait.ge [sflag:s24], $0x80  }
0x211: {  	[sflag:s24] =	ssyncset.done $0x0  }
0x212: {  	[sflag:s24] =	ssyncadd.s32 $0xFFFFFF80  }
0x213: {  	_ =	swait.ge [sflag:s24], $0x80  }
0x214: {  	[sflag:s24] =	ssyncset.done $0x0  }
0x215: {  	[sflag:s24] =	ssyncadd.s32 $0xFFFFFF80  }
0x216: {  	_ =	swait.ge [sflag:s24], $0x80  }
0x217: {  	[sflag:s24] =	ssyncset.done $0x0  }
0x218: {  	v5 =	vsub.f32 v5, v6;
	[sflag:s24] =	ssyncadd.s32 $0xFFFFFF80  }
0x219: {  	_ =	swait.ge [sflag:s24], $0x80  }
0x21a: {  	v5 =	vand.u32 $0x7FFFFFFF, v5;
	[sflag:s24] =	ssyncset.done $0x0  }
0x21b: {  	s0 =	simm.s32 $0x0;
	s11 =	simm.s32 $0xA40;
	v10 =	vmul.f32 $5.000000000e-01, v5;
	[sflag:s24] =	ssyncadd.s32 $0xFFFFFF80  }
0x21c: {  	vm0 =	vlt.f32 v4, $1.000000000e+00;
	s0 =	sand.u32 $0xF0, s0;
	v6 =	vld [tilespmem:s11+$0x0]  }
0x21d: {  	v4 =	vsel vm0, v7, v8;
	v8 =	vadd.f32 $-5.000000000e-01, v5;
	v7 =	vmul.f32 v10, v5;
	v9 =	vld [tilespmem:s0+$0x2E00]  }
0x21e: {  	v4 =	vmul.f32 v4, v1;
	vm15 =	vlt.f32 v5, $1.000000000e+00  }
0x21f: {  	v5 =	vsel vm15, v7, v8  }
0x220: {  	v3 =	vadd.f32 v4, v3;
	v5 =	vmul.f32 v5, v1  }
0x221: {  	v2 =	vadd.f32 v0, v2;
	s30 =	simm.s32 $0x10;
	s31 =	simm.s32 $0xAC0  }
0x222: {  	s14 =	sand.u32 $0xF0, s30;
	v3 =	vadd.f32 v5, v3;
	v5 =	vld [tilespmem:s31+$0x0];
	v6 =	vsub.f32 v9, v6  }
0x223: {  	v2 =	vadd.f32 v1, v2;
	v1 =	vld [tilespmem:s14+$0x2E00]  }
0x224: {  	v4 =	vand.u32 $0x7FFFFFFF, v6  }
0x225: {  	v0 =	vld [tilespmem:$0x1C0];
	v6 =	vmul.f32 $5.000000000e-01, v4;
	_ =	sdelay $0x1  }
0x226: {  	s0 =	simm.s32 $0x20;
	s11 =	simm.s32 $0xB40;
	v7 =	vadd.f32 $-5.000000000e-01, v4;
	v6 =	vmul.f32 v6, v4  }
.LBB2_34:
0x227: {  	s14 =	sand.u32 $0xF0, s0;
	p0 =	sne.s32 s0, $0xF0;
	s0 =	sadd.s32 $0x10, s0;
	v8 =	vsub.f32 v1, v5;
	v5 =	vld [tilespmem:s11+$0x0];
	vm0 =	vlt.f32 v4, $1.000000000e+00  }
.Ltmp16:
0x228: {  	v1 =	vld [tilespmem:s14+$0x2E00];
	v6 =	vsel vm0, v6, v7;
	(pc) =	sbr.rel @p0 .LBB2_34-.Ltmp16, $4  }
0x229: {  	v4 =	vand.u32 $0x7FFFFFFF, v8;
	v6 =	vmul.f32 v6, v0  }
0x22a: {  	v7 =	vmul.f32 $5.000000000e-01, v4  }
0x22b: {  	v3 =	vadd.f32 v6, v3  }
0x22c: {  	s11 =	sadd.s32 $0x80, s11;
	v6 =	vmul.f32 v7, v4;
	v7 =	vadd.f32 $-5.000000000e-01, v4  }
0x22d: {  	s0 =	simm.s32 $0x0;
	s11 =	simm.s32 $0xA50;
	v1 =	vsub.f32 v1, v5  }
0x22e: {  	s0 =	sand.u32 $0xF0, s0;
	v8 =	vld [tilespmem:s11+$0x0]  }
0x22f: {  	v5 =	vld [tilespmem:s0+$0x2F00];
	v1 =	vand.u32 $0x7FFFFFFF, v1  }
0x230: {  	vm0 =	vlt.f32 v4, $1.000000000e+00;
	v4 =	vmul.f32 $5.000000000e-01, v1;
	_ =	sdelay $0x1  }
0x231: {  	v6 =	vsel vm0, v6, v7;
	v7 =	vadd.f32 $-5.000000000e-01, v1;
	v4 =	vmul.f32 v4, v1  }
0x232: {  	v6 =	vmul.f32 v6, v0;
	vm15 =	vlt.f32 v1, $1.000000000e+00  }
0x233: {  	v5 =	vsub.f32 v5, v8;
	v1 =	vsel vm15, v4, v7  }
0x234: {  	s30 =	simm.s32 $0x10;
	s31 =	simm.s32 $0xAD0;
	v3 =	vadd.f32 v6, v3;
	v6 =	vmul.f32 v1, v0  }
0x235: {  	s14 =	sand.u32 $0xF0, s30;
	v4 =	vand.u32 $0x7FFFFFFF, v5;
	v5 =	vld [tilespmem:s31+$0x0]  }
0x236: {  	v3 =	vadd.f32 v6, v3;
	v6 =	vld [tilespmem:s14+$0x2F00];
	_ =	sdelay $0x1  }
0x237: {  	v1 =	vld [tilespmem:$0x1D0];
	v7 =	vmul.f32 $5.000000000e-01, v4;
	_ =	sdelay $0x1  }
0x238: {  	s11 =	simm.s32 $0xB50;
	s0 =	simm.s32 $0x20;
	v8 =	vadd.f32 $-5.000000000e-01, v4;
	v7 =	vmul.f32 v7, v4  }
.LBB2_36:
0x239: {  	s14 =	sand.u32 $0xF0, s0;
	p0 =	sne.s32 s0, $0xF0;
	s0 =	sadd.s32 $0x10, s0;
	v9 =	vsub.f32 v6, v5;
	v5 =	vld [tilespmem:s11+$0x0];
	vm0 =	vlt.f32 v4, $1.000000000e+00  }
.Ltmp17:
0x23a: {  	v6 =	vld [tilespmem:s14+$0x2F00];
	v7 =	vsel vm0, v7, v8;
	(pc) =	sbr.rel @p0 .LBB2_36-.Ltmp17, $4  }
0x23b: {  	v4 =	vand.u32 $0x7FFFFFFF, v9;
	v7 =	vmul.f32 v7, v1  }
0x23c: {  	v8 =	vmul.f32 $5.000000000e-01, v4  }
0x23d: {  	v3 =	vadd.f32 v7, v3  }
0x23e: {  	s11 =	sadd.s32 $0x80, s11;
	v7 =	vmul.f32 v8, v4;
	v8 =	vadd.f32 $-5.000000000e-01, v4  }
0x23f: {  	s0 =	simm.s32 $0x0;
	s11 =	simm.s32 $0xA60  }
0x240: {  	v5 =	vsub.f32 v6, v5;
	s0 =	sand.u32 $0xF0, s0;
	v6 =	vld [tilespmem:s11+$0x0]  }
0x241: {  	v9 =	vld [tilespmem:s0+$0x3000]  }
0x242: {  	v5 =	vand.u32 $0x7FFFFFFF, v5  }
0x243: {  	v10 =	vmul.f32 $5.000000000e-01, v5  }
0x244: {  	vm0 =	vlt.f32 v4, $1.000000000e+00  }
0x245: {  	s30 =	simm.s32 $0x10;
	v4 =	vsel vm0, v7, v8;
	v8 =	vadd.f32 $-5.000000000e-01, v5;
	v7 =	vmul.f32 v10, v5  }
0x246: {  	s14 =	sand.u32 $0xF0, s30;
	vm15 =	vlt.f32 v5, $1.000000000e+00;
	v6 =	vsub.f32 v9, v6  }
0x247: {  	s31 =	simm.s32 $0xAE0;
	v0 =	vadd.f32 v0, v2;
	v2 =	vld [tilespmem:s14+$0x3000];
	v5 =	vsel vm15, v7, v8  }
0x248: {  	v4 =	vmul.f32 v4, v1;
	v7 =	vmul.f32 v5, v1;
	v5 =	vand.u32 $0x7FFFFFFF, v6;
	v6 =	vld [tilespmem:s31+$0x0];
	_ =	sdelay $0x1  }
0x249: {  	v4 =	vadd.f32 v4, v3;
	v3 =	vld [tilespmem:$0x1E0];
	v8 =	vmul.f32 $5.000000000e-01, v5;
	_ =	sdelay $0x1  }
0x24a: {  	s11 =	simm.s32 $0xB60;
	s0 =	simm.s32 $0x20;
	v4 =	vadd.f32 v7, v4;
	v7 =	vmul.f32 v8, v5;
	v8 =	vadd.f32 $-5.000000000e-01, v5  }
.LBB2_38:
0x24b: {  	s14 =	sand.u32 $0xF0, s0;
	p0 =	sne.s32 s0, $0xF0;
	s0 =	sadd.s32 $0x10, s0;
	v9 =	vsub.f32 v2, v6;
	v6 =	vld [tilespmem:s11+$0x0];
	vm0 =	vlt.f32 v5, $1.000000000e+00  }
.Ltmp18:
0x24c: {  	v2 =	vld [tilespmem:s14+$0x3000];
	v7 =	vsel vm0, v7, v8;
	(pc) =	sbr.rel @p0 .LBB2_38-.Ltmp18, $4  }
0x24d: {  	v5 =	vand.u32 $0x7FFFFFFF, v9;
	v7 =	vmul.f32 v7, v3  }
0x24e: {  	v8 =	vmul.f32 $5.000000000e-01, v5  }
0x24f: {  	v4 =	vadd.f32 v7, v4  }
0x250: {  	s11 =	sadd.s32 $0x80, s11;
	v7 =	vmul.f32 v8, v5;
	v8 =	vadd.f32 $-5.000000000e-01, v5  }
0x251: {  	s0 =	simm.s32 $0x0;
	s11 =	simm.s32 $0xA70  }
0x252: {  	v2 =	vsub.f32 v2, v6;
	s0 =	sand.u32 $0xF0, s0;
	v6 =	vld [tilespmem:s11+$0x0]  }
0x253: {  	v9 =	vld [tilespmem:s0+$0x3100];
	_ =	sdelay $0x2  }
0x254: {  	vm0 =	vlt.f32 v5, $1.000000000e+00;
	v2 =	vand.u32 $0x7FFFFFFF, v2  }
0x255: {  	s30 =	simm.s32 $0x10;
	v5 =	vsel vm0, v7, v8;
	v10 =	vmul.f32 $5.000000000e-01, v2  }
0x256: {  	s14 =	sand.u32 $0xF0, s30;
	v5 =	vmul.f32 v5, v3;
	v6 =	vsub.f32 v9, v6  }
0x257: {  	s31 =	simm.s32 $0xAF0;
	v0 =	vadd.f32 v1, v0;
	v1 =	vld [tilespmem:s14+$0x3100];
	v8 =	vadd.f32 $-5.000000000e-01, v2;
	v7 =	vmul.f32 v10, v2  }
0x258: {  	vm15 =	vlt.f32 v2, $1.000000000e+00;
	v4 =	vadd.f32 v5, v4;
	v5 =	vand.u32 $0x7FFFFFFF, v6;
	v6 =	vld [tilespmem:s31+$0x0]  }
0x259: {  	v2 =	vsel vm15, v7, v8  }
0x25a: {  	v7 =	vmul.f32 v2, v3;
	v2 =	vld [tilespmem:$0x1F0];
	v8 =	vmul.f32 $5.000000000e-01, v5;
	_ =	sdelay $0x1  }
0x25b: {  	s11 =	simm.s32 $0xB70;
	s0 =	simm.s32 $0x20;
	v4 =	vadd.f32 v7, v4;
	v7 =	vmul.f32 v8, v5;
	v8 =	vadd.f32 $-5.000000000e-01, v5  }
.LBB2_40:
0x25c: {  	s14 =	sand.u32 $0xF0, s0;
	p0 =	sne.s32 s0, $0xF0;
	s0 =	sadd.s32 $0x10, s0;
	v9 =	vsub.f32 v1, v6;
	v6 =	vld [tilespmem:s11+$0x0];
	vm0 =	vlt.f32 v5, $1.000000000e+00  }
.Ltmp19:
0x25d: {  	v1 =	vld [tilespmem:s14+$0x3100];
	v7 =	vsel vm0, v7, v8;
	(pc) =	sbr.rel @p0 .LBB2_40-.Ltmp19, $4  }
0x25e: {  	v5 =	vand.u32 $0x7FFFFFFF, v9;
	v7 =	vmul.f32 v7, v2  }
0x25f: {  	v8 =	vmul.f32 $5.000000000e-01, v5  }
0x260: {  	v4 =	vadd.f32 v7, v4  }
0x261: {  	s11 =	sadd.s32 $0x80, s11;
	v7 =	vmul.f32 v8, v5;
	v8 =	vadd.f32 $-5.000000000e-01, v5  }
0x262: {  	v1 =	vsub.f32 v1, v6;
	_ =	sdelay $0x1  }
0x263: {  	v1 =	vand.u32 $0x7FFFFFFF, v1  }
0x264: {  	v62 =	vmul.f32 $5.000000000e-01, v1  }
0x265: {  	vm0 =	vlt.f32 v5, $1.000000000e+00  }
0x266: {  	v5 =	vsel vm0, v7, v8;
	v63 =	vadd.f32 $-5.000000000e-01, v1;
	v6 =	vmul.f32 v62, v1  }
0x267: {  	v5 =	vmul.f32 v5, v2;
	vm15 =	vlt.f32 v1, $1.000000000e+00  }
0x268: {  	v0 =	vadd.f32 v3, v0;
	v1 =	vsel vm15, v6, v63  }
0x269: {  	v4 =	vadd.f32 v5, v4;
	v1 =	vmul.f32 v1, v2  }
0x26a: {  	v0 =	vadd.f32 v2, v0  }
0x26b: {  	s28 =	sadd.s32 $0x1, s28;
	v1 =	vadd.f32 v1, v4  }
0x26c: {  	p0 =	sne.s32 s28, s10;
	[tilespmem:$0x3210] =	vst v0  }
.Ltmp20:
0x26d: {  	s0 =	simm.s32 $0x3200;
	[tilespmem:$0x3200] =	vst v1;
	(pc) =	sbr.rel @p0 .LBB2_1-.Ltmp20, $4  }
0x26e: {  	[hbm4b:s8+s3] =	stream.linear.scatter [tilespmem:s0], [sflag:$0x8], $0x80, $0x38;
	[tilespmem:$0x3280] =	vst v63  }
0x26f: {  	_ =	swait.ge [sflag:s26], $0x80  }
0x270: {  	[sflag:s26] =	ssyncset.done $0x0  }
0x271: {  	[sflag:s26] =	ssyncadd.s32 $0xFFFFFF80  }
0x272: {  	_ =	sfence.sel $0x180000  }
0x273: {  	[bflag:$0x0] =	sbarrier.arrive $0xFFFF  }
0x274: {  	_ =	strace $0x90000047  }
0x275: {  	s0 =	stileid.u32;
	[bflag:$0x2] =	sbarrier.arrive $0xFFFF  }
0x276: {  	p0 =	sne.s32 s0, $0x0;
	s0 =	rddreg [dreg:$0x5]  }
0x277: {  	s0 =	sadd.s32 @!p0 $0x100000, s0  }
0x278: {  	[sflag:s0] =	ssyncadd.tile.s32 @!p0 $0x1;
	_ =	shalt  }
.Lfunc_end2:
_tile_overlayer_lowered:
.L_overlay_start_2:
0x279: {  	(tag) =	ssettag $0x2  }
0x27a: {  	s0 =	rddreg [dreg:$0x0];
	s2 =	stileid.u32  }
0x27b: {  	s1 =	rddreg [dreg:$0x1];
	p0 =	sne.s32 s2, $0x0  }
0x27c: {  	s3 =	rddreg [dreg:$0x2];
	[bflag:$0x3] =	sbarrier.arrive $0xFFFF;
	s2 =	simm.s32 @!p0 $0x1C08  }
0x27d: {  	[timem:s3], [sflag:s2] =	dma.local @!p0 [hbm:s0], s1  }
0x27e: {  	s0 =	simm.s32 @!p0 $0x8  }
0x27f: {  	_ =	swait.ge @!p0 [sflag:s0], s1  }
0x280: {  	s1 =	ssub.s32 @!p0 $0x0, s1;
	[sflag:s0] =	ssyncset.done @!p0 $0x0  }
0x281: {  	[sflag:s0] =	ssyncadd.s32 @!p0 s1  }
0x282: {  	[bflag:$0x3] =	sbarrier.arrive $0xFFFF  }
0x283: {  	_ =	shalt  }

</sc_bundles>
